<compile_context>
chip_gen: v7x
topology: tpu7x:2x2x1
jax: 0.10.2.dev20260603
libtpu: 0.0.44.dev20260713+nightly
codegen_flags: <defaults>
</compile_context>

<pallas_src>
import jax
import jax.numpy as jnp
from jax import lax
from jax.experimental import pallas as pl
from jax.experimental.pallas import tpu as pltpu
from jax.experimental.pallas import tpu_sc as plsc

NUM_EMBEDDINGS = 1024
EMBEDDING_DIM = 256

_NC = 2
_NS = 16
_NW = _NC * _NS
_L = 16

_PIX_BLOCK = 4096


def _argmin_body(z_ref, w_ref, idx_ref):
    zb = z_ref[...]
    w = w_ref[...]
    m = lax.dot_general(zb, w, (((1,), (1,)), ((), ())),
                        preferred_element_type=jnp.float32)
    zsq = jnp.sum(zb * zb, axis=1, keepdims=True)
    wsq = jnp.sum(w * w, axis=1)[None, :]
    dist = (zsq - 2.0 * m) + wsq
    mn = jnp.min(dist, axis=1, keepdims=True)
    k_iota = lax.broadcasted_iota(jnp.int32, dist.shape, 1)
    cand = jnp.where(dist == mn, k_iota, NUM_EMBEDDINGS)
    idx_ref[0, 0, :] = jnp.min(cand, axis=1)


def _tc_argmin(z_flat, w):
    n_pix = z_flat.shape[0]
    grid = n_pix // _PIX_BLOCK
    out = pl.pallas_call(
        _argmin_body,
        grid=(grid,),
        in_specs=[
            pl.BlockSpec((_PIX_BLOCK, EMBEDDING_DIM), lambda i: (i, 0)),
            pl.BlockSpec((NUM_EMBEDDINGS, EMBEDDING_DIM), lambda i: (0, 0)),
        ],
        out_specs=pl.BlockSpec((1, 1, _PIX_BLOCK), lambda i: (i, 0, 0)),
        out_shape=jax.ShapeDtypeStruct((grid, 1, _PIX_BLOCK), jnp.int32),
    )(z_flat, w)
    return out.reshape(-1)


_CHUNK = 64
_NCHUNK = 4


def _sc_body(w_hbm, idx_hbm, z_hbm, q_hbm, loss_hbm,
             idx_v, rows_v, z_v, part_v, gsem, zsem):
    wid = lax.axis_index("s") * _NC + lax.axis_index("c")
    rows_per_w = 8192 // _NW
    base = wid * rows_per_w

    def start(c, buf):
        row0 = base + c * _CHUNK
        pltpu.sync_copy(idx_hbm.at[pl.ds(row0, _CHUNK)], idx_v.at[buf])
        pltpu.async_copy(w_hbm.at[idx_v.at[buf]], rows_v.at[buf], gsem)
        pltpu.async_copy(z_hbm.at[pl.ds(row0, _CHUNK)], z_v.at[buf], zsem)

    acc0 = jnp.zeros((_L,), jnp.float32)
    start(0, 0)
    for c in range(_NCHUNK):
        buf = c % 2
        pltpu.make_async_copy(w_hbm.at[idx_v.at[buf]], rows_v.at[buf],
                              gsem).wait()
        pltpu.make_async_copy(z_hbm.at[pl.ds(0, _CHUNK)], z_v.at[buf],
                              zsem).wait()
        if c + 1 < _NCHUNK:
            start(c + 1, 1 - buf)

        def body(r, acc):
            for l in range(EMBEDDING_DIM // _L):
                sl = pl.ds(l * _L, _L)
                d = rows_v[buf, r, sl] - z_v[buf, r, sl]
                rows_v[buf, r, sl] = z_v[buf, r, sl] + d
                acc = acc + d * d
            return acc

        acc0 = lax.fori_loop(0, _CHUNK, body, acc0)
        pltpu.sync_copy(rows_v.at[buf], q_hbm.at[pl.ds(base + c * _CHUNK, _CHUNK)])

    part_v[0, :] = acc0
    pltpu.sync_copy(part_v, loss_hbm.at[pl.ds(wid, 1)])


def _sc_gather_loss(w, idx_flat, z_nat):
    mesh = plsc.VectorSubcoreMesh(core_axis_name="c", subcore_axis_name="s")
    kfn = pl.kernel(
        _sc_body,
        out_type=(
            jax.ShapeDtypeStruct((8192, EMBEDDING_DIM), jnp.float32),
            jax.ShapeDtypeStruct((_NW, _L), jnp.float32),
        ),
        mesh=mesh,
        scratch_types=[
            pltpu.VMEM((2, _CHUNK), jnp.int32),
            pltpu.VMEM((2, _CHUNK, EMBEDDING_DIM), jnp.float32),
            pltpu.VMEM((2, _CHUNK, EMBEDDING_DIM), jnp.float32),
            pltpu.VMEM((1, _L), jnp.float32),
            pltpu.SemaphoreType.DMA,
            pltpu.SemaphoreType.DMA,
        ],
    )
    return kfn(w, idx_flat, z_nat)


def kernel(z, W):
    B, C, H, Wd = z.shape
    n = B * C * H * Wd
    z_flat = jnp.transpose(z, (0, 2, 3, 1)).reshape(-1, C)
    idx_flat = _tc_argmin(z_flat, W)
    z_nat = z.reshape(-1, C)
    q_flat, partials = _sc_gather_loss(W, idx_flat, z_nat)
    quantized_st = q_flat.reshape(z.shape)
    m = jnp.sum(partials) / n
    loss = 0.25 * m + m
    indices = idx_flat.reshape(B, H, Wd)
    return (quantized_st, indices, loss)

# --- scband reference (transcript-rebuilt; emitter-appended) ---
"""Pipeline reference for scband-vector-quantizer-34084860461508 (READ-ONLY COPY).

The authoritative reference and input builder live on the scoring server;
editing this copy changes nothing except your own understanding.
"""

import jax, jax.numpy as jnp
import numpy as np

NUM_EMBEDDINGS = 1024
EMBEDDING_DIM = 256
COMMITMENT_COST = 0.25

def setup_inputs(seed: int = 0) -> dict:
    key = jax.random.key(seed)
    k1, k2 = jax.random.split(key)
    z = jax.random.normal(k1, (8, EMBEDDING_DIM, 32, 32), dtype=jnp.float32)
    # embedding.weight.data.uniform_(-1/num_embeddings, 1/num_embeddings)
    W = jax.random.uniform(k2, (NUM_EMBEDDINGS, EMBEDDING_DIM), dtype=jnp.float32,
                           minval=-1.0 / NUM_EMBEDDINGS, maxval=1.0 / NUM_EMBEDDINGS)
    return {"z": z, "W": W}

def reference(z, W):
    B, C, H, Wd = z.shape
    # z.permute(0, 2, 3, 1).contiguous().view(-1, embedding_dim)
    z_flat = jnp.transpose(z, (0, 2, 3, 1)).reshape(-1, C)
    # squared L2 distances to every codebook entry
    distances = (jnp.sum(z_flat ** 2, axis=1, keepdims=True)
                 - 2.0 * jnp.matmul(z_flat, W.T)
                 + jnp.sum(W ** 2, axis=1))
    encoding_indices = jnp.argmin(distances, axis=1)
    # one-hot @ W == row gather from codebook
    quantized_flat = jnp.take(W, encoding_indices, axis=0)
    # NOTE: original torch code does .view(z.shape) directly on BHWC-ordered flat
    # tensor (no permute back) -- replicate faithfully with a plain reshape.
    quantized = quantized_flat.reshape(z.shape)
    commitment_loss = COMMITMENT_COST * jnp.mean((jax.lax.stop_gradient(quantized) - z) ** 2)
    embedding_loss = jnp.mean((quantized - jax.lax.stop_gradient(z)) ** 2)
    loss = commitment_loss + embedding_loss
    # straight-through estimator
    quantized_st = z + jax.lax.stop_gradient(quantized - z)
    return (quantized_st, encoding_indices.reshape(B, H, Wd), loss)

if __name__ == "__main__":
    import jax
    _d = setup_inputs()
    print(jax.jit(kernel)(*tuple(_d.values())))

</pallas_src>

<mosaic_0001>
#map = affine_map<(d0, d1) -> (0, 0)>
#map1 = affine_map<(d0, d1) -> (0)>
module attributes {stable_mosaic.version = 14 : i64} {
  func.func @_sc_body(%arg0: i32, %arg1: i32, %arg2: memref<1024x256xf32, #tpu.memory_space<hbm>>, %arg3: memref<8192xi32, #tpu.memory_space<hbm>>, %arg4: memref<8192x256xf32, #tpu.memory_space<hbm>>, %arg5: memref<8192x256xf32, #tpu.memory_space<hbm>>, %arg6: memref<32x16xf32, #tpu.memory_space<hbm>>, %arg7: memref<2x64xi32, #tpu.memory_space<vmem>>, %arg8: memref<2x64x256xf32, #tpu.memory_space<vmem>>, %arg9: memref<2x64x256xf32, #tpu.memory_space<vmem>>, %arg10: memref<1x16xf32, #tpu.memory_space<vmem>>, %arg11: memref<!tpu.dma_semaphore, #tpu.memory_space<semaphore_mem>>, %arg12: memref<!tpu.dma_semaphore, #tpu.memory_space<semaphore_mem>>) attributes {dimension_semantics = [#tpu.dimension_semantics<core_parallel>, #tpu.dimension_semantics<subcore_parallel>], iteration_bounds = array<i64: 2, 16>, scalar_prefetch = 0 : i64, scratch_operands = 6 : i64, tpu.core_type = #tpu.core_type<sc_vector_subcore>, window_params = [{transform_indices = #map}, {transform_indices = #map1}, {transform_indices = #map}, {transform_indices = #map}, {transform_indices = #map}]} {
    %mul3A = arith.constant 2 : i32
    %mul3A_0 = arith.muli %arg1, %mul3A : i32
    %add3A = arith.addi %mul3A_0, %arg0 : i32
    %mul3A_1 = arith.constant 256 : i32
    %mul3A_2 = arith.muli %add3A, %mul3A_1 : i32
    %broadcast_in_dim3A = arith.constant 0.000000e+00 : f32
    %broadcast_in_dim3A_3 = vector.broadcast %broadcast_in_dim3A : f32 to vector<16xf32>
    %add3A_4 = arith.constant 0 : i32
    %add3A_5 = arith.addi %mul3A_2, %add3A_4 : i32
    %run_scoped3A = arith.constant 0 : i32
    "tpu.region"() ({
      %run_scoped3A_261 = tpu.sem_alloc : memref<!tpu.dma_semaphore, #tpu.memory_space<semaphore_mem>>
      %dma_start3A_262 = arith.constant 0 : i32
      %dma_start3A_263 = tpu.memref_slice %arg7[%run_scoped3A, %dma_start3A_262] : memref<2x64xi32, #tpu.memory_space<vmem>> -> memref<1x64xi32, #tpu.memory_space<vmem>>
      %dma_start3A_264 = tpu.memref_squeeze %dma_start3A_263 : memref<1x64xi32, #tpu.memory_space<vmem>> -> memref<64xi32, #tpu.memory_space<vmem>>
      %dma_start3A_265 = tpu.memref_slice %arg3[%add3A_5] : memref<8192xi32, #tpu.memory_space<hbm>> -> memref<64xi32, #tpu.memory_space<hbm>>
      %dma_start3A_266 = arith.constant 0 : i32
      %dma_start3A_267 = tpu.memref_slice %arg7[%run_scoped3A, %dma_start3A_266] : memref<2x64xi32, #tpu.memory_space<vmem>> -> memref<1x64xi32, #tpu.memory_space<vmem>>
      %dma_start3A_268 = tpu.memref_squeeze %dma_start3A_267 : memref<1x64xi32, #tpu.memory_space<vmem>> -> memref<64xi32, #tpu.memory_space<vmem>>
      %dma_start3A_269 = tpu.memref_slice %arg3[%add3A_5] : memref<8192xi32, #tpu.memory_space<hbm>> -> memref<64xi32, #tpu.memory_space<hbm>>
      tpu.enqueue_dma source(%dma_start3A_269 : memref<64xi32, #tpu.memory_space<hbm>>) target(%dma_start3A_268 : memref<64xi32, #tpu.memory_space<vmem>>) target_semaphore(%run_scoped3A_261 : memref<!tpu.dma_semaphore, #tpu.memory_space<semaphore_mem>>)
      %dma_wait3A_270 = arith.constant 0 : i32
      %dma_wait3A_271 = tpu.memref_slice %arg7[%run_scoped3A, %dma_wait3A_270] : memref<2x64xi32, #tpu.memory_space<vmem>> -> memref<1x64xi32, #tpu.memory_space<vmem>>
      %dma_wait3A_272 = tpu.memref_squeeze %dma_wait3A_271 : memref<1x64xi32, #tpu.memory_space<vmem>> -> memref<64xi32, #tpu.memory_space<vmem>>
      %dma_wait3A_273 = tpu.memref_slice %arg3[%add3A_5] : memref<8192xi32, #tpu.memory_space<hbm>> -> memref<64xi32, #tpu.memory_space<hbm>>
      %dma_wait3A_274 = arith.constant 0 : i32
      %dma_wait3A_275 = tpu.memref_slice %arg7[%run_scoped3A, %dma_wait3A_274] : memref<2x64xi32, #tpu.memory_space<vmem>> -> memref<1x64xi32, #tpu.memory_space<vmem>>
      %dma_wait3A_276 = tpu.memref_squeeze %dma_wait3A_275 : memref<1x64xi32, #tpu.memory_space<vmem>> -> memref<64xi32, #tpu.memory_space<vmem>>
      %dma_wait3A_277 = tpu.memref_slice %arg3[%add3A_5] : memref<8192xi32, #tpu.memory_space<hbm>> -> memref<64xi32, #tpu.memory_space<hbm>>
      tpu.wait_dma2 semaphore(%run_scoped3A_261 : memref<!tpu.dma_semaphore, #tpu.memory_space<semaphore_mem>>) src(%dma_wait3A_277 : memref<64xi32, #tpu.memory_space<hbm>>) dst(%dma_wait3A_276 : memref<64xi32, #tpu.memory_space<vmem>>)
      tpu.yield
    }) : () -> ()
    %dma_start3A = arith.constant 0 : i32
    %dma_start3A_6 = arith.constant 0 : i32
    %dma_start3A_7 = arith.constant 0 : i32
    %dma_start3A_8 = arith.constant 0 : i32
    %dma_start3A_9 = tpu.memref_slice %arg8[%dma_start3A_6, %dma_start3A_7, %dma_start3A_8] : memref<2x64x256xf32, #tpu.memory_space<vmem>> -> memref<1x64x256xf32, #tpu.memory_space<vmem>>
    %dma_start3A_10 = tpu.memref_squeeze %dma_start3A_9 : memref<1x64x256xf32, #tpu.memory_space<vmem>> -> memref<64x256xf32, #tpu.memory_space<vmem>>
    %dma_start3A_11 = arith.constant 0 : i32
    %dma_start3A_12 = tpu.memref_slice %arg7[%dma_start3A, %dma_start3A_11] : memref<2x64xi32, #tpu.memory_space<vmem>> -> memref<1x64xi32, #tpu.memory_space<vmem>>
    %dma_start3A_13 = tpu.memref_squeeze %dma_start3A_12 : memref<1x64xi32, #tpu.memory_space<vmem>> -> memref<64xi32, #tpu.memory_space<vmem>>
    %dma_start3A_14 = arith.constant 0 : i32
    %dma_start3A_15 = arith.constant 0 : i32
    %dma_start3A_16 = tpu.memref_slice %arg2[%dma_start3A_14, %dma_start3A_15] : memref<1024x256xf32, #tpu.memory_space<hbm>> -> memref<1024x256xf32, #tpu.memory_space<hbm>>
    tpu.enqueue_indirect_dma source(%dma_start3A_16 : memref<1024x256xf32, #tpu.memory_space<hbm>>) target(%dma_start3A_10 : memref<64x256xf32, #tpu.memory_space<vmem>>) offsets(%dma_start3A_13 : memref<64xi32, #tpu.memory_space<vmem>>) semaphore(%arg11 : memref<!tpu.dma_semaphore, #tpu.memory_space<semaphore_mem>>)
    %dma_start3A_17 = arith.constant 0 : i32
    %dma_start3A_18 = arith.constant 0 : i32
    %dma_start3A_19 = arith.constant 0 : i32
    %dma_start3A_20 = tpu.memref_slice %arg9[%dma_start3A_17, %dma_start3A_18, %dma_start3A_19] : memref<2x64x256xf32, #tpu.memory_space<vmem>> -> memref<1x64x256xf32, #tpu.memory_space<vmem>>
    %dma_start3A_21 = tpu.memref_squeeze %dma_start3A_20 : memref<1x64x256xf32, #tpu.memory_space<vmem>> -> memref<64x256xf32, #tpu.memory_space<vmem>>
    %dma_start3A_22 = arith.constant 0 : i32
    %dma_start3A_23 = tpu.memref_slice %arg4[%add3A_5, %dma_start3A_22] : memref<8192x256xf32, #tpu.memory_space<hbm>> -> memref<64x256xf32, #tpu.memory_space<hbm>>
    %dma_start3A_24 = arith.constant 0 : i32
    %dma_start3A_25 = arith.constant 0 : i32
    %dma_start3A_26 = tpu.memref_slice %arg9[%dma_start3A_17, %dma_start3A_24, %dma_start3A_25] : memref<2x64x256xf32, #tpu.memory_space<vmem>> -> memref<1x64x256xf32, #tpu.memory_space<vmem>>
    %dma_start3A_27 = tpu.memref_squeeze %dma_start3A_26 : memref<1x64x256xf32, #tpu.memory_space<vmem>> -> memref<64x256xf32, #tpu.memory_space<vmem>>
    %dma_start3A_28 = arith.constant 0 : i32
    %dma_start3A_29 = tpu.memref_slice %arg4[%add3A_5, %dma_start3A_28] : memref<8192x256xf32, #tpu.memory_space<hbm>> -> memref<64x256xf32, #tpu.memory_space<hbm>>
    tpu.enqueue_dma source(%dma_start3A_29 : memref<64x256xf32, #tpu.memory_space<hbm>>) target(%dma_start3A_27 : memref<64x256xf32, #tpu.memory_space<vmem>>) target_semaphore(%arg12 : memref<!tpu.dma_semaphore, #tpu.memory_space<semaphore_mem>>)
    %dma_wait3A = arith.constant 0 : i32
    %dma_wait3A_30 = arith.constant 0 : i32
    %dma_wait3A_31 = arith.constant 0 : i32
    %dma_wait3A_32 = arith.constant 0 : i32
    %dma_wait3A_33 = tpu.memref_slice %arg8[%dma_wait3A_30, %dma_wait3A_31, %dma_wait3A_32] : memref<2x64x256xf32, #tpu.memory_space<vmem>> -> memref<1x64x256xf32, #tpu.memory_space<vmem>>
    %dma_wait3A_34 = tpu.memref_squeeze %dma_wait3A_33 : memref<1x64x256xf32, #tpu.memory_space<vmem>> -> memref<64x256xf32, #tpu.memory_space<vmem>>
    %dma_wait3A_35 = arith.constant 0 : i32
    %dma_wait3A_36 = tpu.memref_slice %arg7[%dma_wait3A, %dma_wait3A_35] : memref<2x64xi32, #tpu.memory_space<vmem>> -> memref<1x64xi32, #tpu.memory_space<vmem>>
    %dma_wait3A_37 = tpu.memref_squeeze %dma_wait3A_36 : memref<1x64xi32, #tpu.memory_space<vmem>> -> memref<64xi32, #tpu.memory_space<vmem>>
    %dma_wait3A_38 = arith.constant 0 : i32
    %dma_wait3A_39 = arith.constant 0 : i32
    %dma_wait3A_40 = tpu.memref_slice %arg2[%dma_wait3A_38, %dma_wait3A_39] : memref<1024x256xf32, #tpu.memory_space<hbm>> -> memref<1024x256xf32, #tpu.memory_space<hbm>>
    tpu.wait_indirect_dma semaphore(%arg11 : memref<!tpu.dma_semaphore, #tpu.memory_space<semaphore_mem>>) src(%dma_wait3A_40 : memref<1024x256xf32, #tpu.memory_space<hbm>>) dst(%dma_wait3A_34 : memref<64x256xf32, #tpu.memory_space<vmem>>)
    %dma_wait3A_41 = arith.constant 0 : i32
    %dma_wait3A_42 = arith.constant 0 : i32
    %dma_wait3A_43 = arith.constant 0 : i32
    %dma_wait3A_44 = tpu.memref_slice %arg9[%dma_wait3A_41, %dma_wait3A_42, %dma_wait3A_43] : memref<2x64x256xf32, #tpu.memory_space<vmem>> -> memref<1x64x256xf32, #tpu.memory_space<vmem>>
    %dma_wait3A_45 = tpu.memref_squeeze %dma_wait3A_44 : memref<1x64x256xf32, #tpu.memory_space<vmem>> -> memref<64x256xf32, #tpu.memory_space<vmem>>
    %dma_wait3A_46 = arith.constant 0 : i32
    %dma_wait3A_47 = arith.constant 0 : i32
    %dma_wait3A_48 = tpu.memref_slice %arg4[%dma_wait3A_46, %dma_wait3A_47] : memref<8192x256xf32, #tpu.memory_space<hbm>> -> memref<64x256xf32, #tpu.memory_space<hbm>>
    %dma_wait3A_49 = arith.constant 0 : i32
    %dma_wait3A_50 = arith.constant 0 : i32
    %dma_wait3A_51 = tpu.memref_slice %arg9[%dma_wait3A_41, %dma_wait3A_49, %dma_wait3A_50] : memref<2x64x256xf32, #tpu.memory_space<vmem>> -> memref<1x64x256xf32, #tpu.memory_space<vmem>>
    %dma_wait3A_52 = tpu.memref_squeeze %dma_wait3A_51 : memref<1x64x256xf32, #tpu.memory_space<vmem>> -> memref<64x256xf32, #tpu.memory_space<vmem>>
    %dma_wait3A_53 = arith.constant 0 : i32
    %dma_wait3A_54 = arith.constant 0 : i32
    %dma_wait3A_55 = tpu.memref_slice %arg4[%dma_wait3A_53, %dma_wait3A_54] : memref<8192x256xf32, #tpu.memory_space<hbm>> -> memref<64x256xf32, #tpu.memory_space<hbm>>
    tpu.wait_dma2 semaphore(%arg12 : memref<!tpu.dma_semaphore, #tpu.memory_space<semaphore_mem>>) src(%dma_wait3A_55 : memref<64x256xf32, #tpu.memory_space<hbm>>) dst(%dma_wait3A_52 : memref<64x256xf32, #tpu.memory_space<vmem>>)
    %add3A_56 = arith.constant 64 : i32
    %add3A_57 = arith.addi %mul3A_2, %add3A_56 : i32
    %run_scoped3A_58 = arith.constant 1 : i32
    "tpu.region"() ({
      %run_scoped3A_261 = tpu.sem_alloc : memref<!tpu.dma_semaphore, #tpu.memory_space<semaphore_mem>>
      %dma_start3A_262 = arith.constant 0 : i32
      %dma_start3A_263 = tpu.memref_slice %arg7[%run_scoped3A_58, %dma_start3A_262] : memref<2x64xi32, #tpu.memory_space<vmem>> -> memref<1x64xi32, #tpu.memory_space<vmem>>
      %dma_start3A_264 = tpu.memref_squeeze %dma_start3A_263 : memref<1x64xi32, #tpu.memory_space<vmem>> -> memref<64xi32, #tpu.memory_space<vmem>>
      %dma_start3A_265 = tpu.memref_slice %arg3[%add3A_57] : memref<8192xi32, #tpu.memory_space<hbm>> -> memref<64xi32, #tpu.memory_space<hbm>>
      %dma_start3A_266 = arith.constant 0 : i32
      %dma_start3A_267 = tpu.memref_slice %arg7[%run_scoped3A_58, %dma_start3A_266] : memref<2x64xi32, #tpu.memory_space<vmem>> -> memref<1x64xi32, #tpu.memory_space<vmem>>
      %dma_start3A_268 = tpu.memref_squeeze %dma_start3A_267 : memref<1x64xi32, #tpu.memory_space<vmem>> -> memref<64xi32, #tpu.memory_space<vmem>>
      %dma_start3A_269 = tpu.memref_slice %arg3[%add3A_57] : memref<8192xi32, #tpu.memory_space<hbm>> -> memref<64xi32, #tpu.memory_space<hbm>>
      tpu.enqueue_dma source(%dma_start3A_269 : memref<64xi32, #tpu.memory_space<hbm>>) target(%dma_start3A_268 : memref<64xi32, #tpu.memory_space<vmem>>) target_semaphore(%run_scoped3A_261 : memref<!tpu.dma_semaphore, #tpu.memory_space<semaphore_mem>>)
      %dma_wait3A_270 = arith.constant 0 : i32
      %dma_wait3A_271 = tpu.memref_slice %arg7[%run_scoped3A_58, %dma_wait3A_270] : memref<2x64xi32, #tpu.memory_space<vmem>> -> memref<1x64xi32, #tpu.memory_space<vmem>>
      %dma_wait3A_272 = tpu.memref_squeeze %dma_wait3A_271 : memref<1x64xi32, #tpu.memory_space<vmem>> -> memref<64xi32, #tpu.memory_space<vmem>>
      %dma_wait3A_273 = tpu.memref_slice %arg3[%add3A_57] : memref<8192xi32, #tpu.memory_space<hbm>> -> memref<64xi32, #tpu.memory_space<hbm>>
      %dma_wait3A_274 = arith.constant 0 : i32
      %dma_wait3A_275 = tpu.memref_slice %arg7[%run_scoped3A_58, %dma_wait3A_274] : memref<2x64xi32, #tpu.memory_space<vmem>> -> memref<1x64xi32, #tpu.memory_space<vmem>>
      %dma_wait3A_276 = tpu.memref_squeeze %dma_wait3A_275 : memref<1x64xi32, #tpu.memory_space<vmem>> -> memref<64xi32, #tpu.memory_space<vmem>>
      %dma_wait3A_277 = tpu.memref_slice %arg3[%add3A_57] : memref<8192xi32, #tpu.memory_space<hbm>> -> memref<64xi32, #tpu.memory_space<hbm>>
      tpu.wait_dma2 semaphore(%run_scoped3A_261 : memref<!tpu.dma_semaphore, #tpu.memory_space<semaphore_mem>>) src(%dma_wait3A_277 : memref<64xi32, #tpu.memory_space<hbm>>) dst(%dma_wait3A_276 : memref<64xi32, #tpu.memory_space<vmem>>)
      tpu.yield
    }) : () -> ()
    %dma_start3A_59 = arith.constant 1 : i32
    %dma_start3A_60 = arith.constant 1 : i32
    %dma_start3A_61 = arith.constant 0 : i32
    %dma_start3A_62 = arith.constant 0 : i32
    %dma_start3A_63 = tpu.memref_slice %arg8[%dma_start3A_60, %dma_start3A_61, %dma_start3A_62] : memref<2x64x256xf32, #tpu.memory_space<vmem>> -> memref<1x64x256xf32, #tpu.memory_space<vmem>>
    %dma_start3A_64 = tpu.memref_squeeze %dma_start3A_63 : memref<1x64x256xf32, #tpu.memory_space<vmem>> -> memref<64x256xf32, #tpu.memory_space<vmem>>
    %dma_start3A_65 = arith.constant 0 : i32
    %dma_start3A_66 = tpu.memref_slice %arg7[%dma_start3A_59, %dma_start3A_65] : memref<2x64xi32, #tpu.memory_space<vmem>> -> memref<1x64xi32, #tpu.memory_space<vmem>>
    %dma_start3A_67 = tpu.memref_squeeze %dma_start3A_66 : memref<1x64xi32, #tpu.memory_space<vmem>> -> memref<64xi32, #tpu.memory_space<vmem>>
    %dma_start3A_68 = arith.constant 0 : i32
    %dma_start3A_69 = arith.constant 0 : i32
    %dma_start3A_70 = tpu.memref_slice %arg2[%dma_start3A_68, %dma_start3A_69] : memref<1024x256xf32, #tpu.memory_space<hbm>> -> memref<1024x256xf32, #tpu.memory_space<hbm>>
    tpu.enqueue_indirect_dma source(%dma_start3A_70 : memref<1024x256xf32, #tpu.memory_space<hbm>>) target(%dma_start3A_64 : memref<64x256xf32, #tpu.memory_space<vmem>>) offsets(%dma_start3A_67 : memref<64xi32, #tpu.memory_space<vmem>>) semaphore(%arg11 : memref<!tpu.dma_semaphore, #tpu.memory_space<semaphore_mem>>)
    %dma_start3A_71 = arith.constant 1 : i32
    %dma_start3A_72 = arith.constant 0 : i32
    %dma_start3A_73 = arith.constant 0 : i32
    %dma_start3A_74 = tpu.memref_slice %arg9[%dma_start3A_71, %dma_start3A_72, %dma_start3A_73] : memref<2x64x256xf32, #tpu.memory_space<vmem>> -> memref<1x64x256xf32, #tpu.memory_space<vmem>>
    %dma_start3A_75 = tpu.memref_squeeze %dma_start3A_74 : memref<1x64x256xf32, #tpu.memory_space<vmem>> -> memref<64x256xf32, #tpu.memory_space<vmem>>
    %dma_start3A_76 = arith.constant 0 : i32
    %dma_start3A_77 = tpu.memref_slice %arg4[%add3A_57, %dma_start3A_76] : memref<8192x256xf32, #tpu.memory_space<hbm>> -> memref<64x256xf32, #tpu.memory_space<hbm>>
    %dma_start3A_78 = arith.constant 0 : i32
    %dma_start3A_79 = arith.constant 0 : i32
    %dma_start3A_80 = tpu.memref_slice %arg9[%dma_start3A_71, %dma_start3A_78, %dma_start3A_79] : memref<2x64x256xf32, #tpu.memory_space<vmem>> -> memref<1x64x256xf32, #tpu.memory_space<vmem>>
    %dma_start3A_81 = tpu.memref_squeeze %dma_start3A_80 : memref<1x64x256xf32, #tpu.memory_space<vmem>> -> memref<64x256xf32, #tpu.memory_space<vmem>>
    %dma_start3A_82 = arith.constant 0 : i32
    %dma_start3A_83 = tpu.memref_slice %arg4[%add3A_57, %dma_start3A_82] : memref<8192x256xf32, #tpu.memory_space<hbm>> -> memref<64x256xf32, #tpu.memory_space<hbm>>
    tpu.enqueue_dma source(%dma_start3A_83 : memref<64x256xf32, #tpu.memory_space<hbm>>) target(%dma_start3A_81 : memref<64x256xf32, #tpu.memory_space<vmem>>) target_semaphore(%arg12 : memref<!tpu.dma_semaphore, #tpu.memory_space<semaphore_mem>>)
    %scan3A = arith.constant 0 : i32
    %scan3A_84 = arith.constant 64 : i32
    %scan3A_85 = arith.addi %scan3A, %scan3A_84 : i32
    %scan3A_86 = arith.constant 1 : i32
    %scan3A_87 = scf.for %scan3A_261 = %scan3A to %scan3A_85 step %scan3A_86 iter_args(%scan3A_262 = %broadcast_in_dim3A_3) -> (vector<16xf32>)  : i32 {
      %get3A = arith.constant 0 : i32
      %get3A_263 = arith.index_cast %get3A : i32 to index
      %get3A_264 = arith.index_cast %scan3A_261 : i32 to index
      %get3A_265 = arith.constant 0 : index
      %get3A_266 = tpu.vector_load %arg8[%get3A_263, %get3A_264, %get3A_265] {strides = array<i32>} : memref<2x64x256xf32, #tpu.memory_space<vmem>>, vector<1x1x16xf32>,
      %get3A_267 = vector.shape_cast %get3A_266 : vector<1x1x16xf32> to vector<16xf32>
      %get3A_268 = arith.constant 0 : i32
      %get3A_269 = arith.index_cast %get3A_268 : i32 to index
      %get3A_270 = arith.index_cast %scan3A_261 : i32 to index
      %get3A_271 = arith.constant 0 : index
      %get3A_272 = tpu.vector_load %arg9[%get3A_269, %get3A_270, %get3A_271] {strides = array<i32>} : memref<2x64x256xf32, #tpu.memory_space<vmem>>, vector<1x1x16xf32>,
      %get3A_273 = vector.shape_cast %get3A_272 : vector<1x1x16xf32> to vector<16xf32>
      %sub3A = arith.subf %get3A_267, %get3A_273 : vector<16xf32>
      %get3A_274 = arith.constant 0 : i32
      %get3A_275 = arith.index_cast %get3A_274 : i32 to index
      %get3A_276 = arith.index_cast %scan3A_261 : i32 to index
      %get3A_277 = arith.constant 0 : index
      %get3A_278 = tpu.vector_load %arg9[%get3A_275, %get3A_276, %get3A_277] {strides = array<i32>} : memref<2x64x256xf32, #tpu.memory_space<vmem>>, vector<1x1x16xf32>,
      %get3A_279 = vector.shape_cast %get3A_278 : vector<1x1x16xf32> to vector<16xf32>
      %add3A_280 = arith.addf %get3A_279, %sub3A : vector<16xf32>
      %swap3A_281 = arith.constant 0 : i32
      %swap3A_282 = arith.index_cast %swap3A_281 : i32 to index
      %swap3A_283 = arith.index_cast %scan3A_261 : i32 to index
      %swap3A_284 = arith.constant 0 : index
      %swap3A_285 = tpu.vector_load %arg8[%swap3A_282, %swap3A_283, %swap3A_284] {strides = array<i32>} : memref<2x64x256xf32, #tpu.memory_space<vmem>>, vector<1x1x16xf32>,
      %swap3A_286 = vector.shape_cast %swap3A_285 : vector<1x1x16xf32> to vector<16xf32>
      %swap3A_287 = vector.shape_cast %add3A_280 : vector<16xf32> to vector<1x1x16xf32>
      tpu.vector_store %arg8[%swap3A_282, %swap3A_283, %swap3A_284], %swap3A_287 {strides = array<i32>} : memref<2x64x256xf32, #tpu.memory_space<vmem>>, vector<1x1x16xf32>,
      %mul3A_288 = arith.mulf %sub3A, %sub3A : vector<16xf32>
      %add3A_289 = arith.addf %scan3A_262, %mul3A_288 : vector<16xf32>
      %get3A_290 = arith.constant 0 : i32
      %get3A_291 = arith.index_cast %get3A_290 : i32 to index
      %get3A_292 = arith.index_cast %scan3A_261 : i32 to index
      %get3A_293 = arith.constant 16 : index
      %get3A_294 = tpu.vector_load %arg8[%get3A_291, %get3A_292, %get3A_293] {strides = array<i32>} : memref<2x64x256xf32, #tpu.memory_space<vmem>>, vector<1x1x16xf32>,
      %get3A_295 = vector.shape_cast %get3A_294 : vector<1x1x16xf32> to vector<16xf32>
      %get3A_296 = arith.constant 0 : i32
      %get3A_297 = arith.index_cast %get3A_296 : i32 to index
      %get3A_298 = arith.index_cast %scan3A_261 : i32 to index
      %get3A_299 = arith.constant 16 : index
      %get3A_300 = tpu.vector_load %arg9[%get3A_297, %get3A_298, %get3A_299] {strides = array<i32>} : memref<2x64x256xf32, #tpu.memory_space<vmem>>, vector<1x1x16xf32>,
      %get3A_301 = vector.shape_cast %get3A_300 : vector<1x1x16xf32> to vector<16xf32>
      %sub3A_302 = arith.subf %get3A_295, %get3A_301 : vector<16xf32>
      %get3A_303 = arith.constant 0 : i32
      %get3A_304 = arith.index_cast %get3A_303 : i32 to index
      %get3A_305 = arith.index_cast %scan3A_261 : i32 to index
      %get3A_306 = arith.constant 16 : index
      %get3A_307 = tpu.vector_load %arg9[%get3A_304, %get3A_305, %get3A_306] {strides = array<i32>} : memref<2x64x256xf32, #tpu.memory_space<vmem>>, vector<1x1x16xf32>,
      %get3A_308 = vector.shape_cast %get3A_307 : vector<1x1x16xf32> to vector<16xf32>
      %add3A_309 = arith.addf %get3A_308, %sub3A_302 : vector<16xf32>
      %swap3A_310 = arith.constant 0 : i32
      %swap3A_311 = arith.index_cast %swap3A_310 : i32 to index
      %swap3A_312 = arith.index_cast %scan3A_261 : i32 to index
      %swap3A_313 = arith.constant 16 : index
      %swap3A_314 = tpu.vector_load %arg8[%swap3A_311, %swap3A_312, %swap3A_313] {strides = array<i32>} : memref<2x64x256xf32, #tpu.memory_space<vmem>>, vector<1x1x16xf32>,
      %swap3A_315 = vector.shape_cast %swap3A_314 : vector<1x1x16xf32> to vector<16xf32>
      %swap3A_316 = vector.shape_cast %add3A_309 : vector<16xf32> to vector<1x1x16xf32>
      tpu.vector_store %arg8[%swap3A_311, %swap3A_312, %swap3A_313], %swap3A_316 {strides = array<i32>} : memref<2x64x256xf32, #tpu.memory_space<vmem>>, vector<1x1x16xf32>,
      %mul3A_317 = arith.mulf %sub3A_302, %sub3A_302 : vector<16xf32>
      %add3A_318 = arith.addf %add3A_289, %mul3A_317 : vector<16xf32>
      %get3A_319 = arith.constant 0 : i32
      %get3A_320 = arith.index_cast %get3A_319 : i32 to index
      %get3A_321 = arith.index_cast %scan3A_261 : i32 to index
      %get3A_322 = arith.constant 32 : index
      %get3A_323 = tpu.vector_load %arg8[%get3A_320, %get3A_321, %get3A_322] {strides = array<i32>} : memref<2x64x256xf32, #tpu.memory_space<vmem>>, vector<1x1x16xf32>,
      %get3A_324 = vector.shape_cast %get3A_323 : vector<1x1x16xf32> to vector<16xf32>
      %get3A_325 = arith.constant 0 : i32
      %get3A_326 = arith.index_cast %get3A_325 : i32 to index
      %get3A_327 = arith.index_cast %scan3A_261 : i32 to index
      %get3A_328 = arith.constant 32 : index
      %get3A_329 = tpu.vector_load %arg9[%get3A_326, %get3A_327, %get3A_328] {strides = array<i32>} : memref<2x64x256xf32, #tpu.memory_space<vmem>>, vector<1x1x16xf32>,
      %get3A_330 = vector.shape_cast %get3A_329 : vector<1x1x16xf32> to vector<16xf32>
      %sub3A_331 = arith.subf %get3A_324, %get3A_330 : vector<16xf32>
      %get3A_332 = arith.constant 0 : i32
      %get3A_333 = arith.index_cast %get3A_332 : i32 to index
      %get3A_334 = arith.index_cast %scan3A_261 : i32 to index
      %get3A_335 = arith.constant 32 : index
      %get3A_336 = tpu.vector_load %arg9[%get3A_333, %get3A_334, %get3A_335] {strides = array<i32>} : memref<2x64x256xf32, #tpu.memory_space<vmem>>, vector<1x1x16xf32>,
      %get3A_337 = vector.shape_cast %get3A_336 : vector<1x1x16xf32> to vector<16xf32>
      %add3A_338 = arith.addf %get3A_337, %sub3A_331 : vector<16xf32>
      %swap3A_339 = arith.constant 0 : i32
      %swap3A_340 = arith.index_cast %swap3A_339 : i32 to index
      %swap3A_341 = arith.index_cast %scan3A_261 : i32 to index
      %swap3A_342 = arith.constant 32 : index
      %swap3A_343 = tpu.vector_load %arg8[%swap3A_340, %swap3A_341, %swap3A_342] {strides = array<i32>} : memref<2x64x256xf32, #tpu.memory_space<vmem>>, vector<1x1x16xf32>,
      %swap3A_344 = vector.shape_cast %swap3A_343 : vector<1x1x16xf32> to vector<16xf32>
      %swap3A_345 = vector.shape_cast %add3A_338 : vector<16xf32> to vector<1x1x16xf32>
      tpu.vector_store %arg8[%swap3A_340, %swap3A_341, %swap3A_342], %swap3A_345 {strides = array<i32>} : memref<2x64x256xf32, #tpu.memory_space<vmem>>, vector<1x1x16xf32>,
      %mul3A_346 = arith.mulf %sub3A_331, %sub3A_331 : vector<16xf32>
      %add3A_347 = arith.addf %add3A_318, %mul3A_346 : vector<16xf32>
      %get3A_348 = arith.constant 0 : i32
      %get3A_349 = arith.index_cast %get3A_348 : i32 to index
      %get3A_350 = arith.index_cast %scan3A_261 : i32 to index
      %get3A_351 = arith.constant 48 : index
      %get3A_352 = tpu.vector_load %arg8[%get3A_349, %get3A_350, %get3A_351] {strides = array<i32>} : memref<2x64x256xf32, #tpu.memory_space<vmem>>, vector<1x1x16xf32>,
      %get3A_353 = vector.shape_cast %get3A_352 : vector<1x1x16xf32> to vector<16xf32>
      %get3A_354 = arith.constant 0 : i32
      %get3A_355 = arith.index_cast %get3A_354 : i32 to index
      %get3A_356 = arith.index_cast %scan3A_261 : i32 to index
      %get3A_357 = arith.constant 48 : index
      %get3A_358 = tpu.vector_load %arg9[%get3A_355, %get3A_356, %get3A_357] {strides = array<i32>} : memref<2x64x256xf32, #tpu.memory_space<vmem>>, vector<1x1x16xf32>,
      %get3A_359 = vector.shape_cast %get3A_358 : vector<1x1x16xf32> to vector<16xf32>
      %sub3A_360 = arith.subf %get3A_353, %get3A_359 : vector<16xf32>
      %get3A_361 = arith.constant 0 : i32
      %get3A_362 = arith.index_cast %get3A_361 : i32 to index
      %get3A_363 = arith.index_cast %scan3A_261 : i32 to index
      %get3A_364 = arith.constant 48 : index
      %get3A_365 = tpu.vector_load %arg9[%get3A_362, %get3A_363, %get3A_364] {strides = array<i32>} : memref<2x64x256xf32, #tpu.memory_space<vmem>>, vector<1x1x16xf32>,
      %get3A_366 = vector.shape_cast %get3A_365 : vector<1x1x16xf32> to vector<16xf32>
      %add3A_367 = arith.addf %get3A_366, %sub3A_360 : vector<16xf32>
      %swap3A_368 = arith.constant 0 : i32
      %swap3A_369 = arith.index_cast %swap3A_368 : i32 to index
      %swap3A_370 = arith.index_cast %scan3A_261 : i32 to index
      %swap3A_371 = arith.constant 48 : index
      %swap3A_372 = tpu.vector_load %arg8[%swap3A_369, %swap3A_370, %swap3A_371] {strides = array<i32>} : memref<2x64x256xf32, #tpu.memory_space<vmem>>, vector<1x1x16xf32>,
      %swap3A_373 = vector.shape_cast %swap3A_372 : vector<1x1x16xf32> to vector<16xf32>
      %swap3A_374 = vector.shape_cast %add3A_367 : vector<16xf32> to vector<1x1x16xf32>
      tpu.vector_store %arg8[%swap3A_369, %swap3A_370, %swap3A_371], %swap3A_374 {strides = array<i32>} : memref<2x64x256xf32, #tpu.memory_space<vmem>>, vector<1x1x16xf32>,
      %mul3A_375 = arith.mulf %sub3A_360, %sub3A_360 : vector<16xf32>
      %add3A_376 = arith.addf %add3A_347, %mul3A_375 : vector<16xf32>
      %get3A_377 = arith.constant 0 : i32
      %get3A_378 = arith.index_cast %get3A_377 : i32 to index
      %get3A_379 = arith.index_cast %scan3A_261 : i32 to index
      %get3A_380 = arith.constant 64 : index
      %get3A_381 = tpu.vector_load %arg8[%get3A_378, %get3A_379, %get3A_380] {strides = array<i32>} : memref<2x64x256xf32, #tpu.memory_space<vmem>>, vector<1x1x16xf32>,
      %get3A_382 = vector.shape_cast %get3A_381 : vector<1x1x16xf32> to vector<16xf32>
      %get3A_383 = arith.constant 0 : i32
      %get3A_384 = arith.index_cast %get3A_383 : i32 to index
      %get3A_385 = arith.index_cast %scan3A_261 : i32 to index
      %get3A_386 = arith.constant 64 : index
      %get3A_387 = tpu.vector_load %arg9[%get3A_384, %get3A_385, %get3A_386] {strides = array<i32>} : memref<2x64x256xf32, #tpu.memory_space<vmem>>, vector<1x1x16xf32>,
      %get3A_388 = vector.shape_cast %get3A_387 : vector<1x1x16xf32> to vector<16xf32>
      %sub3A_389 = arith.subf %get3A_382, %get3A_388 : vector<16xf32>
      %get3A_390 = arith.constant 0 : i32
      %get3A_391 = arith.index_cast %get3A_390 : i32 to index
      %get3A_392 = arith.index_cast %scan3A_261 : i32 to index
      %get3A_393 = arith.constant 64 : index
      %get3A_394 = tpu.vector_load %arg9[%get3A_391, %get3A_392, %get3A_393] {strides = array<i32>} : memref<2x64x256xf32, #tpu.memory_space<vmem>>, vector<1x1x16xf32>,
      %get3A_395 = vector.shape_cast %get3A_394 : vector<1x1x16xf32> to vector<16xf32>
      %add3A_396 = arith.addf %get3A_395, %sub3A_389 : vector<16xf32>
      %swap3A_397 = arith.constant 0 : i32
      %swap3A_398 = arith.index_cast %swap3A_397 : i32 to index
      %swap3A_399 = arith.index_cast %scan3A_261 : i32 to index
      %swap3A_400 = arith.constant 64 : index
      %swap3A_401 = tpu.vector_load %arg8[%swap3A_398, %swap3A_399, %swap3A_400] {strides = array<i32>} : memref<2x64x256xf32, #tpu.memory_space<vmem>>, vector<1x1x16xf32>,
      %swap3A_402 = vector.shape_cast %swap3A_401 : vector<1x1x16xf32> to vector<16xf32>
      %swap3A_403 = vector.shape_cast %add3A_396 : vector<16xf32> to vector<1x1x16xf32>
      tpu.vector_store %arg8[%swap3A_398, %swap3A_399, %swap3A_400], %swap3A_403 {strides = array<i32>} : memref<2x64x256xf32, #tpu.memory_space<vmem>>, vector<1x1x16xf32>,
      %mul3A_404 = arith.mulf %sub3A_389, %sub3A_389 : vector<16xf32>
      %add3A_405 = arith.addf %add3A_376, %mul3A_404 : vector<16xf32>
      %get3A_406 = arith.constant 0 : i32
      %get3A_407 = arith.index_cast %get3A_406 : i32 to index
      %get3A_408 = arith.index_cast %scan3A_261 : i32 to index
      %get3A_409 = arith.constant 80 : index
      %get3A_410 = tpu.vector_load %arg8[%get3A_407, %get3A_408, %get3A_409] {strides = array<i32>} : memref<2x64x256xf32, #tpu.memory_space<vmem>>, vector<1x1x16xf32>,
      %get3A_411 = vector.shape_cast %get3A_410 : vector<1x1x16xf32> to vector<16xf32>
      %get3A_412 = arith.constant 0 : i32
      %get3A_413 = arith.index_cast %get3A_412 : i32 to index
      %get3A_414 = arith.index_cast %scan3A_261 : i32 to index
      %get3A_415 = arith.constant 80 : index
      %get3A_416 = tpu.vector_load %arg9[%get3A_413, %get3A_414, %get3A_415] {strides = array<i32>} : memref<2x64x256xf32, #tpu.memory_space<vmem>>, vector<1x1x16xf32>,
      %get3A_417 = vector.shape_cast %get3A_416 : vector<1x1x16xf32> to vector<16xf32>
      %sub3A_418 = arith.subf %get3A_411, %get3A_417 : vector<16xf32>
      %get3A_419 = arith.constant 0 : i32
      %get3A_420 = arith.index_cast %get3A_419 : i32 to index
      %get3A_421 = arith.index_cast %scan3A_261 : i32 to index
      %get3A_422 = arith.constant 80 : index
      %get3A_423 = tpu.vector_load %arg9[%get3A_420, %get3A_421, %get3A_422] {strides = array<i32>} : memref<2x64x256xf32, #tpu.memory_space<vmem>>, vector<1x1x16xf32>,
      %get3A_424 = vector.shape_cast %get3A_423 : vector<1x1x16xf32> to vector<16xf32>
      %add3A_425 = arith.addf %get3A_424, %sub3A_418 : vector<16xf32>
      %swap3A_426 = arith.constant 0 : i32
      %swap3A_427 = arith.index_cast %swap3A_426 : i32 to index
      %swap3A_428 = arith.index_cast %scan3A_261 : i32 to index
      %swap3A_429 = arith.constant 80 : index
      %swap3A_430 = tpu.vector_load %arg8[%swap3A_427, %swap3A_428, %swap3A_429] {strides = array<i32>} : memref<2x64x256xf32, #tpu.memory_space<vmem>>, vector<1x1x16xf32>,
      %swap3A_431 = vector.shape_cast %swap3A_430 : vector<1x1x16xf32> to vector<16xf32>
      %swap3A_432 = vector.shape_cast %add3A_425 : vector<16xf32> to vector<1x1x16xf32>
      tpu.vector_store %arg8[%swap3A_427, %swap3A_428, %swap3A_429], %swap3A_432 {strides = array<i32>} : memref<2x64x256xf32, #tpu.memory_space<vmem>>, vector<1x1x16xf32>,
      %mul3A_433 = arith.mulf %sub3A_418, %sub3A_418 : vector<16xf32>
      %add3A_434 = arith.addf %add3A_405, %mul3A_433 : vector<16xf32>
      %get3A_435 = arith.constant 0 : i32
      %get3A_436 = arith.index_cast %get3A_435 : i32 to index
      %get3A_437 = arith.index_cast %scan3A_261 : i32 to index
      %get3A_438 = arith.constant 96 : index
      %get3A_439 = tpu.vector_load %arg8[%get3A_436, %get3A_437, %get3A_438] {strides = array<i32>} : memref<2x64x256xf32, #tpu.memory_space<vmem>>, vector<1x1x16xf32>,
      %get3A_440 = vector.shape_cast %get3A_439 : vector<1x1x16xf32> to vector<16xf32>
      %get3A_441 = arith.constant 0 : i32
      %get3A_442 = arith.index_cast %get3A_441 : i32 to index
      %get3A_443 = arith.index_cast %scan3A_261 : i32 to index
      %get3A_444 = arith.constant 96 : index
      %get3A_445 = tpu.vector_load %arg9[%get3A_442, %get3A_443, %get3A_444] {strides = array<i32>} : memref<2x64x256xf32, #tpu.memory_space<vmem>>, vector<1x1x16xf32>,
      %get3A_446 = vector.shape_cast %get3A_445 : vector<1x1x16xf32> to vector<16xf32>
      %sub3A_447 = arith.subf %get3A_440, %get3A_446 : vector<16xf32>
      %get3A_448 = arith.constant 0 : i32
      %get3A_449 = arith.index_cast %get3A_448 : i32 to index
      %get3A_450 = arith.index_cast %scan3A_261 : i32 to index
      %get3A_451 = arith.constant 96 : index
      %get3A_452 = tpu.vector_load %arg9[%get3A_449, %get3A_450, %get3A_451] {strides = array<i32>} : memref<2x64x256xf32, #tpu.memory_space<vmem>>, vector<1x1x16xf32>,
      %get3A_453 = vector.shape_cast %get3A_452 : vector<1x1x16xf32> to vector<16xf32>
      %add3A_454 = arith.addf %get3A_453, %sub3A_447 : vector<16xf32>
      %swap3A_455 = arith.constant 0 : i32
      %swap3A_456 = arith.index_cast %swap3A_455 : i32 to index
      %swap3A_457 = arith.index_cast %scan3A_261 : i32 to index
      %swap3A_458 = arith.constant 96 : index
      %swap3A_459 = tpu.vector_load %arg8[%swap3A_456, %swap3A_457, %swap3A_458] {strides = array<i32>} : memref<2x64x256xf32, #tpu.memory_space<vmem>>, vector<1x1x16xf32>,
      %swap3A_460 = vector.shape_cast %swap3A_459 : vector<1x1x16xf32> to vector<16xf32>
      %swap3A_461 = vector.shape_cast %add3A_454 : vector<16xf32> to vector<1x1x16xf32>
      tpu.vector_store %arg8[%swap3A_456, %swap3A_457, %swap3A_458], %swap3A_461 {strides = array<i32>} : memref<2x64x256xf32, #tpu.memory_space<vmem>>, vector<1x1x16xf32>,
      %mul3A_462 = arith.mulf %sub3A_447, %sub3A_447 : vector<16xf32>
      %add3A_463 = arith.addf %add3A_434, %mul3A_462 : vector<16xf32>
      %get3A_464 = arith.constant 0 : i32
      %get3A_465 = arith.index_cast %get3A_464 : i32 to index
      %get3A_466 = arith.index_cast %scan3A_261 : i32 to index
      %get3A_467 = arith.constant 112 : index
      %get3A_468 = tpu.vector_load %arg8[%get3A_465, %get3A_466, %get3A_467] {strides = array<i32>} : memref<2x64x256xf32, #tpu.memory_space<vmem>>, vector<1x1x16xf32>,
      %get3A_469 = vector.shape_cast %get3A_468 : vector<1x1x16xf32> to vector<16xf32>
      %get3A_470 = arith.constant 0 : i32
      %get3A_471 = arith.index_cast %get3A_470 : i32 to index
      %get3A_472 = arith.index_cast %scan3A_261 : i32 to index
      %get3A_473 = arith.constant 112 : index
      %get3A_474 = tpu.vector_load %arg9[%get3A_471, %get3A_472, %get3A_473] {strides = array<i32>} : memref<2x64x256xf32, #tpu.memory_space<vmem>>, vector<1x1x16xf32>,
      %get3A_475 = vector.shape_cast %get3A_474 : vector<1x1x16xf32> to vector<16xf32>
      %sub3A_476 = arith.subf %get3A_469, %get3A_475 : vector<16xf32>
      %get3A_477 = arith.constant 0 : i32
      %get3A_478 = arith.index_cast %get3A_477 : i32 to index
      %get3A_479 = arith.index_cast %scan3A_261 : i32 to index
      %get3A_480 = arith.constant 112 : index
      %get3A_481 = tpu.vector_load %arg9[%get3A_478, %get3A_479, %get3A_480] {strides = array<i32>} : memref<2x64x256xf32, #tpu.memory_space<vmem>>, vector<1x1x16xf32>,
      %get3A_482 = vector.shape_cast %get3A_481 : vector<1x1x16xf32> to vector<16xf32>
      %add3A_483 = arith.addf %get3A_482, %sub3A_476 : vector<16xf32>
      %swap3A_484 = arith.constant 0 : i32
      %swap3A_485 = arith.index_cast %swap3A_484 : i32 to index
      %swap3A_486 = arith.index_cast %scan3A_261 : i32 to index
      %swap3A_487 = arith.constant 112 : index
      %swap3A_488 = tpu.vector_load %arg8[%swap3A_485, %swap3A_486, %swap3A_487] {strides = array<i32>} : memref<2x64x256xf32, #tpu.memory_space<vmem>>, vector<1x1x16xf32>,
      %swap3A_489 = vector.shape_cast %swap3A_488 : vector<1x1x16xf32> to vector<16xf32>
      %swap3A_490 = vector.shape_cast %add3A_483 : vector<16xf32> to vector<1x1x16xf32>
      tpu.vector_store %arg8[%swap3A_485, %swap3A_486, %swap3A_487], %swap3A_490 {strides = array<i32>} : memref<2x64x256xf32, #tpu.memory_space<vmem>>, vector<1x1x16xf32>,
      %mul3A_491 = arith.mulf %sub3A_476, %sub3A_476 : vector<16xf32>
      %add3A_492 = arith.addf %add3A_463, %mul3A_491 : vector<16xf32>
      %get3A_493 = arith.constant 0 : i32
      %get3A_494 = arith.index_cast %get3A_493 : i32 to index
      %get3A_495 = arith.index_cast %scan3A_261 : i32 to index
      %get3A_496 = arith.constant 128 : index
      %get3A_497 = tpu.vector_load %arg8[%get3A_494, %get3A_495, %get3A_496] {strides = array<i32>} : memref<2x64x256xf32, #tpu.memory_space<vmem>>, vector<1x1x16xf32>,
      %get3A_498 = vector.shape_cast %get3A_497 : vector<1x1x16xf32> to vector<16xf32>
      %get3A_499 = arith.constant 0 : i32
      %get3A_500 = arith.index_cast %get3A_499 : i32 to index
      %get3A_501 = arith.index_cast %scan3A_261 : i32 to index
      %get3A_502 = arith.constant 128 : index
      %get3A_503 = tpu.vector_load %arg9[%get3A_500, %get3A_501, %get3A_502] {strides = array<i32>} : memref<2x64x256xf32, #tpu.memory_space<vmem>>, vector<1x1x16xf32>,
      %get3A_504 = vector.shape_cast %get3A_503 : vector<1x1x16xf32> to vector<16xf32>
      %sub3A_505 = arith.subf %get3A_498, %get3A_504 : vector<16xf32>
      %get3A_506 = arith.constant 0 : i32
      %get3A_507 = arith.index_cast %get3A_506 : i32 to index
      %get3A_508 = arith.index_cast %scan3A_261 : i32 to index
      %get3A_509 = arith.constant 128 : index
      %get3A_510 = tpu.vector_load %arg9[%get3A_507, %get3A_508, %get3A_509] {strides = array<i32>} : memref<2x64x256xf32, #tpu.memory_space<vmem>>, vector<1x1x16xf32>,
      %get3A_511 = vector.shape_cast %get3A_510 : vector<1x1x16xf32> to vector<16xf32>
      %add3A_512 = arith.addf %get3A_511, %sub3A_505 : vector<16xf32>
      %swap3A_513 = arith.constant 0 : i32
      %swap3A_514 = arith.index_cast %swap3A_513 : i32 to index
      %swap3A_515 = arith.index_cast %scan3A_261 : i32 to index
      %swap3A_516 = arith.constant 128 : index
      %swap3A_517 = tpu.vector_load %arg8[%swap3A_514, %swap3A_515, %swap3A_516] {strides = array<i32>} : memref<2x64x256xf32, #tpu.memory_space<vmem>>, vector<1x1x16xf32>,
      %swap3A_518 = vector.shape_cast %swap3A_517 : vector<1x1x16xf32> to vector<16xf32>
      %swap3A_519 = vector.shape_cast %add3A_512 : vector<16xf32> to vector<1x1x16xf32>
      tpu.vector_store %arg8[%swap3A_514, %swap3A_515, %swap3A_516], %swap3A_519 {strides = array<i32>} : memref<2x64x256xf32, #tpu.memory_space<vmem>>, vector<1x1x16xf32>,
      %mul3A_520 = arith.mulf %sub3A_505, %sub3A_505 : vector<16xf32>
      %add3A_521 = arith.addf %add3A_492, %mul3A_520 : vector<16xf32>
      %get3A_522 = arith.constant 0 : i32
      %get3A_523 = arith.index_cast %get3A_522 : i32 to index
      %get3A_524 = arith.index_cast %scan3A_261 : i32 to index
      %get3A_525 = arith.constant 144 : index
      %get3A_526 = tpu.vector_load %arg8[%get3A_523, %get3A_524, %get3A_525] {strides = array<i32>} : memref<2x64x256xf32, #tpu.memory_space<vmem>>, vector<1x1x16xf32>,
      %get3A_527 = vector.shape_cast %get3A_526 : vector<1x1x16xf32> to vector<16xf32>
      %get3A_528 = arith.constant 0 : i32
      %get3A_529 = arith.index_cast %get3A_528 : i32 to index
      %get3A_530 = arith.index_cast %scan3A_261 : i32 to index
      %get3A_531 = arith.constant 144 : index
      %get3A_532 = tpu.vector_load %arg9[%get3A_529, %get3A_530, %get3A_531] {strides = array<i32>} : memref<2x64x256xf32, #tpu.memory_space<vmem>>, vector<1x1x16xf32>,
      %get3A_533 = vector.shape_cast %get3A_532 : vector<1x1x16xf32> to vector<16xf32>
      %sub3A_534 = arith.subf %get3A_527, %get3A_533 : vector<16xf32>
      %get3A_535 = arith.constant 0 : i32
      %get3A_536 = arith.index_cast %get3A_535 : i32 to index
      %get3A_537 = arith.index_cast %scan3A_261 : i32 to index
      %get3A_538 = arith.constant 144 : index
      %get3A_539 = tpu.vector_load %arg9[%get3A_536, %get3A_537, %get3A_538] {strides = array<i32>} : memref<2x64x256xf32, #tpu.memory_space<vmem>>, vector<1x1x16xf32>,
      %get3A_540 = vector.shape_cast %get3A_539 : vector<1x1x16xf32> to vector<16xf32>
      %add3A_541 = arith.addf %get3A_540, %sub3A_534 : vector<16xf32>
      %swap3A_542 = arith.constant 0 : i32
      %swap3A_543 = arith.index_cast %swap3A_542 : i32 to index
      %swap3A_544 = arith.index_cast %scan3A_261 : i32 to index
      %swap3A_545 = arith.constant 144 : index
      %swap3A_546 = tpu.vector_load %arg8[%swap3A_543, %swap3A_544, %swap3A_545] {strides = array<i32>} : memref<2x64x256xf32, #tpu.memory_space<vmem>>, vector<1x1x16xf32>,
      %swap3A_547 = vector.shape_cast %swap3A_546 : vector<1x1x16xf32> to vector<16xf32>
      %swap3A_548 = vector.shape_cast %add3A_541 : vector<16xf32> to vector<1x1x16xf32>
      tpu.vector_store %arg8[%swap3A_543, %swap3A_544, %swap3A_545], %swap3A_548 {strides = array<i32>} : memref<2x64x256xf32, #tpu.memory_space<vmem>>, vector<1x1x16xf32>,
      %mul3A_549 = arith.mulf %sub3A_534, %sub3A_534 : vector<16xf32>
      %add3A_550 = arith.addf %add3A_521, %mul3A_549 : vector<16xf32>
      %get3A_551 = arith.constant 0 : i32
      %get3A_552 = arith.index_cast %get3A_551 : i32 to index
      %get3A_553 = arith.index_cast %scan3A_261 : i32 to index
      %get3A_554 = arith.constant 160 : index
      %get3A_555 = tpu.vector_load %arg8[%get3A_552, %get3A_553, %get3A_554] {strides = array<i32>} : memref<2x64x256xf32, #tpu.memory_space<vmem>>, vector<1x1x16xf32>,
      %get3A_556 = vector.shape_cast %get3A_555 : vector<1x1x16xf32> to vector<16xf32>
      %get3A_557 = arith.constant 0 : i32
      %get3A_558 = arith.index_cast %get3A_557 : i32 to index
      %get3A_559 = arith.index_cast %scan3A_261 : i32 to index
      %get3A_560 = arith.constant 160 : index
      %get3A_561 = tpu.vector_load %arg9[%get3A_558, %get3A_559, %get3A_560] {strides = array<i32>} : memref<2x64x256xf32, #tpu.memory_space<vmem>>, vector<1x1x16xf32>,
      %get3A_562 = vector.shape_cast %get3A_561 : vector<1x1x16xf32> to vector<16xf32>
      %sub3A_563 = arith.subf %get3A_556, %get3A_562 : vector<16xf32>
      %get3A_564 = arith.constant 0 : i32
      %get3A_565 = arith.index_cast %get3A_564 : i32 to index
      %get3A_566 = arith.index_cast %scan3A_261 : i32 to index
      %get3A_567 = arith.constant 160 : index
      %get3A_568 = tpu.vector_load %arg9[%get3A_565, %get3A_566, %get3A_567] {strides = array<i32>} : memref<2x64x256xf32, #tpu.memory_space<vmem>>, vector<1x1x16xf32>,
      %get3A_569 = vector.shape_cast %get3A_568 : vector<1x1x16xf32> to vector<16xf32>
      %add3A_570 = arith.addf %get3A_569, %sub3A_563 : vector<16xf32>
      %swap3A_571 = arith.constant 0 : i32
      %swap3A_572 = arith.index_cast %swap3A_571 : i32 to index
      %swap3A_573 = arith.index_cast %scan3A_261 : i32 to index
      %swap3A_574 = arith.constant 160 : index
      %swap3A_575 = tpu.vector_load %arg8[%swap3A_572, %swap3A_573, %swap3A_574] {strides = array<i32>} : memref<2x64x256xf32, #tpu.memory_space<vmem>>, vector<1x1x16xf32>,
      %swap3A_576 = vector.shape_cast %swap3A_575 : vector<1x1x16xf32> to vector<16xf32>
      %swap3A_577 = vector.shape_cast %add3A_570 : vector<16xf32> to vector<1x1x16xf32>
      tpu.vector_store %arg8[%swap3A_572, %swap3A_573, %swap3A_574], %swap3A_577 {strides = array<i32>} : memref<2x64x256xf32, #tpu.memory_space<vmem>>, vector<1x1x16xf32>,
      %mul3A_578 = arith.mulf %sub3A_563, %sub3A_563 : vector<16xf32>
      %add3A_579 = arith.addf %add3A_550, %mul3A_578 : vector<16xf32>
      %get3A_580 = arith.constant 0 : i32
      %get3A_581 = arith.index_cast %get3A_580 : i32 to index
      %get3A_582 = arith.index_cast %scan3A_261 : i32 to index
      %get3A_583 = arith.constant 176 : index
      %get3A_584 = tpu.vector_load %arg8[%get3A_581, %get3A_582, %get3A_583] {strides = array<i32>} : memref<2x64x256xf32, #tpu.memory_space<vmem>>, vector<1x1x16xf32>,
      %get3A_585 = vector.shape_cast %get3A_584 : vector<1x1x16xf32> to vector<16xf32>
      %get3A_586 = arith.constant 0 : i32
      %get3A_587 = arith.index_cast %get3A_586 : i32 to index
      %get3A_588 = arith.index_cast %scan3A_261 : i32 to index
      %get3A_589 = arith.constant 176 : index
      %get3A_590 = tpu.vector_load %arg9[%get3A_587, %get3A_588, %get3A_589] {strides = array<i32>} : memref<2x64x256xf32, #tpu.memory_space<vmem>>, vector<1x1x16xf32>,
      %get3A_591 = vector.shape_cast %get3A_590 : vector<1x1x16xf32> to vector<16xf32>
      %sub3A_592 = arith.subf %get3A_585, %get3A_591 : vector<16xf32>
      %get3A_593 = arith.constant 0 : i32
      %get3A_594 = arith.index_cast %get3A_593 : i32 to index
      %get3A_595 = arith.index_cast %scan3A_261 : i32 to index
      %get3A_596 = arith.constant 176 : index
      %get3A_597 = tpu.vector_load %arg9[%get3A_594, %get3A_595, %get3A_596] {strides = array<i32>} : memref<2x64x256xf32, #tpu.memory_space<vmem>>, vector<1x1x16xf32>,
      %get3A_598 = vector.shape_cast %get3A_597 : vector<1x1x16xf32> to vector<16xf32>
      %add3A_599 = arith.addf %get3A_598, %sub3A_592 : vector<16xf32>
      %swap3A_600 = arith.constant 0 : i32
      %swap3A_601 = arith.index_cast %swap3A_600 : i32 to index
      %swap3A_602 = arith.index_cast %scan3A_261 : i32 to index
      %swap3A_603 = arith.constant 176 : index
      %swap3A_604 = tpu.vector_load %arg8[%swap3A_601, %swap3A_602, %swap3A_603] {strides = array<i32>} : memref<2x64x256xf32, #tpu.memory_space<vmem>>, vector<1x1x16xf32>,
      %swap3A_605 = vector.shape_cast %swap3A_604 : vector<1x1x16xf32> to vector<16xf32>
      %swap3A_606 = vector.shape_cast %add3A_599 : vector<16xf32> to vector<1x1x16xf32>
      tpu.vector_store %arg8[%swap3A_601, %swap3A_602, %swap3A_603], %swap3A_606 {strides = array<i32>} : memref<2x64x256xf32, #tpu.memory_space<vmem>>, vector<1x1x16xf32>,
      %mul3A_607 = arith.mulf %sub3A_592, %sub3A_592 : vector<16xf32>
      %add3A_608 = arith.addf %add3A_579, %mul3A_607 : vector<16xf32>
      %get3A_609 = arith.constant 0 : i32
      %get3A_610 = arith.index_cast %get3A_609 : i32 to index
      %get3A_611 = arith.index_cast %scan3A_261 : i32 to index
      %get3A_612 = arith.constant 192 : index
      %get3A_613 = tpu.vector_load %arg8[%get3A_610, %get3A_611, %get3A_612] {strides = array<i32>} : memref<2x64x256xf32, #tpu.memory_space<vmem>>, vector<1x1x16xf32>,
      %get3A_614 = vector.shape_cast %get3A_613 : vector<1x1x16xf32> to vector<16xf32>
      %get3A_615 = arith.constant 0 : i32
      %get3A_616 = arith.index_cast %get3A_615 : i32 to index
      %get3A_617 = arith.index_cast %scan3A_261 : i32 to index
      %get3A_618 = arith.constant 192 : index
      %get3A_619 = tpu.vector_load %arg9[%get3A_616, %get3A_617, %get3A_618] {strides = array<i32>} : memref<2x64x256xf32, #tpu.memory_space<vmem>>, vector<1x1x16xf32>,
      %get3A_620 = vector.shape_cast %get3A_619 : vector<1x1x16xf32> to vector<16xf32>
      %sub3A_621 = arith.subf %get3A_614, %get3A_620 : vector<16xf32>
      %get3A_622 = arith.constant 0 : i32
      %get3A_623 = arith.index_cast %get3A_622 : i32 to index
      %get3A_624 = arith.index_cast %scan3A_261 : i32 to index
      %get3A_625 = arith.constant 192 : index
      %get3A_626 = tpu.vector_load %arg9[%get3A_623, %get3A_624, %get3A_625] {strides = array<i32>} : memref<2x64x256xf32, #tpu.memory_space<vmem>>, vector<1x1x16xf32>,
      %get3A_627 = vector.shape_cast %get3A_626 : vector<1x1x16xf32> to vector<16xf32>
      %add3A_628 = arith.addf %get3A_627, %sub3A_621 : vector<16xf32>
      %swap3A_629 = arith.constant 0 : i32
      %swap3A_630 = arith.index_cast %swap3A_629 : i32 to index
      %swap3A_631 = arith.index_cast %scan3A_261 : i32 to index
      %swap3A_632 = arith.constant 192 : index
      %swap3A_633 = tpu.vector_load %arg8[%swap3A_630, %swap3A_631, %swap3A_632] {strides = array<i32>} : memref<2x64x256xf32, #tpu.memory_space<vmem>>, vector<1x1x16xf32>,
      %swap3A_634 = vector.shape_cast %swap3A_633 : vector<1x1x16xf32> to vector<16xf32>
      %swap3A_635 = vector.shape_cast %add3A_628 : vector<16xf32> to vector<1x1x16xf32>
      tpu.vector_store %arg8[%swap3A_630, %swap3A_631, %swap3A_632], %swap3A_635 {strides = array<i32>} : memref<2x64x256xf32, #tpu.memory_space<vmem>>, vector<1x1x16xf32>,
      %mul3A_636 = arith.mulf %sub3A_621, %sub3A_621 : vector<16xf32>
      %add3A_637 = arith.addf %add3A_608, %mul3A_636 : vector<16xf32>
      %get3A_638 = arith.constant 0 : i32
      %get3A_639 = arith.index_cast %get3A_638 : i32 to index
      %get3A_640 = arith.index_cast %scan3A_261 : i32 to index
      %get3A_641 = arith.constant 208 : index
      %get3A_642 = tpu.vector_load %arg8[%get3A_639, %get3A_640, %get3A_641] {strides = array<i32>} : memref<2x64x256xf32, #tpu.memory_space<vmem>>, vector<1x1x16xf32>,
      %get3A_643 = vector.shape_cast %get3A_642 : vector<1x1x16xf32> to vector<16xf32>
      %get3A_644 = arith.constant 0 : i32
      %get3A_645 = arith.index_cast %get3A_644 : i32 to index
      %get3A_646 = arith.index_cast %scan3A_261 : i32 to index
      %get3A_647 = arith.constant 208 : index
      %get3A_648 = tpu.vector_load %arg9[%get3A_645, %get3A_646, %get3A_647] {strides = array<i32>} : memref<2x64x256xf32, #tpu.memory_space<vmem>>, vector<1x1x16xf32>,
      %get3A_649 = vector.shape_cast %get3A_648 : vector<1x1x16xf32> to vector<16xf32>
      %sub3A_650 = arith.subf %get3A_643, %get3A_649 : vector<16xf32>
      %get3A_651 = arith.constant 0 : i32
      %get3A_652 = arith.index_cast %get3A_651 : i32 to index
      %get3A_653 = arith.index_cast %scan3A_261 : i32 to index
      %get3A_654 = arith.constant 208 : index
      %get3A_655 = tpu.vector_load %arg9[%get3A_652, %get3A_653, %get3A_654] {strides = array<i32>} : memref<2x64x256xf32, #tpu.memory_space<vmem>>, vector<1x1x16xf32>,
      %get3A_656 = vector.shape_cast %get3A_655 : vector<1x1x16xf32> to vector<16xf32>
      %add3A_657 = arith.addf %get3A_656, %sub3A_650 : vector<16xf32>
      %swap3A_658 = arith.constant 0 : i32
      %swap3A_659 = arith.index_cast %swap3A_658 : i32 to index
      %swap3A_660 = arith.index_cast %scan3A_261 : i32 to index
      %swap3A_661 = arith.constant 208 : index
      %swap3A_662 = tpu.vector_load %arg8[%swap3A_659, %swap3A_660, %swap3A_661] {strides = array<i32>} : memref<2x64x256xf32, #tpu.memory_space<vmem>>, vector<1x1x16xf32>,
      %swap3A_663 = vector.shape_cast %swap3A_662 : vector<1x1x16xf32> to vector<16xf32>
      %swap3A_664 = vector.shape_cast %add3A_657 : vector<16xf32> to vector<1x1x16xf32>
      tpu.vector_store %arg8[%swap3A_659, %swap3A_660, %swap3A_661], %swap3A_664 {strides = array<i32>} : memref<2x64x256xf32, #tpu.memory_space<vmem>>, vector<1x1x16xf32>,
      %mul3A_665 = arith.mulf %sub3A_650, %sub3A_650 : vector<16xf32>
      %add3A_666 = arith.addf %add3A_637, %mul3A_665 : vector<16xf32>
      %get3A_667 = arith.constant 0 : i32
      %get3A_668 = arith.index_cast %get3A_667 : i32 to index
      %get3A_669 = arith.index_cast %scan3A_261 : i32 to index
      %get3A_670 = arith.constant 224 : index
      %get3A_671 = tpu.vector_load %arg8[%get3A_668, %get3A_669, %get3A_670] {strides = array<i32>} : memref<2x64x256xf32, #tpu.memory_space<vmem>>, vector<1x1x16xf32>,
      %get3A_672 = vector.shape_cast %get3A_671 : vector<1x1x16xf32> to vector<16xf32>
      %get3A_673 = arith.constant 0 : i32
      %get3A_674 = arith.index_cast %get3A_673 : i32 to index
      %get3A_675 = arith.index_cast %scan3A_261 : i32 to index
      %get3A_676 = arith.constant 224 : index
      %get3A_677 = tpu.vector_load %arg9[%get3A_674, %get3A_675, %get3A_676] {strides = array<i32>} : memref<2x64x256xf32, #tpu.memory_space<vmem>>, vector<1x1x16xf32>,
      %get3A_678 = vector.shape_cast %get3A_677 : vector<1x1x16xf32> to vector<16xf32>
      %sub3A_679 = arith.subf %get3A_672, %get3A_678 : vector<16xf32>
      %get3A_680 = arith.constant 0 : i32
      %get3A_681 = arith.index_cast %get3A_680 : i32 to index
      %get3A_682 = arith.index_cast %scan3A_261 : i32 to index
      %get3A_683 = arith.constant 224 : index
      %get3A_684 = tpu.vector_load %arg9[%get3A_681, %get3A_682, %get3A_683] {strides = array<i32>} : memref<2x64x256xf32, #tpu.memory_space<vmem>>, vector<1x1x16xf32>,
      %get3A_685 = vector.shape_cast %get3A_684 : vector<1x1x16xf32> to vector<16xf32>
      %add3A_686 = arith.addf %get3A_685, %sub3A_679 : vector<16xf32>
      %swap3A_687 = arith.constant 0 : i32
      %swap3A_688 = arith.index_cast %swap3A_687 : i32 to index
      %swap3A_689 = arith.index_cast %scan3A_261 : i32 to index
      %swap3A_690 = arith.constant 224 : index
      %swap3A_691 = tpu.vector_load %arg8[%swap3A_688, %swap3A_689, %swap3A_690] {strides = array<i32>} : memref<2x64x256xf32, #tpu.memory_space<vmem>>, vector<1x1x16xf32>,
      %swap3A_692 = vector.shape_cast %swap3A_691 : vector<1x1x16xf32> to vector<16xf32>
      %swap3A_693 = vector.shape_cast %add3A_686 : vector<16xf32> to vector<1x1x16xf32>
      tpu.vector_store %arg8[%swap3A_688, %swap3A_689, %swap3A_690], %swap3A_693 {strides = array<i32>} : memref<2x64x256xf32, #tpu.memory_space<vmem>>, vector<1x1x16xf32>,
      %mul3A_694 = arith.mulf %sub3A_679, %sub3A_679 : vector<16xf32>
      %add3A_695 = arith.addf %add3A_666, %mul3A_694 : vector<16xf32>
      %get3A_696 = arith.constant 0 : i32
      %get3A_697 = arith.index_cast %get3A_696 : i32 to index
      %get3A_698 = arith.index_cast %scan3A_261 : i32 to index
      %get3A_699 = arith.constant 240 : index
      %get3A_700 = tpu.vector_load %arg8[%get3A_697, %get3A_698, %get3A_699] {strides = array<i32>} : memref<2x64x256xf32, #tpu.memory_space<vmem>>, vector<1x1x16xf32>,
      %get3A_701 = vector.shape_cast %get3A_700 : vector<1x1x16xf32> to vector<16xf32>
      %get3A_702 = arith.constant 0 : i32
      %get3A_703 = arith.index_cast %get3A_702 : i32 to index
      %get3A_704 = arith.index_cast %scan3A_261 : i32 to index
      %get3A_705 = arith.constant 240 : index
      %get3A_706 = tpu.vector_load %arg9[%get3A_703, %get3A_704, %get3A_705] {strides = array<i32>} : memref<2x64x256xf32, #tpu.memory_space<vmem>>, vector<1x1x16xf32>,
      %get3A_707 = vector.shape_cast %get3A_706 : vector<1x1x16xf32> to vector<16xf32>
      %sub3A_708 = arith.subf %get3A_701, %get3A_707 : vector<16xf32>
      %get3A_709 = arith.constant 0 : i32
      %get3A_710 = arith.index_cast %get3A_709 : i32 to index
      %get3A_711 = arith.index_cast %scan3A_261 : i32 to index
      %get3A_712 = arith.constant 240 : index
      %get3A_713 = tpu.vector_load %arg9[%get3A_710, %get3A_711, %get3A_712] {strides = array<i32>} : memref<2x64x256xf32, #tpu.memory_space<vmem>>, vector<1x1x16xf32>,
      %get3A_714 = vector.shape_cast %get3A_713 : vector<1x1x16xf32> to vector<16xf32>
      %add3A_715 = arith.addf %get3A_714, %sub3A_708 : vector<16xf32>
      %swap3A_716 = arith.constant 0 : i32
      %swap3A_717 = arith.index_cast %swap3A_716 : i32 to index
      %swap3A_718 = arith.index_cast %scan3A_261 : i32 to index
      %swap3A_719 = arith.constant 240 : index
      %swap3A_720 = tpu.vector_load %arg8[%swap3A_717, %swap3A_718, %swap3A_719] {strides = array<i32>} : memref<2x64x256xf32, #tpu.memory_space<vmem>>, vector<1x1x16xf32>,
      %swap3A_721 = vector.shape_cast %swap3A_720 : vector<1x1x16xf32> to vector<16xf32>
      %swap3A_722 = vector.shape_cast %add3A_715 : vector<16xf32> to vector<1x1x16xf32>
      tpu.vector_store %arg8[%swap3A_717, %swap3A_718, %swap3A_719], %swap3A_722 {strides = array<i32>} : memref<2x64x256xf32, #tpu.memory_space<vmem>>, vector<1x1x16xf32>,
      %mul3A_723 = arith.mulf %sub3A_708, %sub3A_708 : vector<16xf32>
      %add3A_724 = arith.addf %add3A_695, %mul3A_723 : vector<16xf32>
      scf.yield %add3A_724 : vector<16xf32>
    }
    %scan3A_88 = arith.constant 64 : i32
    %add3A_89 = arith.constant 0 : i32
    %add3A_90 = arith.addi %mul3A_2, %add3A_89 : i32
    %run_scoped3A_91 = arith.constant 0 : i32
    "tpu.region"() ({
      %run_scoped3A_261 = tpu.sem_alloc : memref<!tpu.dma_semaphore, #tpu.memory_space<semaphore_mem>>
      %dma_start3A_262 = arith.constant 0 : i32
      %dma_start3A_263 = arith.constant 0 : i32
      %dma_start3A_264 = tpu.memref_slice %arg8[%run_scoped3A_91, %dma_start3A_262, %dma_start3A_263] : memref<2x64x256xf32, #tpu.memory_space<vmem>> -> memref<1x64x256xf32, #tpu.memory_space<vmem>>
      %dma_start3A_265 = tpu.memref_squeeze %dma_start3A_264 : memref<1x64x256xf32, #tpu.memory_space<vmem>> -> memref<64x256xf32, #tpu.memory_space<vmem>>
      %dma_start3A_266 = arith.constant 0 : i32
      %dma_start3A_267 = tpu.memref_slice %arg5[%add3A_90, %dma_start3A_266] : memref<8192x256xf32, #tpu.memory_space<hbm>> -> memref<64x256xf32, #tpu.memory_space<hbm>>
      %dma_start3A_268 = arith.constant 0 : i32
      %dma_start3A_269 = tpu.memref_slice %arg5[%add3A_90, %dma_start3A_268] : memref<8192x256xf32, #tpu.memory_space<hbm>> -> memref<64x256xf32, #tpu.memory_space<hbm>>
      %dma_start3A_270 = arith.constant 0 : i32
      %dma_start3A_271 = arith.constant 0 : i32
      %dma_start3A_272 = tpu.memref_slice %arg8[%run_scoped3A_91, %dma_start3A_270, %dma_start3A_271] : memref<2x64x256xf32, #tpu.memory_space<vmem>> -> memref<1x64x256xf32, #tpu.memory_space<vmem>>
      %dma_start3A_273 = tpu.memref_squeeze %dma_start3A_272 : memref<1x64x256xf32, #tpu.memory_space<vmem>> -> memref<64x256xf32, #tpu.memory_space<vmem>>
      tpu.enqueue_dma source(%dma_start3A_273 : memref<64x256xf32, #tpu.memory_space<vmem>>) target(%dma_start3A_269 : memref<64x256xf32, #tpu.memory_space<hbm>>) target_semaphore(%run_scoped3A_261 : memref<!tpu.dma_semaphore, #tpu.memory_space<semaphore_mem>>)
      %dma_wait3A_274 = arith.constant 0 : i32
      %dma_wait3A_275 = arith.constant 0 : i32
      %dma_wait3A_276 = tpu.memref_slice %arg8[%run_scoped3A_91, %dma_wait3A_274, %dma_wait3A_275] : memref<2x64x256xf32, #tpu.memory_space<vmem>> -> memref<1x64x256xf32, #tpu.memory_space<vmem>>
      %dma_wait3A_277 = tpu.memref_squeeze %dma_wait3A_276 : memref<1x64x256xf32, #tpu.memory_space<vmem>> -> memref<64x256xf32, #tpu.memory_space<vmem>>
      %dma_wait3A_278 = arith.constant 0 : i32
      %dma_wait3A_279 = tpu.memref_slice %arg5[%add3A_90, %dma_wait3A_278] : memref<8192x256xf32, #tpu.memory_space<hbm>> -> memref<64x256xf32, #tpu.memory_space<hbm>>
      %dma_wait3A_280 = arith.constant 0 : i32
      %dma_wait3A_281 = tpu.memref_slice %arg5[%add3A_90, %dma_wait3A_280] : memref<8192x256xf32, #tpu.memory_space<hbm>> -> memref<64x256xf32, #tpu.memory_space<hbm>>
      %dma_wait3A_282 = arith.constant 0 : i32
      %dma_wait3A_283 = arith.constant 0 : i32
      %dma_wait3A_284 = tpu.memref_slice %arg8[%run_scoped3A_91, %dma_wait3A_282, %dma_wait3A_283] : memref<2x64x256xf32, #tpu.memory_space<vmem>> -> memref<1x64x256xf32, #tpu.memory_space<vmem>>
      %dma_wait3A_285 = tpu.memref_squeeze %dma_wait3A_284 : memref<1x64x256xf32, #tpu.memory_space<vmem>> -> memref<64x256xf32, #tpu.memory_space<vmem>>
      tpu.wait_dma2 semaphore(%run_scoped3A_261 : memref<!tpu.dma_semaphore, #tpu.memory_space<semaphore_mem>>) src(%dma_wait3A_285 : memref<64x256xf32, #tpu.memory_space<vmem>>) dst(%dma_wait3A_281 : memref<64x256xf32, #tpu.memory_space<hbm>>)
      tpu.yield
    }) : () -> ()
    %dma_wait3A_92 = arith.constant 1 : i32
    %dma_wait3A_93 = arith.constant 1 : i32
    %dma_wait3A_94 = arith.constant 0 : i32
    %dma_wait3A_95 = arith.constant 0 : i32
    %dma_wait3A_96 = tpu.memref_slice %arg8[%dma_wait3A_93, %dma_wait3A_94, %dma_wait3A_95] : memref<2x64x256xf32, #tpu.memory_space<vmem>> -> memref<1x64x256xf32, #tpu.memory_space<vmem>>
    %dma_wait3A_97 = tpu.memref_squeeze %dma_wait3A_96 : memref<1x64x256xf32, #tpu.memory_space<vmem>> -> memref<64x256xf32, #tpu.memory_space<vmem>>
    %dma_wait3A_98 = arith.constant 0 : i32
    %dma_wait3A_99 = tpu.memref_slice %arg7[%dma_wait3A_92, %dma_wait3A_98] : memref<2x64xi32, #tpu.memory_space<vmem>> -> memref<1x64xi32, #tpu.memory_space<vmem>>
    %dma_wait3A_100 = tpu.memref_squeeze %dma_wait3A_99 : memref<1x64xi32, #tpu.memory_space<vmem>> -> memref<64xi32, #tpu.memory_space<vmem>>
    %dma_wait3A_101 = arith.constant 0 : i32
    %dma_wait3A_102 = arith.constant 0 : i32
    %dma_wait3A_103 = tpu.memref_slice %arg2[%dma_wait3A_101, %dma_wait3A_102] : memref<1024x256xf32, #tpu.memory_space<hbm>> -> memref<1024x256xf32, #tpu.memory_space<hbm>>
    tpu.wait_indirect_dma semaphore(%arg11 : memref<!tpu.dma_semaphore, #tpu.memory_space<semaphore_mem>>) src(%dma_wait3A_103 : memref<1024x256xf32, #tpu.memory_space<hbm>>) dst(%dma_wait3A_97 : memref<64x256xf32, #tpu.memory_space<vmem>>)
    %dma_wait3A_104 = arith.constant 1 : i32
    %dma_wait3A_105 = arith.constant 0 : i32
    %dma_wait3A_106 = arith.constant 0 : i32
    %dma_wait3A_107 = tpu.memref_slice %arg9[%dma_wait3A_104, %dma_wait3A_105, %dma_wait3A_106] : memref<2x64x256xf32, #tpu.memory_space<vmem>> -> memref<1x64x256xf32, #tpu.memory_space<vmem>>
    %dma_wait3A_108 = tpu.memref_squeeze %dma_wait3A_107 : memref<1x64x256xf32, #tpu.memory_space<vmem>> -> memref<64x256xf32, #tpu.memory_space<vmem>>
    %dma_wait3A_109 = arith.constant 0 : i32
    %dma_wait3A_110 = arith.constant 0 : i32
    %dma_wait3A_111 = tpu.memref_slice %arg4[%dma_wait3A_109, %dma_wait3A_110] : memref<8192x256xf32, #tpu.memory_space<hbm>> -> memref<64x256xf32, #tpu.memory_space<hbm>>
    %dma_wait3A_112 = arith.constant 0 : i32
    %dma_wait3A_113 = arith.constant 0 : i32
    %dma_wait3A_114 = tpu.memref_slice %arg9[%dma_wait3A_104, %dma_wait3A_112, %dma_wait3A_113] : memref<2x64x256xf32, #tpu.memory_space<vmem>> -> memref<1x64x256xf32, #tpu.memory_space<vmem>>
    %dma_wait3A_115 = tpu.memref_squeeze %dma_wait3A_114 : memref<1x64x256xf32, #tpu.memory_space<vmem>> -> memref<64x256xf32, #tpu.memory_space<vmem>>
    %dma_wait3A_116 = arith.constant 0 : i32
    %dma_wait3A_117 = arith.constant 0 : i32
    %dma_wait3A_118 = tpu.memref_slice %arg4[%dma_wait3A_116, %dma_wait3A_117] : memref<8192x256xf32, #tpu.memory_space<hbm>> -> memref<64x256xf32, #tpu.memory_space<hbm>>
    tpu.wait_dma2 semaphore(%arg12 : memref<!tpu.dma_semaphore, #tpu.memory_space<semaphore_mem>>) src(%dma_wait3A_118 : memref<64x256xf32, #tpu.memory_space<hbm>>) dst(%dma_wait3A_115 : memref<64x256xf32, #tpu.memory_space<vmem>>)
    %add3A_119 = arith.constant 128 : i32
    %add3A_120 = arith.addi %mul3A_2, %add3A_119 : i32
    %run_scoped3A_121 = arith.constant 0 : i32
    "tpu.region"() ({
      %run_scoped3A_261 = tpu.sem_alloc : memref<!tpu.dma_semaphore, #tpu.memory_space<semaphore_mem>>
      %dma_start3A_262 = arith.constant 0 : i32
      %dma_start3A_263 = tpu.memref_slice %arg7[%run_scoped3A_121, %dma_start3A_262] : memref<2x64xi32, #tpu.memory_space<vmem>> -> memref<1x64xi32, #tpu.memory_space<vmem>>
      %dma_start3A_264 = tpu.memref_squeeze %dma_start3A_263 : memref<1x64xi32, #tpu.memory_space<vmem>> -> memref<64xi32, #tpu.memory_space<vmem>>
      %dma_start3A_265 = tpu.memref_slice %arg3[%add3A_120] : memref<8192xi32, #tpu.memory_space<hbm>> -> memref<64xi32, #tpu.memory_space<hbm>>
      %dma_start3A_266 = arith.constant 0 : i32
      %dma_start3A_267 = tpu.memref_slice %arg7[%run_scoped3A_121, %dma_start3A_266] : memref<2x64xi32, #tpu.memory_space<vmem>> -> memref<1x64xi32, #tpu.memory_space<vmem>>
      %dma_start3A_268 = tpu.memref_squeeze %dma_start3A_267 : memref<1x64xi32, #tpu.memory_space<vmem>> -> memref<64xi32, #tpu.memory_space<vmem>>
      %dma_start3A_269 = tpu.memref_slice %arg3[%add3A_120] : memref<8192xi32, #tpu.memory_space<hbm>> -> memref<64xi32, #tpu.memory_space<hbm>>
      tpu.enqueue_dma source(%dma_start3A_269 : memref<64xi32, #tpu.memory_space<hbm>>) target(%dma_start3A_268 : memref<64xi32, #tpu.memory_space<vmem>>) target_semaphore(%run_scoped3A_261 : memref<!tpu.dma_semaphore, #tpu.memory_space<semaphore_mem>>)
      %dma_wait3A_270 = arith.constant 0 : i32
      %dma_wait3A_271 = tpu.memref_slice %arg7[%run_scoped3A_121, %dma_wait3A_270] : memref<2x64xi32, #tpu.memory_space<vmem>> -> memref<1x64xi32, #tpu.memory_space<vmem>>
      %dma_wait3A_272 = tpu.memref_squeeze %dma_wait3A_271 : memref<1x64xi32, #tpu.memory_space<vmem>> -> memref<64xi32, #tpu.memory_space<vmem>>
      %dma_wait3A_273 = tpu.memref_slice %arg3[%add3A_120] : memref<8192xi32, #tpu.memory_space<hbm>> -> memref<64xi32, #tpu.memory_space<hbm>>
      %dma_wait3A_274 = arith.constant 0 : i32
      %dma_wait3A_275 = tpu.memref_slice %arg7[%run_scoped3A_121, %dma_wait3A_274] : memref<2x64xi32, #tpu.memory_space<vmem>> -> memref<1x64xi32, #tpu.memory_space<vmem>>
      %dma_wait3A_276 = tpu.memref_squeeze %dma_wait3A_275 : memref<1x64xi32, #tpu.memory_space<vmem>> -> memref<64xi32, #tpu.memory_space<vmem>>
      %dma_wait3A_277 = tpu.memref_slice %arg3[%add3A_120] : memref<8192xi32, #tpu.memory_space<hbm>> -> memref<64xi32, #tpu.memory_space<hbm>>
      tpu.wait_dma2 semaphore(%run_scoped3A_261 : memref<!tpu.dma_semaphore, #tpu.memory_space<semaphore_mem>>) src(%dma_wait3A_277 : memref<64xi32, #tpu.memory_space<hbm>>) dst(%dma_wait3A_276 : memref<64xi32, #tpu.memory_space<vmem>>)
      tpu.yield
    }) : () -> ()
    %dma_start3A_122 = arith.constant 0 : i32
    %dma_start3A_123 = arith.constant 0 : i32
    %dma_start3A_124 = arith.constant 0 : i32
    %dma_start3A_125 = arith.constant 0 : i32
    %dma_start3A_126 = tpu.memref_slice %arg8[%dma_start3A_123, %dma_start3A_124, %dma_start3A_125] : memref<2x64x256xf32, #tpu.memory_space<vmem>> -> memref<1x64x256xf32, #tpu.memory_space<vmem>>
    %dma_start3A_127 = tpu.memref_squeeze %dma_start3A_126 : memref<1x64x256xf32, #tpu.memory_space<vmem>> -> memref<64x256xf32, #tpu.memory_space<vmem>>
    %dma_start3A_128 = arith.constant 0 : i32
    %dma_start3A_129 = tpu.memref_slice %arg7[%dma_start3A_122, %dma_start3A_128] : memref<2x64xi32, #tpu.memory_space<vmem>> -> memref<1x64xi32, #tpu.memory_space<vmem>>
    %dma_start3A_130 = tpu.memref_squeeze %dma_start3A_129 : memref<1x64xi32, #tpu.memory_space<vmem>> -> memref<64xi32, #tpu.memory_space<vmem>>
    %dma_start3A_131 = arith.constant 0 : i32
    %dma_start3A_132 = arith.constant 0 : i32
    %dma_start3A_133 = tpu.memref_slice %arg2[%dma_start3A_131, %dma_start3A_132] : memref<1024x256xf32, #tpu.memory_space<hbm>> -> memref<1024x256xf32, #tpu.memory_space<hbm>>
    tpu.enqueue_indirect_dma source(%dma_start3A_133 : memref<1024x256xf32, #tpu.memory_space<hbm>>) target(%dma_start3A_127 : memref<64x256xf32, #tpu.memory_space<vmem>>) offsets(%dma_start3A_130 : memref<64xi32, #tpu.memory_space<vmem>>) semaphore(%arg11 : memref<!tpu.dma_semaphore, #tpu.memory_space<semaphore_mem>>)
    %dma_start3A_134 = arith.constant 0 : i32
    %dma_start3A_135 = arith.constant 0 : i32
    %dma_start3A_136 = arith.constant 0 : i32
    %dma_start3A_137 = tpu.memref_slice %arg9[%dma_start3A_134, %dma_start3A_135, %dma_start3A_136] : memref<2x64x256xf32, #tpu.memory_space<vmem>> -> memref<1x64x256xf32, #tpu.memory_space<vmem>>
    %dma_start3A_138 = tpu.memref_squeeze %dma_start3A_137 : memref<1x64x256xf32, #tpu.memory_space<vmem>> -> memref<64x256xf32, #tpu.memory_space<vmem>>
    %dma_start3A_139 = arith.constant 0 : i32
    %dma_start3A_140 = tpu.memref_slice %arg4[%add3A_120, %dma_start3A_139] : memref<8192x256xf32, #tpu.memory_space<hbm>> -> memref<64x256xf32, #tpu.memory_space<hbm>>
    %dma_start3A_141 = arith.constant 0 : i32
    %dma_start3A_142 = arith.constant 0 : i32
    %dma_start3A_143 = tpu.memref_slice %arg9[%dma_start3A_134, %dma_start3A_141, %dma_start3A_142] : memref<2x64x256xf32, #tpu.memory_space<vmem>> -> memref<1x64x256xf32, #tpu.memory_space<vmem>>
    %dma_start3A_144 = tpu.memref_squeeze %dma_start3A_143 : memref<1x64x256xf32, #tpu.memory_space<vmem>> -> memref<64x256xf32, #tpu.memory_space<vmem>>
    %dma_start3A_145 = arith.constant 0 : i32
    %dma_start3A_146 = tpu.memref_slice %arg4[%add3A_120, %dma_start3A_145] : memref<8192x256xf32, #tpu.memory_space<hbm>> -> memref<64x256xf32, #tpu.memory_space<hbm>>
    tpu.enqueue_dma source(%dma_start3A_146 : memref<64x256xf32, #tpu.memory_space<hbm>>) target(%dma_start3A_144 : memref<64x256xf32, #tpu.memory_space<vmem>>) target_semaphore(%arg12 : memref<!tpu.dma_semaphore, #tpu.memory_space<semaphore_mem>>)
    %scan3A_147 = arith.constant 0 : i32
    %scan3A_148 = arith.constant 64 : i32
    %scan3A_149 = arith.addi %scan3A_147, %scan3A_148 : i32
    %scan3A_150 = arith.constant 1 : i32
    %scan3A_151 = scf.for %scan3A_261 = %scan3A_147 to %scan3A_149 step %scan3A_150 iter_args(%scan3A_262 = %scan3A_87) -> (vector<16xf32>)  : i32 {
      %get3A = arith.constant 1 : i32
      %get3A_263 = arith.index_cast %get3A : i32 to index
      %get3A_264 = arith.index_cast %scan3A_261 : i32 to index
      %get3A_265 = arith.constant 0 : index
      %get3A_266 = tpu.vector_load %arg8[%get3A_263, %get3A_264, %get3A_265] {strides = array<i32>} : memref<2x64x256xf32, #tpu.memory_space<vmem>>, vector<1x1x16xf32>,
      %get3A_267 = vector.shape_cast %get3A_266 : vector<1x1x16xf32> to vector<16xf32>
      %get3A_268 = arith.constant 1 : i32
      %get3A_269 = arith.index_cast %get3A_268 : i32 to index
      %get3A_270 = arith.index_cast %scan3A_261 : i32 to index
      %get3A_271 = arith.constant 0 : index
      %get3A_272 = tpu.vector_load %arg9[%get3A_269, %get3A_270, %get3A_271] {strides = array<i32>} : memref<2x64x256xf32, #tpu.memory_space<vmem>>, vector<1x1x16xf32>,
      %get3A_273 = vector.shape_cast %get3A_272 : vector<1x1x16xf32> to vector<16xf32>
      %sub3A = arith.subf %get3A_267, %get3A_273 : vector<16xf32>
      %get3A_274 = arith.constant 1 : i32
      %get3A_275 = arith.index_cast %get3A_274 : i32 to index
      %get3A_276 = arith.index_cast %scan3A_261 : i32 to index
      %get3A_277 = arith.constant 0 : index
      %get3A_278 = tpu.vector_load %arg9[%get3A_275, %get3A_276, %get3A_277] {strides = array<i32>} : memref<2x64x256xf32, #tpu.memory_space<vmem>>, vector<1x1x16xf32>,
      %get3A_279 = vector.shape_cast %get3A_278 : vector<1x1x16xf32> to vector<16xf32>
      %add3A_280 = arith.addf %get3A_279, %sub3A : vector<16xf32>
      %swap3A_281 = arith.constant 1 : i32
      %swap3A_282 = arith.index_cast %swap3A_281 : i32 to index
      %swap3A_283 = arith.index_cast %scan3A_261 : i32 to index
      %swap3A_284 = arith.constant 0 : index
      %swap3A_285 = tpu.vector_load %arg8[%swap3A_282, %swap3A_283, %swap3A_284] {strides = array<i32>} : memref<2x64x256xf32, #tpu.memory_space<vmem>>, vector<1x1x16xf32>,
      %swap3A_286 = vector.shape_cast %swap3A_285 : vector<1x1x16xf32> to vector<16xf32>
      %swap3A_287 = vector.shape_cast %add3A_280 : vector<16xf32> to vector<1x1x16xf32>
      tpu.vector_store %arg8[%swap3A_282, %swap3A_283, %swap3A_284], %swap3A_287 {strides = array<i32>} : memref<2x64x256xf32, #tpu.memory_space<vmem>>, vector<1x1x16xf32>,
      %mul3A_288 = arith.mulf %sub3A, %sub3A : vector<16xf32>
      %add3A_289 = arith.addf %scan3A_262, %mul3A_288 : vector<16xf32>
      %get3A_290 = arith.constant 1 : i32
      %get3A_291 = arith.index_cast %get3A_290 : i32 to index
      %get3A_292 = arith.index_cast %scan3A_261 : i32 to index
      %get3A_293 = arith.constant 16 : index
      %get3A_294 = tpu.vector_load %arg8[%get3A_291, %get3A_292, %get3A_293] {strides = array<i32>} : memref<2x64x256xf32, #tpu.memory_space<vmem>>, vector<1x1x16xf32>,
      %get3A_295 = vector.shape_cast %get3A_294 : vector<1x1x16xf32> to vector<16xf32>
      %get3A_296 = arith.constant 1 : i32
      %get3A_297 = arith.index_cast %get3A_296 : i32 to index
      %get3A_298 = arith.index_cast %scan3A_261 : i32 to index
      %get3A_299 = arith.constant 16 : index
      %get3A_300 = tpu.vector_load %arg9[%get3A_297, %get3A_298, %get3A_299] {strides = array<i32>} : memref<2x64x256xf32, #tpu.memory_space<vmem>>, vector<1x1x16xf32>,
      %get3A_301 = vector.shape_cast %get3A_300 : vector<1x1x16xf32> to vector<16xf32>
      %sub3A_302 = arith.subf %get3A_295, %get3A_301 : vector<16xf32>
      %get3A_303 = arith.constant 1 : i32
      %get3A_304 = arith.index_cast %get3A_303 : i32 to index
      %get3A_305 = arith.index_cast %scan3A_261 : i32 to index
      %get3A_306 = arith.constant 16 : index
      %get3A_307 = tpu.vector_load %arg9[%get3A_304, %get3A_305, %get3A_306] {strides = array<i32>} : memref<2x64x256xf32, #tpu.memory_space<vmem>>, vector<1x1x16xf32>,
      %get3A_308 = vector.shape_cast %get3A_307 : vector<1x1x16xf32> to vector<16xf32>
      %add3A_309 = arith.addf %get3A_308, %sub3A_302 : vector<16xf32>
      %swap3A_310 = arith.constant 1 : i32
      %swap3A_311 = arith.index_cast %swap3A_310 : i32 to index
      %swap3A_312 = arith.index_cast %scan3A_261 : i32 to index
      %swap3A_313 = arith.constant 16 : index
      %swap3A_314 = tpu.vector_load %arg8[%swap3A_311, %swap3A_312, %swap3A_313] {strides = array<i32>} : memref<2x64x256xf32, #tpu.memory_space<vmem>>, vector<1x1x16xf32>,
      %swap3A_315 = vector.shape_cast %swap3A_314 : vector<1x1x16xf32> to vector<16xf32>
      %swap3A_316 = vector.shape_cast %add3A_309 : vector<16xf32> to vector<1x1x16xf32>
      tpu.vector_store %arg8[%swap3A_311, %swap3A_312, %swap3A_313], %swap3A_316 {strides = array<i32>} : memref<2x64x256xf32, #tpu.memory_space<vmem>>, vector<1x1x16xf32>,
      %mul3A_317 = arith.mulf %sub3A_302, %sub3A_302 : vector<16xf32>
      %add3A_318 = arith.addf %add3A_289, %mul3A_317 : vector<16xf32>
      %get3A_319 = arith.constant 1 : i32
      %get3A_320 = arith.index_cast %get3A_319 : i32 to index
      %get3A_321 = arith.index_cast %scan3A_261 : i32 to index
      %get3A_322 = arith.constant 32 : index
      %get3A_323 = tpu.vector_load %arg8[%get3A_320, %get3A_321, %get3A_322] {strides = array<i32>} : memref<2x64x256xf32, #tpu.memory_space<vmem>>, vector<1x1x16xf32>,
      %get3A_324 = vector.shape_cast %get3A_323 : vector<1x1x16xf32> to vector<16xf32>
      %get3A_325 = arith.constant 1 : i32
      %get3A_326 = arith.index_cast %get3A_325 : i32 to index
      %get3A_327 = arith.index_cast %scan3A_261 : i32 to index
      %get3A_328 = arith.constant 32 : index
      %get3A_329 = tpu.vector_load %arg9[%get3A_326, %get3A_327, %get3A_328] {strides = array<i32>} : memref<2x64x256xf32, #tpu.memory_space<vmem>>, vector<1x1x16xf32>,
      %get3A_330 = vector.shape_cast %get3A_329 : vector<1x1x16xf32> to vector<16xf32>
      %sub3A_331 = arith.subf %get3A_324, %get3A_330 : vector<16xf32>
      %get3A_332 = arith.constant 1 : i32
      %get3A_333 = arith.index_cast %get3A_332 : i32 to index
      %get3A_334 = arith.index_cast %scan3A_261 : i32 to index
      %get3A_335 = arith.constant 32 : index
      %get3A_336 = tpu.vector_load %arg9[%get3A_333, %get3A_334, %get3A_335] {strides = array<i32>} : memref<2x64x256xf32, #tpu.memory_space<vmem>>, vector<1x1x16xf32>,
      %get3A_337 = vector.shape_cast %get3A_336 : vector<1x1x16xf32> to vector<16xf32>
      %add3A_338 = arith.addf %get3A_337, %sub3A_331 : vector<16xf32>
      %swap3A_339 = arith.constant 1 : i32
      %swap3A_340 = arith.index_cast %swap3A_339 : i32 to index
      %swap3A_341 = arith.index_cast %scan3A_261 : i32 to index
      %swap3A_342 = arith.constant 32 : index
      %swap3A_343 = tpu.vector_load %arg8[%swap3A_340, %swap3A_341, %swap3A_342] {strides = array<i32>} : memref<2x64x256xf32, #tpu.memory_space<vmem>>, vector<1x1x16xf32>,
      %swap3A_344 = vector.shape_cast %swap3A_343 : vector<1x1x16xf32> to vector<16xf32>
      %swap3A_345 = vector.shape_cast %add3A_338 : vector<16xf32> to vector<1x1x16xf32>
      tpu.vector_store %arg8[%swap3A_340, %swap3A_341, %swap3A_342], %swap3A_345 {strides = array<i32>} : memref<2x64x256xf32, #tpu.memory_space<vmem>>, vector<1x1x16xf32>,
      %mul3A_346 = arith.mulf %sub3A_331, %sub3A_331 : vector<16xf32>
      %add3A_347 = arith.addf %add3A_318, %mul3A_346 : vector<16xf32>
      %get3A_348 = arith.constant 1 : i32
      %get3A_349 = arith.index_cast %get3A_348 : i32 to index
      %get3A_350 = arith.index_cast %scan3A_261 : i32 to index
      %get3A_351 = arith.constant 48 : index
      %get3A_352 = tpu.vector_load %arg8[%get3A_349, %get3A_350, %get3A_351] {strides = array<i32>} : memref<2x64x256xf32, #tpu.memory_space<vmem>>, vector<1x1x16xf32>,
      %get3A_353 = vector.shape_cast %get3A_352 : vector<1x1x16xf32> to vector<16xf32>
      %get3A_354 = arith.constant 1 : i32
      %get3A_355 = arith.index_cast %get3A_354 : i32 to index
      %get3A_356 = arith.index_cast %scan3A_261 : i32 to index
      %get3A_357 = arith.constant 48 : index
      %get3A_358 = tpu.vector_load %arg9[%get3A_355, %get3A_356, %get3A_357] {strides = array<i32>} : memref<2x64x256xf32, #tpu.memory_space<vmem>>, vector<1x1x16xf32>,
      %get3A_359 = vector.shape_cast %get3A_358 : vector<1x1x16xf32> to vector<16xf32>
      %sub3A_360 = arith.subf %get3A_353, %get3A_359 : vector<16xf32>
      %get3A_361 = arith.constant 1 : i32
      %get3A_362 = arith.index_cast %get3A_361 : i32 to index
      %get3A_363 = arith.index_cast %scan3A_261 : i32 to index
      %get3A_364 = arith.constant 48 : index
      %get3A_365 = tpu.vector_load %arg9[%get3A_362, %get3A_363, %get3A_364] {strides = array<i32>} : memref<2x64x256xf32, #tpu.memory_space<vmem>>, vector<1x1x16xf32>,
      %get3A_366 = vector.shape_cast %get3A_365 : vector<1x1x16xf32> to vector<16xf32>
      %add3A_367 = arith.addf %get3A_366, %sub3A_360 : vector<16xf32>
      %swap3A_368 = arith.constant 1 : i32
      %swap3A_369 = arith.index_cast %swap3A_368 : i32 to index
      %swap3A_370 = arith.index_cast %scan3A_261 : i32 to index
      %swap3A_371 = arith.constant 48 : index
      %swap3A_372 = tpu.vector_load %arg8[%swap3A_369, %swap3A_370, %swap3A_371] {strides = array<i32>} : memref<2x64x256xf32, #tpu.memory_space<vmem>>, vector<1x1x16xf32>,
      %swap3A_373 = vector.shape_cast %swap3A_372 : vector<1x1x16xf32> to vector<16xf32>
      %swap3A_374 = vector.shape_cast %add3A_367 : vector<16xf32> to vector<1x1x16xf32>
      tpu.vector_store %arg8[%swap3A_369, %swap3A_370, %swap3A_371], %swap3A_374 {strides = array<i32>} : memref<2x64x256xf32, #tpu.memory_space<vmem>>, vector<1x1x16xf32>,
      %mul3A_375 = arith.mulf %sub3A_360, %sub3A_360 : vector<16xf32>
      %add3A_376 = arith.addf %add3A_347, %mul3A_375 : vector<16xf32>
      %get3A_377 = arith.constant 1 : i32
      %get3A_378 = arith.index_cast %get3A_377 : i32 to index
      %get3A_379 = arith.index_cast %scan3A_261 : i32 to index
      %get3A_380 = arith.constant 64 : index
      %get3A_381 = tpu.vector_load %arg8[%get3A_378, %get3A_379, %get3A_380] {strides = array<i32>} : memref<2x64x256xf32, #tpu.memory_space<vmem>>, vector<1x1x16xf32>,
      %get3A_382 = vector.shape_cast %get3A_381 : vector<1x1x16xf32> to vector<16xf32>
      %get3A_383 = arith.constant 1 : i32
      %get3A_384 = arith.index_cast %get3A_383 : i32 to index
      %get3A_385 = arith.index_cast %scan3A_261 : i32 to index
      %get3A_386 = arith.constant 64 : index
      %get3A_387 = tpu.vector_load %arg9[%get3A_384, %get3A_385, %get3A_386] {strides = array<i32>} : memref<2x64x256xf32, #tpu.memory_space<vmem>>, vector<1x1x16xf32>,
      %get3A_388 = vector.shape_cast %get3A_387 : vector<1x1x16xf32> to vector<16xf32>
      %sub3A_389 = arith.subf %get3A_382, %get3A_388 : vector<16xf32>
      %get3A_390 = arith.constant 1 : i32
      %get3A_391 = arith.index_cast %get3A_390 : i32 to index
      %get3A_392 = arith.index_cast %scan3A_261 : i32 to index
      %get3A_393 = arith.constant 64 : index
      %get3A_394 = tpu.vector_load %arg9[%get3A_391, %get3A_392, %get3A_393] {strides = array<i32>} : memref<2x64x256xf32, #tpu.memory_space<vmem>>, vector<1x1x16xf32>,
      %get3A_395 = vector.shape_cast %get3A_394 : vector<1x1x16xf32> to vector<16xf32>
      %add3A_396 = arith.addf %get3A_395, %sub3A_389 : vector<16xf32>
      %swap3A_397 = arith.constant 1 : i32
      %swap3A_398 = arith.index_cast %swap3A_397 : i32 to index
      %swap3A_399 = arith.index_cast %scan3A_261 : i32 to index
      %swap3A_400 = arith.constant 64 : index
      %swap3A_401 = tpu.vector_load %arg8[%swap3A_398, %swap3A_399, %swap3A_400] {strides = array<i32>} : memref<2x64x256xf32, #tpu.memory_space<vmem>>, vector<1x1x16xf32>,
      %swap3A_402 = vector.shape_cast %swap3A_401 : vector<1x1x16xf32> to vector<16xf32>
      %swap3A_403 = vector.shape_cast %add3A_396 : vector<16xf32> to vector<1x1x16xf32>
      tpu.vector_store %arg8[%swap3A_398, %swap3A_399, %swap3A_400], %swap3A_403 {strides = array<i32>} : memref<2x64x256xf32, #tpu.memory_space<vmem>>, vector<1x1x16xf32>,
      %mul3A_404 = arith.mulf %sub3A_389, %sub3A_389 : vector<16xf32>
      %add3A_405 = arith.addf %add3A_376, %mul3A_404 : vector<16xf32>
      %get3A_406 = arith.constant 1 : i32
      %get3A_407 = arith.index_cast %get3A_406 : i32 to index
      %get3A_408 = arith.index_cast %scan3A_261 : i32 to index
      %get3A_409 = arith.constant 80 : index
      %get3A_410 = tpu.vector_load %arg8[%get3A_407, %get3A_408, %get3A_409] {strides = array<i32>} : memref<2x64x256xf32, #tpu.memory_space<vmem>>, vector<1x1x16xf32>,
      %get3A_411 = vector.shape_cast %get3A_410 : vector<1x1x16xf32> to vector<16xf32>
      %get3A_412 = arith.constant 1 : i32
      %get3A_413 = arith.index_cast %get3A_412 : i32 to index
      %get3A_414 = arith.index_cast %scan3A_261 : i32 to index
      %get3A_415 = arith.constant 80 : index
      %get3A_416 = tpu.vector_load %arg9[%get3A_413, %get3A_414, %get3A_415] {strides = array<i32>} : memref<2x64x256xf32, #tpu.memory_space<vmem>>, vector<1x1x16xf32>,
      %get3A_417 = vector.shape_cast %get3A_416 : vector<1x1x16xf32> to vector<16xf32>
      %sub3A_418 = arith.subf %get3A_411, %get3A_417 : vector<16xf32>
      %get3A_419 = arith.constant 1 : i32
      %get3A_420 = arith.index_cast %get3A_419 : i32 to index
      %get3A_421 = arith.index_cast %scan3A_261 : i32 to index
      %get3A_422 = arith.constant 80 : index
      %get3A_423 = tpu.vector_load %arg9[%get3A_420, %get3A_421, %get3A_422] {strides = array<i32>} : memref<2x64x256xf32, #tpu.memory_space<vmem>>, vector<1x1x16xf32>,
      %get3A_424 = vector.shape_cast %get3A_423 : vector<1x1x16xf32> to vector<16xf32>
      %add3A_425 = arith.addf %get3A_424, %sub3A_418 : vector<16xf32>
      %swap3A_426 = arith.constant 1 : i32
      %swap3A_427 = arith.index_cast %swap3A_426 : i32 to index
      %swap3A_428 = arith.index_cast %scan3A_261 : i32 to index
      %swap3A_429 = arith.constant 80 : index
      %swap3A_430 = tpu.vector_load %arg8[%swap3A_427, %swap3A_428, %swap3A_429] {strides = array<i32>} : memref<2x64x256xf32, #tpu.memory_space<vmem>>, vector<1x1x16xf32>,
      %swap3A_431 = vector.shape_cast %swap3A_430 : vector<1x1x16xf32> to vector<16xf32>
      %swap3A_432 = vector.shape_cast %add3A_425 : vector<16xf32> to vector<1x1x16xf32>
      tpu.vector_store %arg8[%swap3A_427, %swap3A_428, %swap3A_429], %swap3A_432 {strides = array<i32>} : memref<2x64x256xf32, #tpu.memory_space<vmem>>, vector<1x1x16xf32>,
      %mul3A_433 = arith.mulf %sub3A_418, %sub3A_418 : vector<16xf32>
      %add3A_434 = arith.addf %add3A_405, %mul3A_433 : vector<16xf32>
      %get3A_435 = arith.constant 1 : i32
      %get3A_436 = arith.index_cast %get3A_435 : i32 to index
      %get3A_437 = arith.index_cast %scan3A_261 : i32 to index
      %get3A_438 = arith.constant 96 : index
      %get3A_439 = tpu.vector_load %arg8[%get3A_436, %get3A_437, %get3A_438] {strides = array<i32>} : memref<2x64x256xf32, #tpu.memory_space<vmem>>, vector<1x1x16xf32>,
      %get3A_440 = vector.shape_cast %get3A_439 : vector<1x1x16xf32> to vector<16xf32>
      %get3A_441 = arith.constant 1 : i32
      %get3A_442 = arith.index_cast %get3A_441 : i32 to index
      %get3A_443 = arith.index_cast %scan3A_261 : i32 to index
      %get3A_444 = arith.constant 96 : index
      %get3A_445 = tpu.vector_load %arg9[%get3A_442, %get3A_443, %get3A_444] {strides = array<i32>} : memref<2x64x256xf32, #tpu.memory_space<vmem>>, vector<1x1x16xf32>,
      %get3A_446 = vector.shape_cast %get3A_445 : vector<1x1x16xf32> to vector<16xf32>
      %sub3A_447 = arith.subf %get3A_440, %get3A_446 : vector<16xf32>
      %get3A_448 = arith.constant 1 : i32
      %get3A_449 = arith.index_cast %get3A_448 : i32 to index
      %get3A_450 = arith.index_cast %scan3A_261 : i32 to index
      %get3A_451 = arith.constant 96 : index
      %get3A_452 = tpu.vector_load %arg9[%get3A_449, %get3A_450, %get3A_451] {strides = array<i32>} : memref<2x64x256xf32, #tpu.memory_space<vmem>>, vector<1x1x16xf32>,
      %get3A_453 = vector.shape_cast %get3A_452 : vector<1x1x16xf32> to vector<16xf32>
      %add3A_454 = arith.addf %get3A_453, %sub3A_447 : vector<16xf32>
      %swap3A_455 = arith.constant 1 : i32
      %swap3A_456 = arith.index_cast %swap3A_455 : i32 to index
      %swap3A_457 = arith.index_cast %scan3A_261 : i32 to index
      %swap3A_458 = arith.constant 96 : index
      %swap3A_459 = tpu.vector_load %arg8[%swap3A_456, %swap3A_457, %swap3A_458] {strides = array<i32>} : memref<2x64x256xf32, #tpu.memory_space<vmem>>, vector<1x1x16xf32>,
      %swap3A_460 = vector.shape_cast %swap3A_459 : vector<1x1x16xf32> to vector<16xf32>
      %swap3A_461 = vector.shape_cast %add3A_454 : vector<16xf32> to vector<1x1x16xf32>
      tpu.vector_store %arg8[%swap3A_456, %swap3A_457, %swap3A_458], %swap3A_461 {strides = array<i32>} : memref<2x64x256xf32, #tpu.memory_space<vmem>>, vector<1x1x16xf32>,
      %mul3A_462 = arith.mulf %sub3A_447, %sub3A_447 : vector<16xf32>
      %add3A_463 = arith.addf %add3A_434, %mul3A_462 : vector<16xf32>
      %get3A_464 = arith.constant 1 : i32
      %get3A_465 = arith.index_cast %get3A_464 : i32 to index
      %get3A_466 = arith.index_cast %scan3A_261 : i32 to index
      %get3A_467 = arith.constant 112 : index
      %get3A_468 = tpu.vector_load %arg8[%get3A_465, %get3A_466, %get3A_467] {strides = array<i32>} : memref<2x64x256xf32, #tpu.memory_space<vmem>>, vector<1x1x16xf32>,
      %get3A_469 = vector.shape_cast %get3A_468 : vector<1x1x16xf32> to vector<16xf32>
      %get3A_470 = arith.constant 1 : i32
      %get3A_471 = arith.index_cast %get3A_470 : i32 to index
      %get3A_472 = arith.index_cast %scan3A_261 : i32 to index
      %get3A_473 = arith.constant 112 : index
      %get3A_474 = tpu.vector_load %arg9[%get3A_471, %get3A_472, %get3A_473] {strides = array<i32>} : memref<2x64x256xf32, #tpu.memory_space<vmem>>, vector<1x1x16xf32>,
      %get3A_475 = vector.shape_cast %get3A_474 : vector<1x1x16xf32> to vector<16xf32>
      %sub3A_476 = arith.subf %get3A_469, %get3A_475 : vector<16xf32>
      %get3A_477 = arith.constant 1 : i32
      %get3A_478 = arith.index_cast %get3A_477 : i32 to index
      %get3A_479 = arith.index_cast %scan3A_261 : i32 to index
      %get3A_480 = arith.constant 112 : index
      %get3A_481 = tpu.vector_load %arg9[%get3A_478, %get3A_479, %get3A_480] {strides = array<i32>} : memref<2x64x256xf32, #tpu.memory_space<vmem>>, vector<1x1x16xf32>,
      %get3A_482 = vector.shape_cast %get3A_481 : vector<1x1x16xf32> to vector<16xf32>
      %add3A_483 = arith.addf %get3A_482, %sub3A_476 : vector<16xf32>
      %swap3A_484 = arith.constant 1 : i32
      %swap3A_485 = arith.index_cast %swap3A_484 : i32 to index
      %swap3A_486 = arith.index_cast %scan3A_261 : i32 to index
      %swap3A_487 = arith.constant 112 : index
      %swap3A_488 = tpu.vector_load %arg8[%swap3A_485, %swap3A_486, %swap3A_487] {strides = array<i32>} : memref<2x64x256xf32, #tpu.memory_space<vmem>>, vector<1x1x16xf32>,
      %swap3A_489 = vector.shape_cast %swap3A_488 : vector<1x1x16xf32> to vector<16xf32>
      %swap3A_490 = vector.shape_cast %add3A_483 : vector<16xf32> to vector<1x1x16xf32>
      tpu.vector_store %arg8[%swap3A_485, %swap3A_486, %swap3A_487], %swap3A_490 {strides = array<i32>} : memref<2x64x256xf32, #tpu.memory_space<vmem>>, vector<1x1x16xf32>,
      %mul3A_491 = arith.mulf %sub3A_476, %sub3A_476 : vector<16xf32>
      %add3A_492 = arith.addf %add3A_463, %mul3A_491 : vector<16xf32>
      %get3A_493 = arith.constant 1 : i32
      %get3A_494 = arith.index_cast %get3A_493 : i32 to index
      %get3A_495 = arith.index_cast %scan3A_261 : i32 to index
      %get3A_496 = arith.constant 128 : index
      %get3A_497 = tpu.vector_load %arg8[%get3A_494, %get3A_495, %get3A_496] {strides = array<i32>} : memref<2x64x256xf32, #tpu.memory_space<vmem>>, vector<1x1x16xf32>,
      %get3A_498 = vector.shape_cast %get3A_497 : vector<1x1x16xf32> to vector<16xf32>
      %get3A_499 = arith.constant 1 : i32
      %get3A_500 = arith.index_cast %get3A_499 : i32 to index
      %get3A_501 = arith.index_cast %scan3A_261 : i32 to index
      %get3A_502 = arith.constant 128 : index
      %get3A_503 = tpu.vector_load %arg9[%get3A_500, %get3A_501, %get3A_502] {strides = array<i32>} : memref<2x64x256xf32, #tpu.memory_space<vmem>>, vector<1x1x16xf32>,
      %get3A_504 = vector.shape_cast %get3A_503 : vector<1x1x16xf32> to vector<16xf32>
      %sub3A_505 = arith.subf %get3A_498, %get3A_504 : vector<16xf32>
      %get3A_506 = arith.constant 1 : i32
      %get3A_507 = arith.index_cast %get3A_506 : i32 to index
      %get3A_508 = arith.index_cast %scan3A_261 : i32 to index
      %get3A_509 = arith.constant 128 : index
      %get3A_510 = tpu.vector_load %arg9[%get3A_507, %get3A_508, %get3A_509] {strides = array<i32>} : memref<2x64x256xf32, #tpu.memory_space<vmem>>, vector<1x1x16xf32>,
      %get3A_511 = vector.shape_cast %get3A_510 : vector<1x1x16xf32> to vector<16xf32>
      %add3A_512 = arith.addf %get3A_511, %sub3A_505 : vector<16xf32>
      %swap3A_513 = arith.constant 1 : i32
      %swap3A_514 = arith.index_cast %swap3A_513 : i32 to index
      %swap3A_515 = arith.index_cast %scan3A_261 : i32 to index
      %swap3A_516 = arith.constant 128 : index
      %swap3A_517 = tpu.vector_load %arg8[%swap3A_514, %swap3A_515, %swap3A_516] {strides = array<i32>} : memref<2x64x256xf32, #tpu.memory_space<vmem>>, vector<1x1x16xf32>,
      %swap3A_518 = vector.shape_cast %swap3A_517 : vector<1x1x16xf32> to vector<16xf32>
      %swap3A_519 = vector.shape_cast %add3A_512 : vector<16xf32> to vector<1x1x16xf32>
      tpu.vector_store %arg8[%swap3A_514, %swap3A_515, %swap3A_516], %swap3A_519 {strides = array<i32>} : memref<2x64x256xf32, #tpu.memory_space<vmem>>, vector<1x1x16xf32>,
      %mul3A_520 = arith.mulf %sub3A_505, %sub3A_505 : vector<16xf32>
      %add3A_521 = arith.addf %add3A_492, %mul3A_520 : vector<16xf32>
      %get3A_522 = arith.constant 1 : i32
      %get3A_523 = arith.index_cast %get3A_522 : i32 to index
      %get3A_524 = arith.index_cast %scan3A_261 : i32 to index
      %get3A_525 = arith.constant 144 : index
      %get3A_526 = tpu.vector_load %arg8[%get3A_523, %get3A_524, %get3A_525] {strides = array<i32>} : memref<2x64x256xf32, #tpu.memory_space<vmem>>, vector<1x1x16xf32>,
      %get3A_527 = vector.shape_cast %get3A_526 : vector<1x1x16xf32> to vector<16xf32>
      %get3A_528 = arith.constant 1 : i32
      %get3A_529 = arith.index_cast %get3A_528 : i32 to index
      %get3A_530 = arith.index_cast %scan3A_261 : i32 to index
      %get3A_531 = arith.constant 144 : index
      %get3A_532 = tpu.vector_load %arg9[%get3A_529, %get3A_530, %get3A_531] {strides = array<i32>} : memref<2x64x256xf32, #tpu.memory_space<vmem>>, vector<1x1x16xf32>,
      %get3A_533 = vector.shape_cast %get3A_532 : vector<1x1x16xf32> to vector<16xf32>
      %sub3A_534 = arith.subf %get3A_527, %get3A_533 : vector<16xf32>
      %get3A_535 = arith.constant 1 : i32
      %get3A_536 = arith.index_cast %get3A_535 : i32 to index
      %get3A_537 = arith.index_cast %scan3A_261 : i32 to index
      %get3A_538 = arith.constant 144 : index
      %get3A_539 = tpu.vector_load %arg9[%get3A_536, %get3A_537, %get3A_538] {strides = array<i32>} : memref<2x64x256xf32, #tpu.memory_space<vmem>>, vector<1x1x16xf32>,
      %get3A_540 = vector.shape_cast %get3A_539 : vector<1x1x16xf32> to vector<16xf32>
      %add3A_541 = arith.addf %get3A_540, %sub3A_534 : vector<16xf32>
      %swap3A_542 = arith.constant 1 : i32
      %swap3A_543 = arith.index_cast %swap3A_542 : i32 to index
      %swap3A_544 = arith.index_cast %scan3A_261 : i32 to index
      %swap3A_545 = arith.constant 144 : index
      %swap3A_546 = tpu.vector_load %arg8[%swap3A_543, %swap3A_544, %swap3A_545] {strides = array<i32>} : memref<2x64x256xf32, #tpu.memory_space<vmem>>, vector<1x1x16xf32>,
      %swap3A_547 = vector.shape_cast %swap3A_546 : vector<1x1x16xf32> to vector<16xf32>
      %swap3A_548 = vector.shape_cast %add3A_541 : vector<16xf32> to vector<1x1x16xf32>
      tpu.vector_store %arg8[%swap3A_543, %swap3A_544, %swap3A_545], %swap3A_548 {strides = array<i32>} : memref<2x64x256xf32, #tpu.memory_space<vmem>>, vector<1x1x16xf32>,
      %mul3A_549 = arith.mulf %sub3A_534, %sub3A_534 : vector<16xf32>
      %add3A_550 = arith.addf %add3A_521, %mul3A_549 : vector<16xf32>
      %get3A_551 = arith.constant 1 : i32
      %get3A_552 = arith.index_cast %get3A_551 : i32 to index
      %get3A_553 = arith.index_cast %scan3A_261 : i32 to index
      %get3A_554 = arith.constant 160 : index
      %get3A_555 = tpu.vector_load %arg8[%get3A_552, %get3A_553, %get3A_554] {strides = array<i32>} : memref<2x64x256xf32, #tpu.memory_space<vmem>>, vector<1x1x16xf32>,
      %get3A_556 = vector.shape_cast %get3A_555 : vector<1x1x16xf32> to vector<16xf32>
      %get3A_557 = arith.constant 1 : i32
      %get3A_558 = arith.index_cast %get3A_557 : i32 to index
      %get3A_559 = arith.index_cast %scan3A_261 : i32 to index
      %get3A_560 = arith.constant 160 : index
      %get3A_561 = tpu.vector_load %arg9[%get3A_558, %get3A_559, %get3A_560] {strides = array<i32>} : memref<2x64x256xf32, #tpu.memory_space<vmem>>, vector<1x1x16xf32>,
      %get3A_562 = vector.shape_cast %get3A_561 : vector<1x1x16xf32> to vector<16xf32>
      %sub3A_563 = arith.subf %get3A_556, %get3A_562 : vector<16xf32>
      %get3A_564 = arith.constant 1 : i32
      %get3A_565 = arith.index_cast %get3A_564 : i32 to index
      %get3A_566 = arith.index_cast %scan3A_261 : i32 to index
      %get3A_567 = arith.constant 160 : index
      %get3A_568 = tpu.vector_load %arg9[%get3A_565, %get3A_566, %get3A_567] {strides = array<i32>} : memref<2x64x256xf32, #tpu.memory_space<vmem>>, vector<1x1x16xf32>,
      %get3A_569 = vector.shape_cast %get3A_568 : vector<1x1x16xf32> to vector<16xf32>
      %add3A_570 = arith.addf %get3A_569, %sub3A_563 : vector<16xf32>
      %swap3A_571 = arith.constant 1 : i32
      %swap3A_572 = arith.index_cast %swap3A_571 : i32 to index
      %swap3A_573 = arith.index_cast %scan3A_261 : i32 to index
      %swap3A_574 = arith.constant 160 : index
      %swap3A_575 = tpu.vector_load %arg8[%swap3A_572, %swap3A_573, %swap3A_574] {strides = array<i32>} : memref<2x64x256xf32, #tpu.memory_space<vmem>>, vector<1x1x16xf32>,
      %swap3A_576 = vector.shape_cast %swap3A_575 : vector<1x1x16xf32> to vector<16xf32>
      %swap3A_577 = vector.shape_cast %add3A_570 : vector<16xf32> to vector<1x1x16xf32>
      tpu.vector_store %arg8[%swap3A_572, %swap3A_573, %swap3A_574], %swap3A_577 {strides = array<i32>} : memref<2x64x256xf32, #tpu.memory_space<vmem>>, vector<1x1x16xf32>,
      %mul3A_578 = arith.mulf %sub3A_563, %sub3A_563 : vector<16xf32>
      %add3A_579 = arith.addf %add3A_550, %mul3A_578 : vector<16xf32>
      %get3A_580 = arith.constant 1 : i32
      %get3A_581 = arith.index_cast %get3A_580 : i32 to index
      %get3A_582 = arith.index_cast %scan3A_261 : i32 to index
      %get3A_583 = arith.constant 176 : index
      %get3A_584 = tpu.vector_load %arg8[%get3A_581, %get3A_582, %get3A_583] {strides = array<i32>} : memref<2x64x256xf32, #tpu.memory_space<vmem>>, vector<1x1x16xf32>,
      %get3A_585 = vector.shape_cast %get3A_584 : vector<1x1x16xf32> to vector<16xf32>
      %get3A_586 = arith.constant 1 : i32
      %get3A_587 = arith.index_cast %get3A_586 : i32 to index
      %get3A_588 = arith.index_cast %scan3A_261 : i32 to index
      %get3A_589 = arith.constant 176 : index
      %get3A_590 = tpu.vector_load %arg9[%get3A_587, %get3A_588, %get3A_589] {strides = array<i32>} : memref<2x64x256xf32, #tpu.memory_space<vmem>>, vector<1x1x16xf32>,
      %get3A_591 = vector.shape_cast %get3A_590 : vector<1x1x16xf32> to vector<16xf32>
      %sub3A_592 = arith.subf %get3A_585, %get3A_591 : vector<16xf32>
      %get3A_593 = arith.constant 1 : i32
      %get3A_594 = arith.index_cast %get3A_593 : i32 to index
      %get3A_595 = arith.index_cast %scan3A_261 : i32 to index
      %get3A_596 = arith.constant 176 : index
      %get3A_597 = tpu.vector_load %arg9[%get3A_594, %get3A_595, %get3A_596] {strides = array<i32>} : memref<2x64x256xf32, #tpu.memory_space<vmem>>, vector<1x1x16xf32>,
      %get3A_598 = vector.shape_cast %get3A_597 : vector<1x1x16xf32> to vector<16xf32>
      %add3A_599 = arith.addf %get3A_598, %sub3A_592 : vector<16xf32>
      %swap3A_600 = arith.constant 1 : i32
      %swap3A_601 = arith.index_cast %swap3A_600 : i32 to index
      %swap3A_602 = arith.index_cast %scan3A_261 : i32 to index
      %swap3A_603 = arith.constant 176 : index
      %swap3A_604 = tpu.vector_load %arg8[%swap3A_601, %swap3A_602, %swap3A_603] {strides = array<i32>} : memref<2x64x256xf32, #tpu.memory_space<vmem>>, vector<1x1x16xf32>,
      %swap3A_605 = vector.shape_cast %swap3A_604 : vector<1x1x16xf32> to vector<16xf32>
      %swap3A_606 = vector.shape_cast %add3A_599 : vector<16xf32> to vector<1x1x16xf32>
      tpu.vector_store %arg8[%swap3A_601, %swap3A_602, %swap3A_603], %swap3A_606 {strides = array<i32>} : memref<2x64x256xf32, #tpu.memory_space<vmem>>, vector<1x1x16xf32>,
      %mul3A_607 = arith.mulf %sub3A_592, %sub3A_592 : vector<16xf32>
      %add3A_608 = arith.addf %add3A_579, %mul3A_607 : vector<16xf32>
      %get3A_609 = arith.constant 1 : i32
      %get3A_610 = arith.index_cast %get3A_609 : i32 to index
      %get3A_611 = arith.index_cast %scan3A_261 : i32 to index
      %get3A_612 = arith.constant 192 : index
      %get3A_613 = tpu.vector_load %arg8[%get3A_610, %get3A_611, %get3A_612] {strides = array<i32>} : memref<2x64x256xf32, #tpu.memory_space<vmem>>, vector<1x1x16xf32>,
      %get3A_614 = vector.shape_cast %get3A_613 : vector<1x1x16xf32> to vector<16xf32>
      %get3A_615 = arith.constant 1 : i32
      %get3A_616 = arith.index_cast %get3A_615 : i32 to index
      %get3A_617 = arith.index_cast %scan3A_261 : i32 to index
      %get3A_618 = arith.constant 192 : index
      %get3A_619 = tpu.vector_load %arg9[%get3A_616, %get3A_617, %get3A_618] {strides = array<i32>} : memref<2x64x256xf32, #tpu.memory_space<vmem>>, vector<1x1x16xf32>,
      %get3A_620 = vector.shape_cast %get3A_619 : vector<1x1x16xf32> to vector<16xf32>
      %sub3A_621 = arith.subf %get3A_614, %get3A_620 : vector<16xf32>
      %get3A_622 = arith.constant 1 : i32
      %get3A_623 = arith.index_cast %get3A_622 : i32 to index
      %get3A_624 = arith.index_cast %scan3A_261 : i32 to index
      %get3A_625 = arith.constant 192 : index
      %get3A_626 = tpu.vector_load %arg9[%get3A_623, %get3A_624, %get3A_625] {strides = array<i32>} : memref<2x64x256xf32, #tpu.memory_space<vmem>>, vector<1x1x16xf32>,
      %get3A_627 = vector.shape_cast %get3A_626 : vector<1x1x16xf32> to vector<16xf32>
      %add3A_628 = arith.addf %get3A_627, %sub3A_621 : vector<16xf32>
      %swap3A_629 = arith.constant 1 : i32
      %swap3A_630 = arith.index_cast %swap3A_629 : i32 to index
      %swap3A_631 = arith.index_cast %scan3A_261 : i32 to index
      %swap3A_632 = arith.constant 192 : index
      %swap3A_633 = tpu.vector_load %arg8[%swap3A_630, %swap3A_631, %swap3A_632] {strides = array<i32>} : memref<2x64x256xf32, #tpu.memory_space<vmem>>, vector<1x1x16xf32>,
      %swap3A_634 = vector.shape_cast %swap3A_633 : vector<1x1x16xf32> to vector<16xf32>
      %swap3A_635 = vector.shape_cast %add3A_628 : vector<16xf32> to vector<1x1x16xf32>
      tpu.vector_store %arg8[%swap3A_630, %swap3A_631, %swap3A_632], %swap3A_635 {strides = array<i32>} : memref<2x64x256xf32, #tpu.memory_space<vmem>>, vector<1x1x16xf32>,
      %mul3A_636 = arith.mulf %sub3A_621, %sub3A_621 : vector<16xf32>
      %add3A_637 = arith.addf %add3A_608, %mul3A_636 : vector<16xf32>
      %get3A_638 = arith.constant 1 : i32
      %get3A_639 = arith.index_cast %get3A_638 : i32 to index
      %get3A_640 = arith.index_cast %scan3A_261 : i32 to index
      %get3A_641 = arith.constant 208 : index
      %get3A_642 = tpu.vector_load %arg8[%get3A_639, %get3A_640, %get3A_641] {strides = array<i32>} : memref<2x64x256xf32, #tpu.memory_space<vmem>>, vector<1x1x16xf32>,
      %get3A_643 = vector.shape_cast %get3A_642 : vector<1x1x16xf32> to vector<16xf32>
      %get3A_644 = arith.constant 1 : i32
      %get3A_645 = arith.index_cast %get3A_644 : i32 to index
      %get3A_646 = arith.index_cast %scan3A_261 : i32 to index
      %get3A_647 = arith.constant 208 : index
      %get3A_648 = tpu.vector_load %arg9[%get3A_645, %get3A_646, %get3A_647] {strides = array<i32>} : memref<2x64x256xf32, #tpu.memory_space<vmem>>, vector<1x1x16xf32>,
      %get3A_649 = vector.shape_cast %get3A_648 : vector<1x1x16xf32> to vector<16xf32>
      %sub3A_650 = arith.subf %get3A_643, %get3A_649 : vector<16xf32>
      %get3A_651 = arith.constant 1 : i32
      %get3A_652 = arith.index_cast %get3A_651 : i32 to index
      %get3A_653 = arith.index_cast %scan3A_261 : i32 to index
      %get3A_654 = arith.constant 208 : index
      %get3A_655 = tpu.vector_load %arg9[%get3A_652, %get3A_653, %get3A_654] {strides = array<i32>} : memref<2x64x256xf32, #tpu.memory_space<vmem>>, vector<1x1x16xf32>,
      %get3A_656 = vector.shape_cast %get3A_655 : vector<1x1x16xf32> to vector<16xf32>
      %add3A_657 = arith.addf %get3A_656, %sub3A_650 : vector<16xf32>
      %swap3A_658 = arith.constant 1 : i32
      %swap3A_659 = arith.index_cast %swap3A_658 : i32 to index
      %swap3A_660 = arith.index_cast %scan3A_261 : i32 to index
      %swap3A_661 = arith.constant 208 : index
      %swap3A_662 = tpu.vector_load %arg8[%swap3A_659, %swap3A_660, %swap3A_661] {strides = array<i32>} : memref<2x64x256xf32, #tpu.memory_space<vmem>>, vector<1x1x16xf32>,
      %swap3A_663 = vector.shape_cast %swap3A_662 : vector<1x1x16xf32> to vector<16xf32>
      %swap3A_664 = vector.shape_cast %add3A_657 : vector<16xf32> to vector<1x1x16xf32>
      tpu.vector_store %arg8[%swap3A_659, %swap3A_660, %swap3A_661], %swap3A_664 {strides = array<i32>} : memref<2x64x256xf32, #tpu.memory_space<vmem>>, vector<1x1x16xf32>,
      %mul3A_665 = arith.mulf %sub3A_650, %sub3A_650 : vector<16xf32>
      %add3A_666 = arith.addf %add3A_637, %mul3A_665 : vector<16xf32>
      %get3A_667 = arith.constant 1 : i32
      %get3A_668 = arith.index_cast %get3A_667 : i32 to index
      %get3A_669 = arith.index_cast %scan3A_261 : i32 to index
      %get3A_670 = arith.constant 224 : index
      %get3A_671 = tpu.vector_load %arg8[%get3A_668, %get3A_669, %get3A_670] {strides = array<i32>} : memref<2x64x256xf32, #tpu.memory_space<vmem>>, vector<1x1x16xf32>,
      %get3A_672 = vector.shape_cast %get3A_671 : vector<1x1x16xf32> to vector<16xf32>
      %get3A_673 = arith.constant 1 : i32
      %get3A_674 = arith.index_cast %get3A_673 : i32 to index
      %get3A_675 = arith.index_cast %scan3A_261 : i32 to index
      %get3A_676 = arith.constant 224 : index
      %get3A_677 = tpu.vector_load %arg9[%get3A_674, %get3A_675, %get3A_676] {strides = array<i32>} : memref<2x64x256xf32, #tpu.memory_space<vmem>>, vector<1x1x16xf32>,
      %get3A_678 = vector.shape_cast %get3A_677 : vector<1x1x16xf32> to vector<16xf32>
      %sub3A_679 = arith.subf %get3A_672, %get3A_678 : vector<16xf32>
      %get3A_680 = arith.constant 1 : i32
      %get3A_681 = arith.index_cast %get3A_680 : i32 to index
      %get3A_682 = arith.index_cast %scan3A_261 : i32 to index
      %get3A_683 = arith.constant 224 : index
      %get3A_684 = tpu.vector_load %arg9[%get3A_681, %get3A_682, %get3A_683] {strides = array<i32>} : memref<2x64x256xf32, #tpu.memory_space<vmem>>, vector<1x1x16xf32>,
      %get3A_685 = vector.shape_cast %get3A_684 : vector<1x1x16xf32> to vector<16xf32>
      %add3A_686 = arith.addf %get3A_685, %sub3A_679 : vector<16xf32>
      %swap3A_687 = arith.constant 1 : i32
      %swap3A_688 = arith.index_cast %swap3A_687 : i32 to index
      %swap3A_689 = arith.index_cast %scan3A_261 : i32 to index
      %swap3A_690 = arith.constant 224 : index
      %swap3A_691 = tpu.vector_load %arg8[%swap3A_688, %swap3A_689, %swap3A_690] {strides = array<i32>} : memref<2x64x256xf32, #tpu.memory_space<vmem>>, vector<1x1x16xf32>,
      %swap3A_692 = vector.shape_cast %swap3A_691 : vector<1x1x16xf32> to vector<16xf32>
      %swap3A_693 = vector.shape_cast %add3A_686 : vector<16xf32> to vector<1x1x16xf32>
      tpu.vector_store %arg8[%swap3A_688, %swap3A_689, %swap3A_690], %swap3A_693 {strides = array<i32>} : memref<2x64x256xf32, #tpu.memory_space<vmem>>, vector<1x1x16xf32>,
      %mul3A_694 = arith.mulf %sub3A_679, %sub3A_679 : vector<16xf32>
      %add3A_695 = arith.addf %add3A_666, %mul3A_694 : vector<16xf32>
      %get3A_696 = arith.constant 1 : i32
      %get3A_697 = arith.index_cast %get3A_696 : i32 to index
      %get3A_698 = arith.index_cast %scan3A_261 : i32 to index
      %get3A_699 = arith.constant 240 : index
      %get3A_700 = tpu.vector_load %arg8[%get3A_697, %get3A_698, %get3A_699] {strides = array<i32>} : memref<2x64x256xf32, #tpu.memory_space<vmem>>, vector<1x1x16xf32>,
      %get3A_701 = vector.shape_cast %get3A_700 : vector<1x1x16xf32> to vector<16xf32>
      %get3A_702 = arith.constant 1 : i32
      %get3A_703 = arith.index_cast %get3A_702 : i32 to index
      %get3A_704 = arith.index_cast %scan3A_261 : i32 to index
      %get3A_705 = arith.constant 240 : index
      %get3A_706 = tpu.vector_load %arg9[%get3A_703, %get3A_704, %get3A_705] {strides = array<i32>} : memref<2x64x256xf32, #tpu.memory_space<vmem>>, vector<1x1x16xf32>,
      %get3A_707 = vector.shape_cast %get3A_706 : vector<1x1x16xf32> to vector<16xf32>
      %sub3A_708 = arith.subf %get3A_701, %get3A_707 : vector<16xf32>
      %get3A_709 = arith.constant 1 : i32
      %get3A_710 = arith.index_cast %get3A_709 : i32 to index
      %get3A_711 = arith.index_cast %scan3A_261 : i32 to index
      %get3A_712 = arith.constant 240 : index
      %get3A_713 = tpu.vector_load %arg9[%get3A_710, %get3A_711, %get3A_712] {strides = array<i32>} : memref<2x64x256xf32, #tpu.memory_space<vmem>>, vector<1x1x16xf32>,
      %get3A_714 = vector.shape_cast %get3A_713 : vector<1x1x16xf32> to vector<16xf32>
      %add3A_715 = arith.addf %get3A_714, %sub3A_708 : vector<16xf32>
      %swap3A_716 = arith.constant 1 : i32
      %swap3A_717 = arith.index_cast %swap3A_716 : i32 to index
      %swap3A_718 = arith.index_cast %scan3A_261 : i32 to index
      %swap3A_719 = arith.constant 240 : index
      %swap3A_720 = tpu.vector_load %arg8[%swap3A_717, %swap3A_718, %swap3A_719] {strides = array<i32>} : memref<2x64x256xf32, #tpu.memory_space<vmem>>, vector<1x1x16xf32>,
      %swap3A_721 = vector.shape_cast %swap3A_720 : vector<1x1x16xf32> to vector<16xf32>
      %swap3A_722 = vector.shape_cast %add3A_715 : vector<16xf32> to vector<1x1x16xf32>
      tpu.vector_store %arg8[%swap3A_717, %swap3A_718, %swap3A_719], %swap3A_722 {strides = array<i32>} : memref<2x64x256xf32, #tpu.memory_space<vmem>>, vector<1x1x16xf32>,
      %mul3A_723 = arith.mulf %sub3A_708, %sub3A_708 : vector<16xf32>
      %add3A_724 = arith.addf %add3A_695, %mul3A_723 : vector<16xf32>
      scf.yield %add3A_724 : vector<16xf32>
    }
    %scan3A_152 = arith.constant 64 : i32
    %add3A_153 = arith.constant 64 : i32
    %add3A_154 = arith.addi %mul3A_2, %add3A_153 : i32
    %run_scoped3A_155 = arith.constant 1 : i32
    "tpu.region"() ({
      %run_scoped3A_261 = tpu.sem_alloc : memref<!tpu.dma_semaphore, #tpu.memory_space<semaphore_mem>>
      %dma_start3A_262 = arith.constant 0 : i32
      %dma_start3A_263 = arith.constant 0 : i32
      %dma_start3A_264 = tpu.memref_slice %arg8[%run_scoped3A_155, %dma_start3A_262, %dma_start3A_263] : memref<2x64x256xf32, #tpu.memory_space<vmem>> -> memref<1x64x256xf32, #tpu.memory_space<vmem>>
      %dma_start3A_265 = tpu.memref_squeeze %dma_start3A_264 : memref<1x64x256xf32, #tpu.memory_space<vmem>> -> memref<64x256xf32, #tpu.memory_space<vmem>>
      %dma_start3A_266 = arith.constant 0 : i32
      %dma_start3A_267 = tpu.memref_slice %arg5[%add3A_154, %dma_start3A_266] : memref<8192x256xf32, #tpu.memory_space<hbm>> -> memref<64x256xf32, #tpu.memory_space<hbm>>
      %dma_start3A_268 = arith.constant 0 : i32
      %dma_start3A_269 = tpu.memref_slice %arg5[%add3A_154, %dma_start3A_268] : memref<8192x256xf32, #tpu.memory_space<hbm>> -> memref<64x256xf32, #tpu.memory_space<hbm>>
      %dma_start3A_270 = arith.constant 0 : i32
      %dma_start3A_271 = arith.constant 0 : i32
      %dma_start3A_272 = tpu.memref_slice %arg8[%run_scoped3A_155, %dma_start3A_270, %dma_start3A_271] : memref<2x64x256xf32, #tpu.memory_space<vmem>> -> memref<1x64x256xf32, #tpu.memory_space<vmem>>
      %dma_start3A_273 = tpu.memref_squeeze %dma_start3A_272 : memref<1x64x256xf32, #tpu.memory_space<vmem>> -> memref<64x256xf32, #tpu.memory_space<vmem>>
      tpu.enqueue_dma source(%dma_start3A_273 : memref<64x256xf32, #tpu.memory_space<vmem>>) target(%dma_start3A_269 : memref<64x256xf32, #tpu.memory_space<hbm>>) target_semaphore(%run_scoped3A_261 : memref<!tpu.dma_semaphore, #tpu.memory_space<semaphore_mem>>)
      %dma_wait3A_274 = arith.constant 0 : i32
      %dma_wait3A_275 = arith.constant 0 : i32
      %dma_wait3A_276 = tpu.memref_slice %arg8[%run_scoped3A_155, %dma_wait3A_274, %dma_wait3A_275] : memref<2x64x256xf32, #tpu.memory_space<vmem>> -> memref<1x64x256xf32, #tpu.memory_space<vmem>>
      %dma_wait3A_277 = tpu.memref_squeeze %dma_wait3A_276 : memref<1x64x256xf32, #tpu.memory_space<vmem>> -> memref<64x256xf32, #tpu.memory_space<vmem>>
      %dma_wait3A_278 = arith.constant 0 : i32
      %dma_wait3A_279 = tpu.memref_slice %arg5[%add3A_154, %dma_wait3A_278] : memref<8192x256xf32, #tpu.memory_space<hbm>> -> memref<64x256xf32, #tpu.memory_space<hbm>>
      %dma_wait3A_280 = arith.constant 0 : i32
      %dma_wait3A_281 = tpu.memref_slice %arg5[%add3A_154, %dma_wait3A_280] : memref<8192x256xf32, #tpu.memory_space<hbm>> -> memref<64x256xf32, #tpu.memory_space<hbm>>
      %dma_wait3A_282 = arith.constant 0 : i32
      %dma_wait3A_283 = arith.constant 0 : i32
      %dma_wait3A_284 = tpu.memref_slice %arg8[%run_scoped3A_155, %dma_wait3A_282, %dma_wait3A_283] : memref<2x64x256xf32, #tpu.memory_space<vmem>> -> memref<1x64x256xf32, #tpu.memory_space<vmem>>
      %dma_wait3A_285 = tpu.memref_squeeze %dma_wait3A_284 : memref<1x64x256xf32, #tpu.memory_space<vmem>> -> memref<64x256xf32, #tpu.memory_space<vmem>>
      tpu.wait_dma2 semaphore(%run_scoped3A_261 : memref<!tpu.dma_semaphore, #tpu.memory_space<semaphore_mem>>) src(%dma_wait3A_285 : memref<64x256xf32, #tpu.memory_space<vmem>>) dst(%dma_wait3A_281 : memref<64x256xf32, #tpu.memory_space<hbm>>)
      tpu.yield
    }) : () -> ()
    %dma_wait3A_156 = arith.constant 0 : i32
    %dma_wait3A_157 = arith.constant 0 : i32
    %dma_wait3A_158 = arith.constant 0 : i32
    %dma_wait3A_159 = arith.constant 0 : i32
    %dma_wait3A_160 = tpu.memref_slice %arg8[%dma_wait3A_157, %dma_wait3A_158, %dma_wait3A_159] : memref<2x64x256xf32, #tpu.memory_space<vmem>> -> memref<1x64x256xf32, #tpu.memory_space<vmem>>
    %dma_wait3A_161 = tpu.memref_squeeze %dma_wait3A_160 : memref<1x64x256xf32, #tpu.memory_space<vmem>> -> memref<64x256xf32, #tpu.memory_space<vmem>>
    %dma_wait3A_162 = arith.constant 0 : i32
    %dma_wait3A_163 = tpu.memref_slice %arg7[%dma_wait3A_156, %dma_wait3A_162] : memref<2x64xi32, #tpu.memory_space<vmem>> -> memref<1x64xi32, #tpu.memory_space<vmem>>
    %dma_wait3A_164 = tpu.memref_squeeze %dma_wait3A_163 : memref<1x64xi32, #tpu.memory_space<vmem>> -> memref<64xi32, #tpu.memory_space<vmem>>
    %dma_wait3A_165 = arith.constant 0 : i32
    %dma_wait3A_166 = arith.constant 0 : i32
    %dma_wait3A_167 = tpu.memref_slice %arg2[%dma_wait3A_165, %dma_wait3A_166] : memref<1024x256xf32, #tpu.memory_space<hbm>> -> memref<1024x256xf32, #tpu.memory_space<hbm>>
    tpu.wait_indirect_dma semaphore(%arg11 : memref<!tpu.dma_semaphore, #tpu.memory_space<semaphore_mem>>) src(%dma_wait3A_167 : memref<1024x256xf32, #tpu.memory_space<hbm>>) dst(%dma_wait3A_161 : memref<64x256xf32, #tpu.memory_space<vmem>>)
    %dma_wait3A_168 = arith.constant 0 : i32
    %dma_wait3A_169 = arith.constant 0 : i32
    %dma_wait3A_170 = arith.constant 0 : i32
    %dma_wait3A_171 = tpu.memref_slice %arg9[%dma_wait3A_168, %dma_wait3A_169, %dma_wait3A_170] : memref<2x64x256xf32, #tpu.memory_space<vmem>> -> memref<1x64x256xf32, #tpu.memory_space<vmem>>
    %dma_wait3A_172 = tpu.memref_squeeze %dma_wait3A_171 : memref<1x64x256xf32, #tpu.memory_space<vmem>> -> memref<64x256xf32, #tpu.memory_space<vmem>>
    %dma_wait3A_173 = arith.constant 0 : i32
    %dma_wait3A_174 = arith.constant 0 : i32
    %dma_wait3A_175 = tpu.memref_slice %arg4[%dma_wait3A_173, %dma_wait3A_174] : memref<8192x256xf32, #tpu.memory_space<hbm>> -> memref<64x256xf32, #tpu.memory_space<hbm>>
    %dma_wait3A_176 = arith.constant 0 : i32
    %dma_wait3A_177 = arith.constant 0 : i32
    %dma_wait3A_178 = tpu.memref_slice %arg9[%dma_wait3A_168, %dma_wait3A_176, %dma_wait3A_177] : memref<2x64x256xf32, #tpu.memory_space<vmem>> -> memref<1x64x256xf32, #tpu.memory_space<vmem>>
    %dma_wait3A_179 = tpu.memref_squeeze %dma_wait3A_178 : memref<1x64x256xf32, #tpu.memory_space<vmem>> -> memref<64x256xf32, #tpu.memory_space<vmem>>
    %dma_wait3A_180 = arith.constant 0 : i32
    %dma_wait3A_181 = arith.constant 0 : i32
    %dma_wait3A_182 = tpu.memref_slice %arg4[%dma_wait3A_180, %dma_wait3A_181] : memref<8192x256xf32, #tpu.memory_space<hbm>> -> memref<64x256xf32, #tpu.memory_space<hbm>>
    tpu.wait_dma2 semaphore(%arg12 : memref<!tpu.dma_semaphore, #tpu.memory_space<semaphore_mem>>) src(%dma_wait3A_182 : memref<64x256xf32, #tpu.memory_space<hbm>>) dst(%dma_wait3A_179 : memref<64x256xf32, #tpu.memory_space<vmem>>)
    %add3A_183 = arith.constant 192 : i32
    %add3A_184 = arith.addi %mul3A_2, %add3A_183 : i32
    %run_scoped3A_185 = arith.constant 1 : i32
    "tpu.region"() ({
      %run_scoped3A_261 = tpu.sem_alloc : memref<!tpu.dma_semaphore, #tpu.memory_space<semaphore_mem>>
      %dma_start3A_262 = arith.constant 0 : i32
      %dma_start3A_263 = tpu.memref_slice %arg7[%run_scoped3A_185, %dma_start3A_262] : memref<2x64xi32, #tpu.memory_space<vmem>> -> memref<1x64xi32, #tpu.memory_space<vmem>>
      %dma_start3A_264 = tpu.memref_squeeze %dma_start3A_263 : memref<1x64xi32, #tpu.memory_space<vmem>> -> memref<64xi32, #tpu.memory_space<vmem>>
      %dma_start3A_265 = tpu.memref_slice %arg3[%add3A_184] : memref<8192xi32, #tpu.memory_space<hbm>> -> memref<64xi32, #tpu.memory_space<hbm>>
      %dma_start3A_266 = arith.constant 0 : i32
      %dma_start3A_267 = tpu.memref_slice %arg7[%run_scoped3A_185, %dma_start3A_266] : memref<2x64xi32, #tpu.memory_space<vmem>> -> memref<1x64xi32, #tpu.memory_space<vmem>>
      %dma_start3A_268 = tpu.memref_squeeze %dma_start3A_267 : memref<1x64xi32, #tpu.memory_space<vmem>> -> memref<64xi32, #tpu.memory_space<vmem>>
      %dma_start3A_269 = tpu.memref_slice %arg3[%add3A_184] : memref<8192xi32, #tpu.memory_space<hbm>> -> memref<64xi32, #tpu.memory_space<hbm>>
      tpu.enqueue_dma source(%dma_start3A_269 : memref<64xi32, #tpu.memory_space<hbm>>) target(%dma_start3A_268 : memref<64xi32, #tpu.memory_space<vmem>>) target_semaphore(%run_scoped3A_261 : memref<!tpu.dma_semaphore, #tpu.memory_space<semaphore_mem>>)
      %dma_wait3A_270 = arith.constant 0 : i32
      %dma_wait3A_271 = tpu.memref_slice %arg7[%run_scoped3A_185, %dma_wait3A_270] : memref<2x64xi32, #tpu.memory_space<vmem>> -> memref<1x64xi32, #tpu.memory_space<vmem>>
      %dma_wait3A_272 = tpu.memref_squeeze %dma_wait3A_271 : memref<1x64xi32, #tpu.memory_space<vmem>> -> memref<64xi32, #tpu.memory_space<vmem>>
      %dma_wait3A_273 = tpu.memref_slice %arg3[%add3A_184] : memref<8192xi32, #tpu.memory_space<hbm>> -> memref<64xi32, #tpu.memory_space<hbm>>
      %dma_wait3A_274 = arith.constant 0 : i32
      %dma_wait3A_275 = tpu.memref_slice %arg7[%run_scoped3A_185, %dma_wait3A_274] : memref<2x64xi32, #tpu.memory_space<vmem>> -> memref<1x64xi32, #tpu.memory_space<vmem>>
      %dma_wait3A_276 = tpu.memref_squeeze %dma_wait3A_275 : memref<1x64xi32, #tpu.memory_space<vmem>> -> memref<64xi32, #tpu.memory_space<vmem>>
      %dma_wait3A_277 = tpu.memref_slice %arg3[%add3A_184] : memref<8192xi32, #tpu.memory_space<hbm>> -> memref<64xi32, #tpu.memory_space<hbm>>
      tpu.wait_dma2 semaphore(%run_scoped3A_261 : memref<!tpu.dma_semaphore, #tpu.memory_space<semaphore_mem>>) src(%dma_wait3A_277 : memref<64xi32, #tpu.memory_space<hbm>>) dst(%dma_wait3A_276 : memref<64xi32, #tpu.memory_space<vmem>>)
      tpu.yield
    }) : () -> ()
    %dma_start3A_186 = arith.constant 1 : i32
    %dma_start3A_187 = arith.constant 1 : i32
    %dma_start3A_188 = arith.constant 0 : i32
    %dma_start3A_189 = arith.constant 0 : i32
    %dma_start3A_190 = tpu.memref_slice %arg8[%dma_start3A_187, %dma_start3A_188, %dma_start3A_189] : memref<2x64x256xf32, #tpu.memory_space<vmem>> -> memref<1x64x256xf32, #tpu.memory_space<vmem>>
    %dma_start3A_191 = tpu.memref_squeeze %dma_start3A_190 : memref<1x64x256xf32, #tpu.memory_space<vmem>> -> memref<64x256xf32, #tpu.memory_space<vmem>>
    %dma_start3A_192 = arith.constant 0 : i32
    %dma_start3A_193 = tpu.memref_slice %arg7[%dma_start3A_186, %dma_start3A_192] : memref<2x64xi32, #tpu.memory_space<vmem>> -> memref<1x64xi32, #tpu.memory_space<vmem>>
    %dma_start3A_194 = tpu.memref_squeeze %dma_start3A_193 : memref<1x64xi32, #tpu.memory_space<vmem>> -> memref<64xi32, #tpu.memory_space<vmem>>
    %dma_start3A_195 = arith.constant 0 : i32
    %dma_start3A_196 = arith.constant 0 : i32
    %dma_start3A_197 = tpu.memref_slice %arg2[%dma_start3A_195, %dma_start3A_196] : memref<1024x256xf32, #tpu.memory_space<hbm>> -> memref<1024x256xf32, #tpu.memory_space<hbm>>
    tpu.enqueue_indirect_dma source(%dma_start3A_197 : memref<1024x256xf32, #tpu.memory_space<hbm>>) target(%dma_start3A_191 : memref<64x256xf32, #tpu.memory_space<vmem>>) offsets(%dma_start3A_194 : memref<64xi32, #tpu.memory_space<vmem>>) semaphore(%arg11 : memref<!tpu.dma_semaphore, #tpu.memory_space<semaphore_mem>>)
    %dma_start3A_198 = arith.constant 1 : i32
    %dma_start3A_199 = arith.constant 0 : i32
    %dma_start3A_200 = arith.constant 0 : i32
    %dma_start3A_201 = tpu.memref_slice %arg9[%dma_start3A_198, %dma_start3A_199, %dma_start3A_200] : memref<2x64x256xf32, #tpu.memory_space<vmem>> -> memref<1x64x256xf32, #tpu.memory_space<vmem>>
    %dma_start3A_202 = tpu.memref_squeeze %dma_start3A_201 : memref<1x64x256xf32, #tpu.memory_space<vmem>> -> memref<64x256xf32, #tpu.memory_space<vmem>>
    %dma_start3A_203 = arith.constant 0 : i32
    %dma_start3A_204 = tpu.memref_slice %arg4[%add3A_184, %dma_start3A_203] : memref<8192x256xf32, #tpu.memory_space<hbm>> -> memref<64x256xf32, #tpu.memory_space<hbm>>
    %dma_start3A_205 = arith.constant 0 : i32
    %dma_start3A_206 = arith.constant 0 : i32
    %dma_start3A_207 = tpu.memref_slice %arg9[%dma_start3A_198, %dma_start3A_205, %dma_start3A_206] : memref<2x64x256xf32, #tpu.memory_space<vmem>> -> memref<1x64x256xf32, #tpu.memory_space<vmem>>
    %dma_start3A_208 = tpu.memref_squeeze %dma_start3A_207 : memref<1x64x256xf32, #tpu.memory_space<vmem>> -> memref<64x256xf32, #tpu.memory_space<vmem>>
    %dma_start3A_209 = arith.constant 0 : i32
    %dma_start3A_210 = tpu.memref_slice %arg4[%add3A_184, %dma_start3A_209] : memref<8192x256xf32, #tpu.memory_space<hbm>> -> memref<64x256xf32, #tpu.memory_space<hbm>>
    tpu.enqueue_dma source(%dma_start3A_210 : memref<64x256xf32, #tpu.memory_space<hbm>>) target(%dma_start3A_208 : memref<64x256xf32, #tpu.memory_space<vmem>>) target_semaphore(%arg12 : memref<!tpu.dma_semaphore, #tpu.memory_space<semaphore_mem>>)
    %scan3A_211 = arith.constant 0 : i32
    %scan3A_212 = arith.constant 64 : i32
    %scan3A_213 = arith.addi %scan3A_211, %scan3A_212 : i32
    %scan3A_214 = arith.constant 1 : i32
    %scan3A_215 = scf.for %scan3A_261 = %scan3A_211 to %scan3A_213 step %scan3A_214 iter_args(%scan3A_262 = %scan3A_151) -> (vector<16xf32>)  : i32 {
      %get3A = arith.constant 0 : i32
      %get3A_263 = arith.index_cast %get3A : i32 to index
      %get3A_264 = arith.index_cast %scan3A_261 : i32 to index
      %get3A_265 = arith.constant 0 : index
      %get3A_266 = tpu.vector_load %arg8[%get3A_263, %get3A_264, %get3A_265] {strides = array<i32>} : memref<2x64x256xf32, #tpu.memory_space<vmem>>, vector<1x1x16xf32>,
      %get3A_267 = vector.shape_cast %get3A_266 : vector<1x1x16xf32> to vector<16xf32>
      %get3A_268 = arith.constant 0 : i32
      %get3A_269 = arith.index_cast %get3A_268 : i32 to index
      %get3A_270 = arith.index_cast %scan3A_261 : i32 to index
      %get3A_271 = arith.constant 0 : index
      %get3A_272 = tpu.vector_load %arg9[%get3A_269, %get3A_270, %get3A_271] {strides = array<i32>} : memref<2x64x256xf32, #tpu.memory_space<vmem>>, vector<1x1x16xf32>,
      %get3A_273 = vector.shape_cast %get3A_272 : vector<1x1x16xf32> to vector<16xf32>
      %sub3A = arith.subf %get3A_267, %get3A_273 : vector<16xf32>
      %get3A_274 = arith.constant 0 : i32
      %get3A_275 = arith.index_cast %get3A_274 : i32 to index
      %get3A_276 = arith.index_cast %scan3A_261 : i32 to index
      %get3A_277 = arith.constant 0 : index
      %get3A_278 = tpu.vector_load %arg9[%get3A_275, %get3A_276, %get3A_277] {strides = array<i32>} : memref<2x64x256xf32, #tpu.memory_space<vmem>>, vector<1x1x16xf32>,
      %get3A_279 = vector.shape_cast %get3A_278 : vector<1x1x16xf32> to vector<16xf32>
      %add3A_280 = arith.addf %get3A_279, %sub3A : vector<16xf32>
      %swap3A_281 = arith.constant 0 : i32
      %swap3A_282 = arith.index_cast %swap3A_281 : i32 to index
      %swap3A_283 = arith.index_cast %scan3A_261 : i32 to index
      %swap3A_284 = arith.constant 0 : index
      %swap3A_285 = tpu.vector_load %arg8[%swap3A_282, %swap3A_283, %swap3A_284] {strides = array<i32>} : memref<2x64x256xf32, #tpu.memory_space<vmem>>, vector<1x1x16xf32>,
      %swap3A_286 = vector.shape_cast %swap3A_285 : vector<1x1x16xf32> to vector<16xf32>
      %swap3A_287 = vector.shape_cast %add3A_280 : vector<16xf32> to vector<1x1x16xf32>
      tpu.vector_store %arg8[%swap3A_282, %swap3A_283, %swap3A_284], %swap3A_287 {strides = array<i32>} : memref<2x64x256xf32, #tpu.memory_space<vmem>>, vector<1x1x16xf32>,
      %mul3A_288 = arith.mulf %sub3A, %sub3A : vector<16xf32>
      %add3A_289 = arith.addf %scan3A_262, %mul3A_288 : vector<16xf32>
      %get3A_290 = arith.constant 0 : i32
      %get3A_291 = arith.index_cast %get3A_290 : i32 to index
      %get3A_292 = arith.index_cast %scan3A_261 : i32 to index
      %get3A_293 = arith.constant 16 : index
      %get3A_294 = tpu.vector_load %arg8[%get3A_291, %get3A_292, %get3A_293] {strides = array<i32>} : memref<2x64x256xf32, #tpu.memory_space<vmem>>, vector<1x1x16xf32>,
      %get3A_295 = vector.shape_cast %get3A_294 : vector<1x1x16xf32> to vector<16xf32>
      %get3A_296 = arith.constant 0 : i32
      %get3A_297 = arith.index_cast %get3A_296 : i32 to index
      %get3A_298 = arith.index_cast %scan3A_261 : i32 to index
      %get3A_299 = arith.constant 16 : index
      %get3A_300 = tpu.vector_load %arg9[%get3A_297, %get3A_298, %get3A_299] {strides = array<i32>} : memref<2x64x256xf32, #tpu.memory_space<vmem>>, vector<1x1x16xf32>,
      %get3A_301 = vector.shape_cast %get3A_300 : vector<1x1x16xf32> to vector<16xf32>
      %sub3A_302 = arith.subf %get3A_295, %get3A_301 : vector<16xf32>
      %get3A_303 = arith.constant 0 : i32
      %get3A_304 = arith.index_cast %get3A_303 : i32 to index
      %get3A_305 = arith.index_cast %scan3A_261 : i32 to index
      %get3A_306 = arith.constant 16 : index
      %get3A_307 = tpu.vector_load %arg9[%get3A_304, %get3A_305, %get3A_306] {strides = array<i32>} : memref<2x64x256xf32, #tpu.memory_space<vmem>>, vector<1x1x16xf32>,
      %get3A_308 = vector.shape_cast %get3A_307 : vector<1x1x16xf32> to vector<16xf32>
      %add3A_309 = arith.addf %get3A_308, %sub3A_302 : vector<16xf32>
      %swap3A_310 = arith.constant 0 : i32
      %swap3A_311 = arith.index_cast %swap3A_310 : i32 to index
      %swap3A_312 = arith.index_cast %scan3A_261 : i32 to index
      %swap3A_313 = arith.constant 16 : index
      %swap3A_314 = tpu.vector_load %arg8[%swap3A_311, %swap3A_312, %swap3A_313] {strides = array<i32>} : memref<2x64x256xf32, #tpu.memory_space<vmem>>, vector<1x1x16xf32>,
      %swap3A_315 = vector.shape_cast %swap3A_314 : vector<1x1x16xf32> to vector<16xf32>
      %swap3A_316 = vector.shape_cast %add3A_309 : vector<16xf32> to vector<1x1x16xf32>
      tpu.vector_store %arg8[%swap3A_311, %swap3A_312, %swap3A_313], %swap3A_316 {strides = array<i32>} : memref<2x64x256xf32, #tpu.memory_space<vmem>>, vector<1x1x16xf32>,
      %mul3A_317 = arith.mulf %sub3A_302, %sub3A_302 : vector<16xf32>
      %add3A_318 = arith.addf %add3A_289, %mul3A_317 : vector<16xf32>
      %get3A_319 = arith.constant 0 : i32
      %get3A_320 = arith.index_cast %get3A_319 : i32 to index
      %get3A_321 = arith.index_cast %scan3A_261 : i32 to index
      %get3A_322 = arith.constant 32 : index
      %get3A_323 = tpu.vector_load %arg8[%get3A_320, %get3A_321, %get3A_322] {strides = array<i32>} : memref<2x64x256xf32, #tpu.memory_space<vmem>>, vector<1x1x16xf32>,
      %get3A_324 = vector.shape_cast %get3A_323 : vector<1x1x16xf32> to vector<16xf32>
      %get3A_325 = arith.constant 0 : i32
      %get3A_326 = arith.index_cast %get3A_325 : i32 to index
      %get3A_327 = arith.index_cast %scan3A_261 : i32 to index
      %get3A_328 = arith.constant 32 : index
      %get3A_329 = tpu.vector_load %arg9[%get3A_326, %get3A_327, %get3A_328] {strides = array<i32>} : memref<2x64x256xf32, #tpu.memory_space<vmem>>, vector<1x1x16xf32>,
      %get3A_330 = vector.shape_cast %get3A_329 : vector<1x1x16xf32> to vector<16xf32>
      %sub3A_331 = arith.subf %get3A_324, %get3A_330 : vector<16xf32>
      %get3A_332 = arith.constant 0 : i32
      %get3A_333 = arith.index_cast %get3A_332 : i32 to index
      %get3A_334 = arith.index_cast %scan3A_261 : i32 to index
      %get3A_335 = arith.constant 32 : index
      %get3A_336 = tpu.vector_load %arg9[%get3A_333, %get3A_334, %get3A_335] {strides = array<i32>} : memref<2x64x256xf32, #tpu.memory_space<vmem>>, vector<1x1x16xf32>,
      %get3A_337 = vector.shape_cast %get3A_336 : vector<1x1x16xf32> to vector<16xf32>
      %add3A_338 = arith.addf %get3A_337, %sub3A_331 : vector<16xf32>
      %swap3A_339 = arith.constant 0 : i32
      %swap3A_340 = arith.index_cast %swap3A_339 : i32 to index
      %swap3A_341 = arith.index_cast %scan3A_261 : i32 to index
      %swap3A_342 = arith.constant 32 : index
      %swap3A_343 = tpu.vector_load %arg8[%swap3A_340, %swap3A_341, %swap3A_342] {strides = array<i32>} : memref<2x64x256xf32, #tpu.memory_space<vmem>>, vector<1x1x16xf32>,
      %swap3A_344 = vector.shape_cast %swap3A_343 : vector<1x1x16xf32> to vector<16xf32>
      %swap3A_345 = vector.shape_cast %add3A_338 : vector<16xf32> to vector<1x1x16xf32>
      tpu.vector_store %arg8[%swap3A_340, %swap3A_341, %swap3A_342], %swap3A_345 {strides = array<i32>} : memref<2x64x256xf32, #tpu.memory_space<vmem>>, vector<1x1x16xf32>,
      %mul3A_346 = arith.mulf %sub3A_331, %sub3A_331 : vector<16xf32>
      %add3A_347 = arith.addf %add3A_318, %mul3A_346 : vector<16xf32>
      %get3A_348 = arith.constant 0 : i32
      %get3A_349 = arith.index_cast %get3A_348 : i32 to index
      %get3A_350 = arith.index_cast %scan3A_261 : i32 to index
      %get3A_351 = arith.constant 48 : index
      %get3A_352 = tpu.vector_load %arg8[%get3A_349, %get3A_350, %get3A_351] {strides = array<i32>} : memref<2x64x256xf32, #tpu.memory_space<vmem>>, vector<1x1x16xf32>,
      %get3A_353 = vector.shape_cast %get3A_352 : vector<1x1x16xf32> to vector<16xf32>
      %get3A_354 = arith.constant 0 : i32
      %get3A_355 = arith.index_cast %get3A_354 : i32 to index
      %get3A_356 = arith.index_cast %scan3A_261 : i32 to index
      %get3A_357 = arith.constant 48 : index
      %get3A_358 = tpu.vector_load %arg9[%get3A_355, %get3A_356, %get3A_357] {strides = array<i32>} : memref<2x64x256xf32, #tpu.memory_space<vmem>>, vector<1x1x16xf32>,
      %get3A_359 = vector.shape_cast %get3A_358 : vector<1x1x16xf32> to vector<16xf32>
      %sub3A_360 = arith.subf %get3A_353, %get3A_359 : vector<16xf32>
      %get3A_361 = arith.constant 0 : i32
      %get3A_362 = arith.index_cast %get3A_361 : i32 to index
      %get3A_363 = arith.index_cast %scan3A_261 : i32 to index
      %get3A_364 = arith.constant 48 : index
      %get3A_365 = tpu.vector_load %arg9[%get3A_362, %get3A_363, %get3A_364] {strides = array<i32>} : memref<2x64x256xf32, #tpu.memory_space<vmem>>, vector<1x1x16xf32>,
      %get3A_366 = vector.shape_cast %get3A_365 : vector<1x1x16xf32> to vector<16xf32>
      %add3A_367 = arith.addf %get3A_366, %sub3A_360 : vector<16xf32>
      %swap3A_368 = arith.constant 0 : i32
      %swap3A_369 = arith.index_cast %swap3A_368 : i32 to index
      %swap3A_370 = arith.index_cast %scan3A_261 : i32 to index
      %swap3A_371 = arith.constant 48 : index
      %swap3A_372 = tpu.vector_load %arg8[%swap3A_369, %swap3A_370, %swap3A_371] {strides = array<i32>} : memref<2x64x256xf32, #tpu.memory_space<vmem>>, vector<1x1x16xf32>,
      %swap3A_373 = vector.shape_cast %swap3A_372 : vector<1x1x16xf32> to vector<16xf32>
      %swap3A_374 = vector.shape_cast %add3A_367 : vector<16xf32> to vector<1x1x16xf32>
      tpu.vector_store %arg8[%swap3A_369, %swap3A_370, %swap3A_371], %swap3A_374 {strides = array<i32>} : memref<2x64x256xf32, #tpu.memory_space<vmem>>, vector<1x1x16xf32>,
      %mul3A_375 = arith.mulf %sub3A_360, %sub3A_360 : vector<16xf32>
      %add3A_376 = arith.addf %add3A_347, %mul3A_375 : vector<16xf32>
      %get3A_377 = arith.constant 0 : i32
      %get3A_378 = arith.index_cast %get3A_377 : i32 to index
      %get3A_379 = arith.index_cast %scan3A_261 : i32 to index
      %get3A_380 = arith.constant 64 : index
      %get3A_381 = tpu.vector_load %arg8[%get3A_378, %get3A_379, %get3A_380] {strides = array<i32>} : memref<2x64x256xf32, #tpu.memory_space<vmem>>, vector<1x1x16xf32>,
      %get3A_382 = vector.shape_cast %get3A_381 : vector<1x1x16xf32> to vector<16xf32>
      %get3A_383 = arith.constant 0 : i32
      %get3A_384 = arith.index_cast %get3A_383 : i32 to index
      %get3A_385 = arith.index_cast %scan3A_261 : i32 to index
      %get3A_386 = arith.constant 64 : index
      %get3A_387 = tpu.vector_load %arg9[%get3A_384, %get3A_385, %get3A_386] {strides = array<i32>} : memref<2x64x256xf32, #tpu.memory_space<vmem>>, vector<1x1x16xf32>,
      %get3A_388 = vector.shape_cast %get3A_387 : vector<1x1x16xf32> to vector<16xf32>
      %sub3A_389 = arith.subf %get3A_382, %get3A_388 : vector<16xf32>
      %get3A_390 = arith.constant 0 : i32
      %get3A_391 = arith.index_cast %get3A_390 : i32 to index
      %get3A_392 = arith.index_cast %scan3A_261 : i32 to index
      %get3A_393 = arith.constant 64 : index
      %get3A_394 = tpu.vector_load %arg9[%get3A_391, %get3A_392, %get3A_393] {strides = array<i32>} : memref<2x64x256xf32, #tpu.memory_space<vmem>>, vector<1x1x16xf32>,
      %get3A_395 = vector.shape_cast %get3A_394 : vector<1x1x16xf32> to vector<16xf32>
      %add3A_396 = arith.addf %get3A_395, %sub3A_389 : vector<16xf32>
      %swap3A_397 = arith.constant 0 : i32
      %swap3A_398 = arith.index_cast %swap3A_397 : i32 to index
      %swap3A_399 = arith.index_cast %scan3A_261 : i32 to index
      %swap3A_400 = arith.constant 64 : index
      %swap3A_401 = tpu.vector_load %arg8[%swap3A_398, %swap3A_399, %swap3A_400] {strides = array<i32>} : memref<2x64x256xf32, #tpu.memory_space<vmem>>, vector<1x1x16xf32>,
      %swap3A_402 = vector.shape_cast %swap3A_401 : vector<1x1x16xf32> to vector<16xf32>
      %swap3A_403 = vector.shape_cast %add3A_396 : vector<16xf32> to vector<1x1x16xf32>
      tpu.vector_store %arg8[%swap3A_398, %swap3A_399, %swap3A_400], %swap3A_403 {strides = array<i32>} : memref<2x64x256xf32, #tpu.memory_space<vmem>>, vector<1x1x16xf32>,
      %mul3A_404 = arith.mulf %sub3A_389, %sub3A_389 : vector<16xf32>
      %add3A_405 = arith.addf %add3A_376, %mul3A_404 : vector<16xf32>
      %get3A_406 = arith.constant 0 : i32
      %get3A_407 = arith.index_cast %get3A_406 : i32 to index
      %get3A_408 = arith.index_cast %scan3A_261 : i32 to index
      %get3A_409 = arith.constant 80 : index
      %get3A_410 = tpu.vector_load %arg8[%get3A_407, %get3A_408, %get3A_409] {strides = array<i32>} : memref<2x64x256xf32, #tpu.memory_space<vmem>>, vector<1x1x16xf32>,
      %get3A_411 = vector.shape_cast %get3A_410 : vector<1x1x16xf32> to vector<16xf32>
      %get3A_412 = arith.constant 0 : i32
      %get3A_413 = arith.index_cast %get3A_412 : i32 to index
      %get3A_414 = arith.index_cast %scan3A_261 : i32 to index
      %get3A_415 = arith.constant 80 : index
      %get3A_416 = tpu.vector_load %arg9[%get3A_413, %get3A_414, %get3A_415] {strides = array<i32>} : memref<2x64x256xf32, #tpu.memory_space<vmem>>, vector<1x1x16xf32>,
      %get3A_417 = vector.shape_cast %get3A_416 : vector<1x1x16xf32> to vector<16xf32>
      %sub3A_418 = arith.subf %get3A_411, %get3A_417 : vector<16xf32>
      %get3A_419 = arith.constant 0 : i32
      %get3A_420 = arith.index_cast %get3A_419 : i32 to index
      %get3A_421 = arith.index_cast %scan3A_261 : i32 to index
      %get3A_422 = arith.constant 80 : index
      %get3A_423 = tpu.vector_load %arg9[%get3A_420, %get3A_421, %get3A_422] {strides = array<i32>} : memref<2x64x256xf32, #tpu.memory_space<vmem>>, vector<1x1x16xf32>,
      %get3A_424 = vector.shape_cast %get3A_423 : vector<1x1x16xf32> to vector<16xf32>
      %add3A_425 = arith.addf %get3A_424, %sub3A_418 : vector<16xf32>
      %swap3A_426 = arith.constant 0 : i32
      %swap3A_427 = arith.index_cast %swap3A_426 : i32 to index
      %swap3A_428 = arith.index_cast %scan3A_261 : i32 to index
      %swap3A_429 = arith.constant 80 : index
      %swap3A_430 = tpu.vector_load %arg8[%swap3A_427, %swap3A_428, %swap3A_429] {strides = array<i32>} : memref<2x64x256xf32, #tpu.memory_space<vmem>>, vector<1x1x16xf32>,
      %swap3A_431 = vector.shape_cast %swap3A_430 : vector<1x1x16xf32> to vector<16xf32>
      %swap3A_432 = vector.shape_cast %add3A_425 : vector<16xf32> to vector<1x1x16xf32>
      tpu.vector_store %arg8[%swap3A_427, %swap3A_428, %swap3A_429], %swap3A_432 {strides = array<i32>} : memref<2x64x256xf32, #tpu.memory_space<vmem>>, vector<1x1x16xf32>,
      %mul3A_433 = arith.mulf %sub3A_418, %sub3A_418 : vector<16xf32>
      %add3A_434 = arith.addf %add3A_405, %mul3A_433 : vector<16xf32>
      %get3A_435 = arith.constant 0 : i32
      %get3A_436 = arith.index_cast %get3A_435 : i32 to index
      %get3A_437 = arith.index_cast %scan3A_261 : i32 to index
      %get3A_438 = arith.constant 96 : index
      %get3A_439 = tpu.vector_load %arg8[%get3A_436, %get3A_437, %get3A_438] {strides = array<i32>} : memref<2x64x256xf32, #tpu.memory_space<vmem>>, vector<1x1x16xf32>,
      %get3A_440 = vector.shape_cast %get3A_439 : vector<1x1x16xf32> to vector<16xf32>
      %get3A_441 = arith.constant 0 : i32
      %get3A_442 = arith.index_cast %get3A_441 : i32 to index
      %get3A_443 = arith.index_cast %scan3A_261 : i32 to index
      %get3A_444 = arith.constant 96 : index
      %get3A_445 = tpu.vector_load %arg9[%get3A_442, %get3A_443, %get3A_444] {strides = array<i32>} : memref<2x64x256xf32, #tpu.memory_space<vmem>>, vector<1x1x16xf32>,
      %get3A_446 = vector.shape_cast %get3A_445 : vector<1x1x16xf32> to vector<16xf32>
      %sub3A_447 = arith.subf %get3A_440, %get3A_446 : vector<16xf32>
      %get3A_448 = arith.constant 0 : i32
      %get3A_449 = arith.index_cast %get3A_448 : i32 to index
      %get3A_450 = arith.index_cast %scan3A_261 : i32 to index
      %get3A_451 = arith.constant 96 : index
      %get3A_452 = tpu.vector_load %arg9[%get3A_449, %get3A_450, %get3A_451] {strides = array<i32>} : memref<2x64x256xf32, #tpu.memory_space<vmem>>, vector<1x1x16xf32>,
      %get3A_453 = vector.shape_cast %get3A_452 : vector<1x1x16xf32> to vector<16xf32>
      %add3A_454 = arith.addf %get3A_453, %sub3A_447 : vector<16xf32>
      %swap3A_455 = arith.constant 0 : i32
      %swap3A_456 = arith.index_cast %swap3A_455 : i32 to index
      %swap3A_457 = arith.index_cast %scan3A_261 : i32 to index
      %swap3A_458 = arith.constant 96 : index
      %swap3A_459 = tpu.vector_load %arg8[%swap3A_456, %swap3A_457, %swap3A_458] {strides = array<i32>} : memref<2x64x256xf32, #tpu.memory_space<vmem>>, vector<1x1x16xf32>,
      %swap3A_460 = vector.shape_cast %swap3A_459 : vector<1x1x16xf32> to vector<16xf32>
      %swap3A_461 = vector.shape_cast %add3A_454 : vector<16xf32> to vector<1x1x16xf32>
      tpu.vector_store %arg8[%swap3A_456, %swap3A_457, %swap3A_458], %swap3A_461 {strides = array<i32>} : memref<2x64x256xf32, #tpu.memory_space<vmem>>, vector<1x1x16xf32>,
      %mul3A_462 = arith.mulf %sub3A_447, %sub3A_447 : vector<16xf32>
      %add3A_463 = arith.addf %add3A_434, %mul3A_462 : vector<16xf32>
      %get3A_464 = arith.constant 0 : i32
      %get3A_465 = arith.index_cast %get3A_464 : i32 to index
      %get3A_466 = arith.index_cast %scan3A_261 : i32 to index
      %get3A_467 = arith.constant 112 : index
      %get3A_468 = tpu.vector_load %arg8[%get3A_465, %get3A_466, %get3A_467] {strides = array<i32>} : memref<2x64x256xf32, #tpu.memory_space<vmem>>, vector<1x1x16xf32>,
      %get3A_469 = vector.shape_cast %get3A_468 : vector<1x1x16xf32> to vector<16xf32>
      %get3A_470 = arith.constant 0 : i32
      %get3A_471 = arith.index_cast %get3A_470 : i32 to index
      %get3A_472 = arith.index_cast %scan3A_261 : i32 to index
      %get3A_473 = arith.constant 112 : index
      %get3A_474 = tpu.vector_load %arg9[%get3A_471, %get3A_472, %get3A_473] {strides = array<i32>} : memref<2x64x256xf32, #tpu.memory_space<vmem>>, vector<1x1x16xf32>,
      %get3A_475 = vector.shape_cast %get3A_474 : vector<1x1x16xf32> to vector<16xf32>
      %sub3A_476 = arith.subf %get3A_469, %get3A_475 : vector<16xf32>
      %get3A_477 = arith.constant 0 : i32
      %get3A_478 = arith.index_cast %get3A_477 : i32 to index
      %get3A_479 = arith.index_cast %scan3A_261 : i32 to index
      %get3A_480 = arith.constant 112 : index
      %get3A_481 = tpu.vector_load %arg9[%get3A_478, %get3A_479, %get3A_480] {strides = array<i32>} : memref<2x64x256xf32, #tpu.memory_space<vmem>>, vector<1x1x16xf32>,
      %get3A_482 = vector.shape_cast %get3A_481 : vector<1x1x16xf32> to vector<16xf32>
      %add3A_483 = arith.addf %get3A_482, %sub3A_476 : vector<16xf32>
      %swap3A_484 = arith.constant 0 : i32
      %swap3A_485 = arith.index_cast %swap3A_484 : i32 to index
      %swap3A_486 = arith.index_cast %scan3A_261 : i32 to index
      %swap3A_487 = arith.constant 112 : index
      %swap3A_488 = tpu.vector_load %arg8[%swap3A_485, %swap3A_486, %swap3A_487] {strides = array<i32>} : memref<2x64x256xf32, #tpu.memory_space<vmem>>, vector<1x1x16xf32>,
      %swap3A_489 = vector.shape_cast %swap3A_488 : vector<1x1x16xf32> to vector<16xf32>
      %swap3A_490 = vector.shape_cast %add3A_483 : vector<16xf32> to vector<1x1x16xf32>
      tpu.vector_store %arg8[%swap3A_485, %swap3A_486, %swap3A_487], %swap3A_490 {strides = array<i32>} : memref<2x64x256xf32, #tpu.memory_space<vmem>>, vector<1x1x16xf32>,
      %mul3A_491 = arith.mulf %sub3A_476, %sub3A_476 : vector<16xf32>
      %add3A_492 = arith.addf %add3A_463, %mul3A_491 : vector<16xf32>
      %get3A_493 = arith.constant 0 : i32
      %get3A_494 = arith.index_cast %get3A_493 : i32 to index
      %get3A_495 = arith.index_cast %scan3A_261 : i32 to index
      %get3A_496 = arith.constant 128 : index
      %get3A_497 = tpu.vector_load %arg8[%get3A_494, %get3A_495, %get3A_496] {strides = array<i32>} : memref<2x64x256xf32, #tpu.memory_space<vmem>>, vector<1x1x16xf32>,
      %get3A_498 = vector.shape_cast %get3A_497 : vector<1x1x16xf32> to vector<16xf32>
      %get3A_499 = arith.constant 0 : i32
      %get3A_500 = arith.index_cast %get3A_499 : i32 to index
      %get3A_501 = arith.index_cast %scan3A_261 : i32 to index
      %get3A_502 = arith.constant 128 : index
      %get3A_503 = tpu.vector_load %arg9[%get3A_500, %get3A_501, %get3A_502] {strides = array<i32>} : memref<2x64x256xf32, #tpu.memory_space<vmem>>, vector<1x1x16xf32>,
      %get3A_504 = vector.shape_cast %get3A_503 : vector<1x1x16xf32> to vector<16xf32>
      %sub3A_505 = arith.subf %get3A_498, %get3A_504 : vector<16xf32>
      %get3A_506 = arith.constant 0 : i32
      %get3A_507 = arith.index_cast %get3A_506 : i32 to index
      %get3A_508 = arith.index_cast %scan3A_261 : i32 to index
      %get3A_509 = arith.constant 128 : index
      %get3A_510 = tpu.vector_load %arg9[%get3A_507, %get3A_508, %get3A_509] {strides = array<i32>} : memref<2x64x256xf32, #tpu.memory_space<vmem>>, vector<1x1x16xf32>,
      %get3A_511 = vector.shape_cast %get3A_510 : vector<1x1x16xf32> to vector<16xf32>
      %add3A_512 = arith.addf %get3A_511, %sub3A_505 : vector<16xf32>
      %swap3A_513 = arith.constant 0 : i32
      %swap3A_514 = arith.index_cast %swap3A_513 : i32 to index
      %swap3A_515 = arith.index_cast %scan3A_261 : i32 to index
      %swap3A_516 = arith.constant 128 : index
      %swap3A_517 = tpu.vector_load %arg8[%swap3A_514, %swap3A_515, %swap3A_516] {strides = array<i32>} : memref<2x64x256xf32, #tpu.memory_space<vmem>>, vector<1x1x16xf32>,
      %swap3A_518 = vector.shape_cast %swap3A_517 : vector<1x1x16xf32> to vector<16xf32>
      %swap3A_519 = vector.shape_cast %add3A_512 : vector<16xf32> to vector<1x1x16xf32>
      tpu.vector_store %arg8[%swap3A_514, %swap3A_515, %swap3A_516], %swap3A_519 {strides = array<i32>} : memref<2x64x256xf32, #tpu.memory_space<vmem>>, vector<1x1x16xf32>,
      %mul3A_520 = arith.mulf %sub3A_505, %sub3A_505 : vector<16xf32>
      %add3A_521 = arith.addf %add3A_492, %mul3A_520 : vector<16xf32>
      %get3A_522 = arith.constant 0 : i32
      %get3A_523 = arith.index_cast %get3A_522 : i32 to index
      %get3A_524 = arith.index_cast %scan3A_261 : i32 to index
      %get3A_525 = arith.constant 144 : index
      %get3A_526 = tpu.vector_load %arg8[%get3A_523, %get3A_524, %get3A_525] {strides = array<i32>} : memref<2x64x256xf32, #tpu.memory_space<vmem>>, vector<1x1x16xf32>,
      %get3A_527 = vector.shape_cast %get3A_526 : vector<1x1x16xf32> to vector<16xf32>
      %get3A_528 = arith.constant 0 : i32
      %get3A_529 = arith.index_cast %get3A_528 : i32 to index
      %get3A_530 = arith.index_cast %scan3A_261 : i32 to index
      %get3A_531 = arith.constant 144 : index
      %get3A_532 = tpu.vector_load %arg9[%get3A_529, %get3A_530, %get3A_531] {strides = array<i32>} : memref<2x64x256xf32, #tpu.memory_space<vmem>>, vector<1x1x16xf32>,
      %get3A_533 = vector.shape_cast %get3A_532 : vector<1x1x16xf32> to vector<16xf32>
      %sub3A_534 = arith.subf %get3A_527, %get3A_533 : vector<16xf32>
      %get3A_535 = arith.constant 0 : i32
      %get3A_536 = arith.index_cast %get3A_535 : i32 to index
      %get3A_537 = arith.index_cast %scan3A_261 : i32 to index
      %get3A_538 = arith.constant 144 : index
      %get3A_539 = tpu.vector_load %arg9[%get3A_536, %get3A_537, %get3A_538] {strides = array<i32>} : memref<2x64x256xf32, #tpu.memory_space<vmem>>, vector<1x1x16xf32>,
      %get3A_540 = vector.shape_cast %get3A_539 : vector<1x1x16xf32> to vector<16xf32>
      %add3A_541 = arith.addf %get3A_540, %sub3A_534 : vector<16xf32>
      %swap3A_542 = arith.constant 0 : i32
      %swap3A_543 = arith.index_cast %swap3A_542 : i32 to index
      %swap3A_544 = arith.index_cast %scan3A_261 : i32 to index
      %swap3A_545 = arith.constant 144 : index
      %swap3A_546 = tpu.vector_load %arg8[%swap3A_543, %swap3A_544, %swap3A_545] {strides = array<i32>} : memref<2x64x256xf32, #tpu.memory_space<vmem>>, vector<1x1x16xf32>,
      %swap3A_547 = vector.shape_cast %swap3A_546 : vector<1x1x16xf32> to vector<16xf32>
      %swap3A_548 = vector.shape_cast %add3A_541 : vector<16xf32> to vector<1x1x16xf32>
      tpu.vector_store %arg8[%swap3A_543, %swap3A_544, %swap3A_545], %swap3A_548 {strides = array<i32>} : memref<2x64x256xf32, #tpu.memory_space<vmem>>, vector<1x1x16xf32>,
      %mul3A_549 = arith.mulf %sub3A_534, %sub3A_534 : vector<16xf32>
      %add3A_550 = arith.addf %add3A_521, %mul3A_549 : vector<16xf32>
      %get3A_551 = arith.constant 0 : i32
      %get3A_552 = arith.index_cast %get3A_551 : i32 to index
      %get3A_553 = arith.index_cast %scan3A_261 : i32 to index
      %get3A_554 = arith.constant 160 : index
      %get3A_555 = tpu.vector_load %arg8[%get3A_552, %get3A_553, %get3A_554] {strides = array<i32>} : memref<2x64x256xf32, #tpu.memory_space<vmem>>, vector<1x1x16xf32>,
      %get3A_556 = vector.shape_cast %get3A_555 : vector<1x1x16xf32> to vector<16xf32>
      %get3A_557 = arith.constant 0 : i32
      %get3A_558 = arith.index_cast %get3A_557 : i32 to index
      %get3A_559 = arith.index_cast %scan3A_261 : i32 to index
      %get3A_560 = arith.constant 160 : index
      %get3A_561 = tpu.vector_load %arg9[%get3A_558, %get3A_559, %get3A_560] {strides = array<i32>} : memref<2x64x256xf32, #tpu.memory_space<vmem>>, vector<1x1x16xf32>,
      %get3A_562 = vector.shape_cast %get3A_561 : vector<1x1x16xf32> to vector<16xf32>
      %sub3A_563 = arith.subf %get3A_556, %get3A_562 : vector<16xf32>
      %get3A_564 = arith.constant 0 : i32
      %get3A_565 = arith.index_cast %get3A_564 : i32 to index
      %get3A_566 = arith.index_cast %scan3A_261 : i32 to index
      %get3A_567 = arith.constant 160 : index
      %get3A_568 = tpu.vector_load %arg9[%get3A_565, %get3A_566, %get3A_567] {strides = array<i32>} : memref<2x64x256xf32, #tpu.memory_space<vmem>>, vector<1x1x16xf32>,
      %get3A_569 = vector.shape_cast %get3A_568 : vector<1x1x16xf32> to vector<16xf32>
      %add3A_570 = arith.addf %get3A_569, %sub3A_563 : vector<16xf32>
      %swap3A_571 = arith.constant 0 : i32
      %swap3A_572 = arith.index_cast %swap3A_571 : i32 to index
      %swap3A_573 = arith.index_cast %scan3A_261 : i32 to index
      %swap3A_574 = arith.constant 160 : index
      %swap3A_575 = tpu.vector_load %arg8[%swap3A_572, %swap3A_573, %swap3A_574] {strides = array<i32>} : memref<2x64x256xf32, #tpu.memory_space<vmem>>, vector<1x1x16xf32>,
      %swap3A_576 = vector.shape_cast %swap3A_575 : vector<1x1x16xf32> to vector<16xf32>
      %swap3A_577 = vector.shape_cast %add3A_570 : vector<16xf32> to vector<1x1x16xf32>
      tpu.vector_store %arg8[%swap3A_572, %swap3A_573, %swap3A_574], %swap3A_577 {strides = array<i32>} : memref<2x64x256xf32, #tpu.memory_space<vmem>>, vector<1x1x16xf32>,
      %mul3A_578 = arith.mulf %sub3A_563, %sub3A_563 : vector<16xf32>
      %add3A_579 = arith.addf %add3A_550, %mul3A_578 : vector<16xf32>
      %get3A_580 = arith.constant 0 : i32
      %get3A_581 = arith.index_cast %get3A_580 : i32 to index
      %get3A_582 = arith.index_cast %scan3A_261 : i32 to index
      %get3A_583 = arith.constant 176 : index
      %get3A_584 = tpu.vector_load %arg8[%get3A_581, %get3A_582, %get3A_583] {strides = array<i32>} : memref<2x64x256xf32, #tpu.memory_space<vmem>>, vector<1x1x16xf32>,
      %get3A_585 = vector.shape_cast %get3A_584 : vector<1x1x16xf32> to vector<16xf32>
      %get3A_586 = arith.constant 0 : i32
      %get3A_587 = arith.index_cast %get3A_586 : i32 to index
      %get3A_588 = arith.index_cast %scan3A_261 : i32 to index
      %get3A_589 = arith.constant 176 : index
      %get3A_590 = tpu.vector_load %arg9[%get3A_587, %get3A_588, %get3A_589] {strides = array<i32>} : memref<2x64x256xf32, #tpu.memory_space<vmem>>, vector<1x1x16xf32>,
      %get3A_591 = vector.shape_cast %get3A_590 : vector<1x1x16xf32> to vector<16xf32>
      %sub3A_592 = arith.subf %get3A_585, %get3A_591 : vector<16xf32>
      %get3A_593 = arith.constant 0 : i32
      %get3A_594 = arith.index_cast %get3A_593 : i32 to index
      %get3A_595 = arith.index_cast %scan3A_261 : i32 to index
      %get3A_596 = arith.constant 176 : index
      %get3A_597 = tpu.vector_load %arg9[%get3A_594, %get3A_595, %get3A_596] {strides = array<i32>} : memref<2x64x256xf32, #tpu.memory_space<vmem>>, vector<1x1x16xf32>,
      %get3A_598 = vector.shape_cast %get3A_597 : vector<1x1x16xf32> to vector<16xf32>
      %add3A_599 = arith.addf %get3A_598, %sub3A_592 : vector<16xf32>
      %swap3A_600 = arith.constant 0 : i32
      %swap3A_601 = arith.index_cast %swap3A_600 : i32 to index
      %swap3A_602 = arith.index_cast %scan3A_261 : i32 to index
      %swap3A_603 = arith.constant 176 : index
      %swap3A_604 = tpu.vector_load %arg8[%swap3A_601, %swap3A_602, %swap3A_603] {strides = array<i32>} : memref<2x64x256xf32, #tpu.memory_space<vmem>>, vector<1x1x16xf32>,
      %swap3A_605 = vector.shape_cast %swap3A_604 : vector<1x1x16xf32> to vector<16xf32>
      %swap3A_606 = vector.shape_cast %add3A_599 : vector<16xf32> to vector<1x1x16xf32>
      tpu.vector_store %arg8[%swap3A_601, %swap3A_602, %swap3A_603], %swap3A_606 {strides = array<i32>} : memref<2x64x256xf32, #tpu.memory_space<vmem>>, vector<1x1x16xf32>,
      %mul3A_607 = arith.mulf %sub3A_592, %sub3A_592 : vector<16xf32>
      %add3A_608 = arith.addf %add3A_579, %mul3A_607 : vector<16xf32>
      %get3A_609 = arith.constant 0 : i32
      %get3A_610 = arith.index_cast %get3A_609 : i32 to index
      %get3A_611 = arith.index_cast %scan3A_261 : i32 to index
      %get3A_612 = arith.constant 192 : index
      %get3A_613 = tpu.vector_load %arg8[%get3A_610, %get3A_611, %get3A_612] {strides = array<i32>} : memref<2x64x256xf32, #tpu.memory_space<vmem>>, vector<1x1x16xf32>,
      %get3A_614 = vector.shape_cast %get3A_613 : vector<1x1x16xf32> to vector<16xf32>
      %get3A_615 = arith.constant 0 : i32
      %get3A_616 = arith.index_cast %get3A_615 : i32 to index
      %get3A_617 = arith.index_cast %scan3A_261 : i32 to index
      %get3A_618 = arith.constant 192 : index
      %get3A_619 = tpu.vector_load %arg9[%get3A_616, %get3A_617, %get3A_618] {strides = array<i32>} : memref<2x64x256xf32, #tpu.memory_space<vmem>>, vector<1x1x16xf32>,
      %get3A_620 = vector.shape_cast %get3A_619 : vector<1x1x16xf32> to vector<16xf32>
      %sub3A_621 = arith.subf %get3A_614, %get3A_620 : vector<16xf32>
      %get3A_622 = arith.constant 0 : i32
      %get3A_623 = arith.index_cast %get3A_622 : i32 to index
      %get3A_624 = arith.index_cast %scan3A_261 : i32 to index
      %get3A_625 = arith.constant 192 : index
      %get3A_626 = tpu.vector_load %arg9[%get3A_623, %get3A_624, %get3A_625] {strides = array<i32>} : memref<2x64x256xf32, #tpu.memory_space<vmem>>, vector<1x1x16xf32>,
      %get3A_627 = vector.shape_cast %get3A_626 : vector<1x1x16xf32> to vector<16xf32>
      %add3A_628 = arith.addf %get3A_627, %sub3A_621 : vector<16xf32>
      %swap3A_629 = arith.constant 0 : i32
      %swap3A_630 = arith.index_cast %swap3A_629 : i32 to index
      %swap3A_631 = arith.index_cast %scan3A_261 : i32 to index
      %swap3A_632 = arith.constant 192 : index
      %swap3A_633 = tpu.vector_load %arg8[%swap3A_630, %swap3A_631, %swap3A_632] {strides = array<i32>} : memref<2x64x256xf32, #tpu.memory_space<vmem>>, vector<1x1x16xf32>,
      %swap3A_634 = vector.shape_cast %swap3A_633 : vector<1x1x16xf32> to vector<16xf32>
      %swap3A_635 = vector.shape_cast %add3A_628 : vector<16xf32> to vector<1x1x16xf32>
      tpu.vector_store %arg8[%swap3A_630, %swap3A_631, %swap3A_632], %swap3A_635 {strides = array<i32>} : memref<2x64x256xf32, #tpu.memory_space<vmem>>, vector<1x1x16xf32>,
      %mul3A_636 = arith.mulf %sub3A_621, %sub3A_621 : vector<16xf32>
      %add3A_637 = arith.addf %add3A_608, %mul3A_636 : vector<16xf32>
      %get3A_638 = arith.constant 0 : i32
      %get3A_639 = arith.index_cast %get3A_638 : i32 to index
      %get3A_640 = arith.index_cast %scan3A_261 : i32 to index
      %get3A_641 = arith.constant 208 : index
      %get3A_642 = tpu.vector_load %arg8[%get3A_639, %get3A_640, %get3A_641] {strides = array<i32>} : memref<2x64x256xf32, #tpu.memory_space<vmem>>, vector<1x1x16xf32>,
      %get3A_643 = vector.shape_cast %get3A_642 : vector<1x1x16xf32> to vector<16xf32>
      %get3A_644 = arith.constant 0 : i32
      %get3A_645 = arith.index_cast %get3A_644 : i32 to index
      %get3A_646 = arith.index_cast %scan3A_261 : i32 to index
      %get3A_647 = arith.constant 208 : index
      %get3A_648 = tpu.vector_load %arg9[%get3A_645, %get3A_646, %get3A_647] {strides = array<i32>} : memref<2x64x256xf32, #tpu.memory_space<vmem>>, vector<1x1x16xf32>,
      %get3A_649 = vector.shape_cast %get3A_648 : vector<1x1x16xf32> to vector<16xf32>
      %sub3A_650 = arith.subf %get3A_643, %get3A_649 : vector<16xf32>
      %get3A_651 = arith.constant 0 : i32
      %get3A_652 = arith.index_cast %get3A_651 : i32 to index
      %get3A_653 = arith.index_cast %scan3A_261 : i32 to index
      %get3A_654 = arith.constant 208 : index
      %get3A_655 = tpu.vector_load %arg9[%get3A_652, %get3A_653, %get3A_654] {strides = array<i32>} : memref<2x64x256xf32, #tpu.memory_space<vmem>>, vector<1x1x16xf32>,
      %get3A_656 = vector.shape_cast %get3A_655 : vector<1x1x16xf32> to vector<16xf32>
      %add3A_657 = arith.addf %get3A_656, %sub3A_650 : vector<16xf32>
      %swap3A_658 = arith.constant 0 : i32
      %swap3A_659 = arith.index_cast %swap3A_658 : i32 to index
      %swap3A_660 = arith.index_cast %scan3A_261 : i32 to index
      %swap3A_661 = arith.constant 208 : index
      %swap3A_662 = tpu.vector_load %arg8[%swap3A_659, %swap3A_660, %swap3A_661] {strides = array<i32>} : memref<2x64x256xf32, #tpu.memory_space<vmem>>, vector<1x1x16xf32>,
      %swap3A_663 = vector.shape_cast %swap3A_662 : vector<1x1x16xf32> to vector<16xf32>
      %swap3A_664 = vector.shape_cast %add3A_657 : vector<16xf32> to vector<1x1x16xf32>
      tpu.vector_store %arg8[%swap3A_659, %swap3A_660, %swap3A_661], %swap3A_664 {strides = array<i32>} : memref<2x64x256xf32, #tpu.memory_space<vmem>>, vector<1x1x16xf32>,
      %mul3A_665 = arith.mulf %sub3A_650, %sub3A_650 : vector<16xf32>
      %add3A_666 = arith.addf %add3A_637, %mul3A_665 : vector<16xf32>
      %get3A_667 = arith.constant 0 : i32
      %get3A_668 = arith.index_cast %get3A_667 : i32 to index
      %get3A_669 = arith.index_cast %scan3A_261 : i32 to index
      %get3A_670 = arith.constant 224 : index
      %get3A_671 = tpu.vector_load %arg8[%get3A_668, %get3A_669, %get3A_670] {strides = array<i32>} : memref<2x64x256xf32, #tpu.memory_space<vmem>>, vector<1x1x16xf32>,
      %get3A_672 = vector.shape_cast %get3A_671 : vector<1x1x16xf32> to vector<16xf32>
      %get3A_673 = arith.constant 0 : i32
      %get3A_674 = arith.index_cast %get3A_673 : i32 to index
      %get3A_675 = arith.index_cast %scan3A_261 : i32 to index
      %get3A_676 = arith.constant 224 : index
      %get3A_677 = tpu.vector_load %arg9[%get3A_674, %get3A_675, %get3A_676] {strides = array<i32>} : memref<2x64x256xf32, #tpu.memory_space<vmem>>, vector<1x1x16xf32>,
      %get3A_678 = vector.shape_cast %get3A_677 : vector<1x1x16xf32> to vector<16xf32>
      %sub3A_679 = arith.subf %get3A_672, %get3A_678 : vector<16xf32>
      %get3A_680 = arith.constant 0 : i32
      %get3A_681 = arith.index_cast %get3A_680 : i32 to index
      %get3A_682 = arith.index_cast %scan3A_261 : i32 to index
      %get3A_683 = arith.constant 224 : index
      %get3A_684 = tpu.vector_load %arg9[%get3A_681, %get3A_682, %get3A_683] {strides = array<i32>} : memref<2x64x256xf32, #tpu.memory_space<vmem>>, vector<1x1x16xf32>,
      %get3A_685 = vector.shape_cast %get3A_684 : vector<1x1x16xf32> to vector<16xf32>
      %add3A_686 = arith.addf %get3A_685, %sub3A_679 : vector<16xf32>
      %swap3A_687 = arith.constant 0 : i32
      %swap3A_688 = arith.index_cast %swap3A_687 : i32 to index
      %swap3A_689 = arith.index_cast %scan3A_261 : i32 to index
      %swap3A_690 = arith.constant 224 : index
      %swap3A_691 = tpu.vector_load %arg8[%swap3A_688, %swap3A_689, %swap3A_690] {strides = array<i32>} : memref<2x64x256xf32, #tpu.memory_space<vmem>>, vector<1x1x16xf32>,
      %swap3A_692 = vector.shape_cast %swap3A_691 : vector<1x1x16xf32> to vector<16xf32>
      %swap3A_693 = vector.shape_cast %add3A_686 : vector<16xf32> to vector<1x1x16xf32>
      tpu.vector_store %arg8[%swap3A_688, %swap3A_689, %swap3A_690], %swap3A_693 {strides = array<i32>} : memref<2x64x256xf32, #tpu.memory_space<vmem>>, vector<1x1x16xf32>,
      %mul3A_694 = arith.mulf %sub3A_679, %sub3A_679 : vector<16xf32>
      %add3A_695 = arith.addf %add3A_666, %mul3A_694 : vector<16xf32>
      %get3A_696 = arith.constant 0 : i32
      %get3A_697 = arith.index_cast %get3A_696 : i32 to index
      %get3A_698 = arith.index_cast %scan3A_261 : i32 to index
      %get3A_699 = arith.constant 240 : index
      %get3A_700 = tpu.vector_load %arg8[%get3A_697, %get3A_698, %get3A_699] {strides = array<i32>} : memref<2x64x256xf32, #tpu.memory_space<vmem>>, vector<1x1x16xf32>,
      %get3A_701 = vector.shape_cast %get3A_700 : vector<1x1x16xf32> to vector<16xf32>
      %get3A_702 = arith.constant 0 : i32
      %get3A_703 = arith.index_cast %get3A_702 : i32 to index
      %get3A_704 = arith.index_cast %scan3A_261 : i32 to index
      %get3A_705 = arith.constant 240 : index
      %get3A_706 = tpu.vector_load %arg9[%get3A_703, %get3A_704, %get3A_705] {strides = array<i32>} : memref<2x64x256xf32, #tpu.memory_space<vmem>>, vector<1x1x16xf32>,
      %get3A_707 = vector.shape_cast %get3A_706 : vector<1x1x16xf32> to vector<16xf32>
      %sub3A_708 = arith.subf %get3A_701, %get3A_707 : vector<16xf32>
      %get3A_709 = arith.constant 0 : i32
      %get3A_710 = arith.index_cast %get3A_709 : i32 to index
      %get3A_711 = arith.index_cast %scan3A_261 : i32 to index
      %get3A_712 = arith.constant 240 : index
      %get3A_713 = tpu.vector_load %arg9[%get3A_710, %get3A_711, %get3A_712] {strides = array<i32>} : memref<2x64x256xf32, #tpu.memory_space<vmem>>, vector<1x1x16xf32>,
      %get3A_714 = vector.shape_cast %get3A_713 : vector<1x1x16xf32> to vector<16xf32>
      %add3A_715 = arith.addf %get3A_714, %sub3A_708 : vector<16xf32>
      %swap3A_716 = arith.constant 0 : i32
      %swap3A_717 = arith.index_cast %swap3A_716 : i32 to index
      %swap3A_718 = arith.index_cast %scan3A_261 : i32 to index
      %swap3A_719 = arith.constant 240 : index
      %swap3A_720 = tpu.vector_load %arg8[%swap3A_717, %swap3A_718, %swap3A_719] {strides = array<i32>} : memref<2x64x256xf32, #tpu.memory_space<vmem>>, vector<1x1x16xf32>,
      %swap3A_721 = vector.shape_cast %swap3A_720 : vector<1x1x16xf32> to vector<16xf32>
      %swap3A_722 = vector.shape_cast %add3A_715 : vector<16xf32> to vector<1x1x16xf32>
      tpu.vector_store %arg8[%swap3A_717, %swap3A_718, %swap3A_719], %swap3A_722 {strides = array<i32>} : memref<2x64x256xf32, #tpu.memory_space<vmem>>, vector<1x1x16xf32>,
      %mul3A_723 = arith.mulf %sub3A_708, %sub3A_708 : vector<16xf32>
      %add3A_724 = arith.addf %add3A_695, %mul3A_723 : vector<16xf32>
      scf.yield %add3A_724 : vector<16xf32>
    }
    %scan3A_216 = arith.constant 64 : i32
    %add3A_217 = arith.constant 128 : i32
    %add3A_218 = arith.addi %mul3A_2, %add3A_217 : i32
    %run_scoped3A_219 = arith.constant 0 : i32
    "tpu.region"() ({
      %run_scoped3A_261 = tpu.sem_alloc : memref<!tpu.dma_semaphore, #tpu.memory_space<semaphore_mem>>
      %dma_start3A_262 = arith.constant 0 : i32
      %dma_start3A_263 = arith.constant 0 : i32
      %dma_start3A_264 = tpu.memref_slice %arg8[%run_scoped3A_219, %dma_start3A_262, %dma_start3A_263] : memref<2x64x256xf32, #tpu.memory_space<vmem>> -> memref<1x64x256xf32, #tpu.memory_space<vmem>>
      %dma_start3A_265 = tpu.memref_squeeze %dma_start3A_264 : memref<1x64x256xf32, #tpu.memory_space<vmem>> -> memref<64x256xf32, #tpu.memory_space<vmem>>
      %dma_start3A_266 = arith.constant 0 : i32
      %dma_start3A_267 = tpu.memref_slice %arg5[%add3A_218, %dma_start3A_266] : memref<8192x256xf32, #tpu.memory_space<hbm>> -> memref<64x256xf32, #tpu.memory_space<hbm>>
      %dma_start3A_268 = arith.constant 0 : i32
      %dma_start3A_269 = tpu.memref_slice %arg5[%add3A_218, %dma_start3A_268] : memref<8192x256xf32, #tpu.memory_space<hbm>> -> memref<64x256xf32, #tpu.memory_space<hbm>>
      %dma_start3A_270 = arith.constant 0 : i32
      %dma_start3A_271 = arith.constant 0 : i32
      %dma_start3A_272 = tpu.memref_slice %arg8[%run_scoped3A_219, %dma_start3A_270, %dma_start3A_271] : memref<2x64x256xf32, #tpu.memory_space<vmem>> -> memref<1x64x256xf32, #tpu.memory_space<vmem>>
      %dma_start3A_273 = tpu.memref_squeeze %dma_start3A_272 : memref<1x64x256xf32, #tpu.memory_space<vmem>> -> memref<64x256xf32, #tpu.memory_space<vmem>>
      tpu.enqueue_dma source(%dma_start3A_273 : memref<64x256xf32, #tpu.memory_space<vmem>>) target(%dma_start3A_269 : memref<64x256xf32, #tpu.memory_space<hbm>>) target_semaphore(%run_scoped3A_261 : memref<!tpu.dma_semaphore, #tpu.memory_space<semaphore_mem>>)
      %dma_wait3A_274 = arith.constant 0 : i32
      %dma_wait3A_275 = arith.constant 0 : i32
      %dma_wait3A_276 = tpu.memref_slice %arg8[%run_scoped3A_219, %dma_wait3A_274, %dma_wait3A_275] : memref<2x64x256xf32, #tpu.memory_space<vmem>> -> memref<1x64x256xf32, #tpu.memory_space<vmem>>
      %dma_wait3A_277 = tpu.memref_squeeze %dma_wait3A_276 : memref<1x64x256xf32, #tpu.memory_space<vmem>> -> memref<64x256xf32, #tpu.memory_space<vmem>>
      %dma_wait3A_278 = arith.constant 0 : i32
      %dma_wait3A_279 = tpu.memref_slice %arg5[%add3A_218, %dma_wait3A_278] : memref<8192x256xf32, #tpu.memory_space<hbm>> -> memref<64x256xf32, #tpu.memory_space<hbm>>
      %dma_wait3A_280 = arith.constant 0 : i32
      %dma_wait3A_281 = tpu.memref_slice %arg5[%add3A_218, %dma_wait3A_280] : memref<8192x256xf32, #tpu.memory_space<hbm>> -> memref<64x256xf32, #tpu.memory_space<hbm>>
      %dma_wait3A_282 = arith.constant 0 : i32
      %dma_wait3A_283 = arith.constant 0 : i32
      %dma_wait3A_284 = tpu.memref_slice %arg8[%run_scoped3A_219, %dma_wait3A_282, %dma_wait3A_283] : memref<2x64x256xf32, #tpu.memory_space<vmem>> -> memref<1x64x256xf32, #tpu.memory_space<vmem>>
      %dma_wait3A_285 = tpu.memref_squeeze %dma_wait3A_284 : memref<1x64x256xf32, #tpu.memory_space<vmem>> -> memref<64x256xf32, #tpu.memory_space<vmem>>
      tpu.wait_dma2 semaphore(%run_scoped3A_261 : memref<!tpu.dma_semaphore, #tpu.memory_space<semaphore_mem>>) src(%dma_wait3A_285 : memref<64x256xf32, #tpu.memory_space<vmem>>) dst(%dma_wait3A_281 : memref<64x256xf32, #tpu.memory_space<hbm>>)
      tpu.yield
    }) : () -> ()
    %dma_wait3A_220 = arith.constant 1 : i32
    %dma_wait3A_221 = arith.constant 1 : i32
    %dma_wait3A_222 = arith.constant 0 : i32
    %dma_wait3A_223 = arith.constant 0 : i32
    %dma_wait3A_224 = tpu.memref_slice %arg8[%dma_wait3A_221, %dma_wait3A_222, %dma_wait3A_223] : memref<2x64x256xf32, #tpu.memory_space<vmem>> -> memref<1x64x256xf32, #tpu.memory_space<vmem>>
    %dma_wait3A_225 = tpu.memref_squeeze %dma_wait3A_224 : memref<1x64x256xf32, #tpu.memory_space<vmem>> -> memref<64x256xf32, #tpu.memory_space<vmem>>
    %dma_wait3A_226 = arith.constant 0 : i32
    %dma_wait3A_227 = tpu.memref_slice %arg7[%dma_wait3A_220, %dma_wait3A_226] : memref<2x64xi32, #tpu.memory_space<vmem>> -> memref<1x64xi32, #tpu.memory_space<vmem>>
    %dma_wait3A_228 = tpu.memref_squeeze %dma_wait3A_227 : memref<1x64xi32, #tpu.memory_space<vmem>> -> memref<64xi32, #tpu.memory_space<vmem>>
    %dma_wait3A_229 = arith.constant 0 : i32
    %dma_wait3A_230 = arith.constant 0 : i32
    %dma_wait3A_231 = tpu.memref_slice %arg2[%dma_wait3A_229, %dma_wait3A_230] : memref<1024x256xf32, #tpu.memory_space<hbm>> -> memref<1024x256xf32, #tpu.memory_space<hbm>>
    tpu.wait_indirect_dma semaphore(%arg11 : memref<!tpu.dma_semaphore, #tpu.memory_space<semaphore_mem>>) src(%dma_wait3A_231 : memref<1024x256xf32, #tpu.memory_space<hbm>>) dst(%dma_wait3A_225 : memref<64x256xf32, #tpu.memory_space<vmem>>)
    %dma_wait3A_232 = arith.constant 1 : i32
    %dma_wait3A_233 = arith.constant 0 : i32
    %dma_wait3A_234 = arith.constant 0 : i32
    %dma_wait3A_235 = tpu.memref_slice %arg9[%dma_wait3A_232, %dma_wait3A_233, %dma_wait3A_234] : memref<2x64x256xf32, #tpu.memory_space<vmem>> -> memref<1x64x256xf32, #tpu.memory_space<vmem>>
    %dma_wait3A_236 = tpu.memref_squeeze %dma_wait3A_235 : memref<1x64x256xf32, #tpu.memory_space<vmem>> -> memref<64x256xf32, #tpu.memory_space<vmem>>
    %dma_wait3A_237 = arith.constant 0 : i32
    %dma_wait3A_238 = arith.constant 0 : i32
    %dma_wait3A_239 = tpu.memref_slice %arg4[%dma_wait3A_237, %dma_wait3A_238] : memref<8192x256xf32, #tpu.memory_space<hbm>> -> memref<64x256xf32, #tpu.memory_space<hbm>>
    %dma_wait3A_240 = arith.constant 0 : i32
    %dma_wait3A_241 = arith.constant 0 : i32
    %dma_wait3A_242 = tpu.memref_slice %arg9[%dma_wait3A_232, %dma_wait3A_240, %dma_wait3A_241] : memref<2x64x256xf32, #tpu.memory_space<vmem>> -> memref<1x64x256xf32, #tpu.memory_space<vmem>>
    %dma_wait3A_243 = tpu.memref_squeeze %dma_wait3A_242 : memref<1x64x256xf32, #tpu.memory_space<vmem>> -> memref<64x256xf32, #tpu.memory_space<vmem>>
    %dma_wait3A_244 = arith.constant 0 : i32
    %dma_wait3A_245 = arith.constant 0 : i32
    %dma_wait3A_246 = tpu.memref_slice %arg4[%dma_wait3A_244, %dma_wait3A_245] : memref<8192x256xf32, #tpu.memory_space<hbm>> -> memref<64x256xf32, #tpu.memory_space<hbm>>
    tpu.wait_dma2 semaphore(%arg12 : memref<!tpu.dma_semaphore, #tpu.memory_space<semaphore_mem>>) src(%dma_wait3A_246 : memref<64x256xf32, #tpu.memory_space<hbm>>) dst(%dma_wait3A_243 : memref<64x256xf32, #tpu.memory_space<vmem>>)
    %scan3A_247 = arith.constant 0 : i32
    %scan3A_248 = arith.constant 64 : i32
    %scan3A_249 = arith.addi %scan3A_247, %scan3A_248 : i32
    %scan3A_250 = arith.constant 1 : i32
    %scan3A_251 = scf.for %scan3A_261 = %scan3A_247 to %scan3A_249 step %scan3A_250 iter_args(%scan3A_262 = %scan3A_215) -> (vector<16xf32>)  : i32 {
      %get3A = arith.constant 1 : i32
      %get3A_263 = arith.index_cast %get3A : i32 to index
      %get3A_264 = arith.index_cast %scan3A_261 : i32 to index
      %get3A_265 = arith.constant 0 : index
      %get3A_266 = tpu.vector_load %arg8[%get3A_263, %get3A_264, %get3A_265] {strides = array<i32>} : memref<2x64x256xf32, #tpu.memory_space<vmem>>, vector<1x1x16xf32>,
      %get3A_267 = vector.shape_cast %get3A_266 : vector<1x1x16xf32> to vector<16xf32>
      %get3A_268 = arith.constant 1 : i32
      %get3A_269 = arith.index_cast %get3A_268 : i32 to index
      %get3A_270 = arith.index_cast %scan3A_261 : i32 to index
      %get3A_271 = arith.constant 0 : index
      %get3A_272 = tpu.vector_load %arg9[%get3A_269, %get3A_270, %get3A_271] {strides = array<i32>} : memref<2x64x256xf32, #tpu.memory_space<vmem>>, vector<1x1x16xf32>,
      %get3A_273 = vector.shape_cast %get3A_272 : vector<1x1x16xf32> to vector<16xf32>
      %sub3A = arith.subf %get3A_267, %get3A_273 : vector<16xf32>
      %get3A_274 = arith.constant 1 : i32
      %get3A_275 = arith.index_cast %get3A_274 : i32 to index
      %get3A_276 = arith.index_cast %scan3A_261 : i32 to index
      %get3A_277 = arith.constant 0 : index
      %get3A_278 = tpu.vector_load %arg9[%get3A_275, %get3A_276, %get3A_277] {strides = array<i32>} : memref<2x64x256xf32, #tpu.memory_space<vmem>>, vector<1x1x16xf32>,
      %get3A_279 = vector.shape_cast %get3A_278 : vector<1x1x16xf32> to vector<16xf32>
      %add3A_280 = arith.addf %get3A_279, %sub3A : vector<16xf32>
      %swap3A_281 = arith.constant 1 : i32
      %swap3A_282 = arith.index_cast %swap3A_281 : i32 to index
      %swap3A_283 = arith.index_cast %scan3A_261 : i32 to index
      %swap3A_284 = arith.constant 0 : index
      %swap3A_285 = tpu.vector_load %arg8[%swap3A_282, %swap3A_283, %swap3A_284] {strides = array<i32>} : memref<2x64x256xf32, #tpu.memory_space<vmem>>, vector<1x1x16xf32>,
      %swap3A_286 = vector.shape_cast %swap3A_285 : vector<1x1x16xf32> to vector<16xf32>
      %swap3A_287 = vector.shape_cast %add3A_280 : vector<16xf32> to vector<1x1x16xf32>
      tpu.vector_store %arg8[%swap3A_282, %swap3A_283, %swap3A_284], %swap3A_287 {strides = array<i32>} : memref<2x64x256xf32, #tpu.memory_space<vmem>>, vector<1x1x16xf32>,
      %mul3A_288 = arith.mulf %sub3A, %sub3A : vector<16xf32>
      %add3A_289 = arith.addf %scan3A_262, %mul3A_288 : vector<16xf32>
      %get3A_290 = arith.constant 1 : i32
      %get3A_291 = arith.index_cast %get3A_290 : i32 to index
      %get3A_292 = arith.index_cast %scan3A_261 : i32 to index
      %get3A_293 = arith.constant 16 : index
      %get3A_294 = tpu.vector_load %arg8[%get3A_291, %get3A_292, %get3A_293] {strides = array<i32>} : memref<2x64x256xf32, #tpu.memory_space<vmem>>, vector<1x1x16xf32>,
      %get3A_295 = vector.shape_cast %get3A_294 : vector<1x1x16xf32> to vector<16xf32>
      %get3A_296 = arith.constant 1 : i32
      %get3A_297 = arith.index_cast %get3A_296 : i32 to index
      %get3A_298 = arith.index_cast %scan3A_261 : i32 to index
      %get3A_299 = arith.constant 16 : index
      %get3A_300 = tpu.vector_load %arg9[%get3A_297, %get3A_298, %get3A_299] {strides = array<i32>} : memref<2x64x256xf32, #tpu.memory_space<vmem>>, vector<1x1x16xf32>,
      %get3A_301 = vector.shape_cast %get3A_300 : vector<1x1x16xf32> to vector<16xf32>
      %sub3A_302 = arith.subf %get3A_295, %get3A_301 : vector<16xf32>
      %get3A_303 = arith.constant 1 : i32
      %get3A_304 = arith.index_cast %get3A_303 : i32 to index
      %get3A_305 = arith.index_cast %scan3A_261 : i32 to index
      %get3A_306 = arith.constant 16 : index
      %get3A_307 = tpu.vector_load %arg9[%get3A_304, %get3A_305, %get3A_306] {strides = array<i32>} : memref<2x64x256xf32, #tpu.memory_space<vmem>>, vector<1x1x16xf32>,
      %get3A_308 = vector.shape_cast %get3A_307 : vector<1x1x16xf32> to vector<16xf32>
      %add3A_309 = arith.addf %get3A_308, %sub3A_302 : vector<16xf32>
      %swap3A_310 = arith.constant 1 : i32
      %swap3A_311 = arith.index_cast %swap3A_310 : i32 to index
      %swap3A_312 = arith.index_cast %scan3A_261 : i32 to index
      %swap3A_313 = arith.constant 16 : index
      %swap3A_314 = tpu.vector_load %arg8[%swap3A_311, %swap3A_312, %swap3A_313] {strides = array<i32>} : memref<2x64x256xf32, #tpu.memory_space<vmem>>, vector<1x1x16xf32>,
      %swap3A_315 = vector.shape_cast %swap3A_314 : vector<1x1x16xf32> to vector<16xf32>
      %swap3A_316 = vector.shape_cast %add3A_309 : vector<16xf32> to vector<1x1x16xf32>
      tpu.vector_store %arg8[%swap3A_311, %swap3A_312, %swap3A_313], %swap3A_316 {strides = array<i32>} : memref<2x64x256xf32, #tpu.memory_space<vmem>>, vector<1x1x16xf32>,
      %mul3A_317 = arith.mulf %sub3A_302, %sub3A_302 : vector<16xf32>
      %add3A_318 = arith.addf %add3A_289, %mul3A_317 : vector<16xf32>
      %get3A_319 = arith.constant 1 : i32
      %get3A_320 = arith.index_cast %get3A_319 : i32 to index
      %get3A_321 = arith.index_cast %scan3A_261 : i32 to index
      %get3A_322 = arith.constant 32 : index
      %get3A_323 = tpu.vector_load %arg8[%get3A_320, %get3A_321, %get3A_322] {strides = array<i32>} : memref<2x64x256xf32, #tpu.memory_space<vmem>>, vector<1x1x16xf32>,
      %get3A_324 = vector.shape_cast %get3A_323 : vector<1x1x16xf32> to vector<16xf32>
      %get3A_325 = arith.constant 1 : i32
      %get3A_326 = arith.index_cast %get3A_325 : i32 to index
      %get3A_327 = arith.index_cast %scan3A_261 : i32 to index
      %get3A_328 = arith.constant 32 : index
      %get3A_329 = tpu.vector_load %arg9[%get3A_326, %get3A_327, %get3A_328] {strides = array<i32>} : memref<2x64x256xf32, #tpu.memory_space<vmem>>, vector<1x1x16xf32>,
      %get3A_330 = vector.shape_cast %get3A_329 : vector<1x1x16xf32> to vector<16xf32>
      %sub3A_331 = arith.subf %get3A_324, %get3A_330 : vector<16xf32>
      %get3A_332 = arith.constant 1 : i32
      %get3A_333 = arith.index_cast %get3A_332 : i32 to index
      %get3A_334 = arith.index_cast %scan3A_261 : i32 to index
      %get3A_335 = arith.constant 32 : index
      %get3A_336 = tpu.vector_load %arg9[%get3A_333, %get3A_334, %get3A_335] {strides = array<i32>} : memref<2x64x256xf32, #tpu.memory_space<vmem>>, vector<1x1x16xf32>,
      %get3A_337 = vector.shape_cast %get3A_336 : vector<1x1x16xf32> to vector<16xf32>
      %add3A_338 = arith.addf %get3A_337, %sub3A_331 : vector<16xf32>
      %swap3A_339 = arith.constant 1 : i32
      %swap3A_340 = arith.index_cast %swap3A_339 : i32 to index
      %swap3A_341 = arith.index_cast %scan3A_261 : i32 to index
      %swap3A_342 = arith.constant 32 : index
      %swap3A_343 = tpu.vector_load %arg8[%swap3A_340, %swap3A_341, %swap3A_342] {strides = array<i32>} : memref<2x64x256xf32, #tpu.memory_space<vmem>>, vector<1x1x16xf32>,
      %swap3A_344 = vector.shape_cast %swap3A_343 : vector<1x1x16xf32> to vector<16xf32>
      %swap3A_345 = vector.shape_cast %add3A_338 : vector<16xf32> to vector<1x1x16xf32>
      tpu.vector_store %arg8[%swap3A_340, %swap3A_341, %swap3A_342], %swap3A_345 {strides = array<i32>} : memref<2x64x256xf32, #tpu.memory_space<vmem>>, vector<1x1x16xf32>,
      %mul3A_346 = arith.mulf %sub3A_331, %sub3A_331 : vector<16xf32>
      %add3A_347 = arith.addf %add3A_318, %mul3A_346 : vector<16xf32>
      %get3A_348 = arith.constant 1 : i32
      %get3A_349 = arith.index_cast %get3A_348 : i32 to index
      %get3A_350 = arith.index_cast %scan3A_261 : i32 to index
      %get3A_351 = arith.constant 48 : index
      %get3A_352 = tpu.vector_load %arg8[%get3A_349, %get3A_350, %get3A_351] {strides = array<i32>} : memref<2x64x256xf32, #tpu.memory_space<vmem>>, vector<1x1x16xf32>,
      %get3A_353 = vector.shape_cast %get3A_352 : vector<1x1x16xf32> to vector<16xf32>
      %get3A_354 = arith.constant 1 : i32
      %get3A_355 = arith.index_cast %get3A_354 : i32 to index
      %get3A_356 = arith.index_cast %scan3A_261 : i32 to index
      %get3A_357 = arith.constant 48 : index
      %get3A_358 = tpu.vector_load %arg9[%get3A_355, %get3A_356, %get3A_357] {strides = array<i32>} : memref<2x64x256xf32, #tpu.memory_space<vmem>>, vector<1x1x16xf32>,
      %get3A_359 = vector.shape_cast %get3A_358 : vector<1x1x16xf32> to vector<16xf32>
      %sub3A_360 = arith.subf %get3A_353, %get3A_359 : vector<16xf32>
      %get3A_361 = arith.constant 1 : i32
      %get3A_362 = arith.index_cast %get3A_361 : i32 to index
      %get3A_363 = arith.index_cast %scan3A_261 : i32 to index
      %get3A_364 = arith.constant 48 : index
      %get3A_365 = tpu.vector_load %arg9[%get3A_362, %get3A_363, %get3A_364] {strides = array<i32>} : memref<2x64x256xf32, #tpu.memory_space<vmem>>, vector<1x1x16xf32>,
      %get3A_366 = vector.shape_cast %get3A_365 : vector<1x1x16xf32> to vector<16xf32>
      %add3A_367 = arith.addf %get3A_366, %sub3A_360 : vector<16xf32>
      %swap3A_368 = arith.constant 1 : i32
      %swap3A_369 = arith.index_cast %swap3A_368 : i32 to index
      %swap3A_370 = arith.index_cast %scan3A_261 : i32 to index
      %swap3A_371 = arith.constant 48 : index
      %swap3A_372 = tpu.vector_load %arg8[%swap3A_369, %swap3A_370, %swap3A_371] {strides = array<i32>} : memref<2x64x256xf32, #tpu.memory_space<vmem>>, vector<1x1x16xf32>,
      %swap3A_373 = vector.shape_cast %swap3A_372 : vector<1x1x16xf32> to vector<16xf32>
      %swap3A_374 = vector.shape_cast %add3A_367 : vector<16xf32> to vector<1x1x16xf32>
      tpu.vector_store %arg8[%swap3A_369, %swap3A_370, %swap3A_371], %swap3A_374 {strides = array<i32>} : memref<2x64x256xf32, #tpu.memory_space<vmem>>, vector<1x1x16xf32>,
      %mul3A_375 = arith.mulf %sub3A_360, %sub3A_360 : vector<16xf32>
      %add3A_376 = arith.addf %add3A_347, %mul3A_375 : vector<16xf32>
      %get3A_377 = arith.constant 1 : i32
      %get3A_378 = arith.index_cast %get3A_377 : i32 to index
      %get3A_379 = arith.index_cast %scan3A_261 : i32 to index
      %get3A_380 = arith.constant 64 : index
      %get3A_381 = tpu.vector_load %arg8[%get3A_378, %get3A_379, %get3A_380] {strides = array<i32>} : memref<2x64x256xf32, #tpu.memory_space<vmem>>, vector<1x1x16xf32>,
      %get3A_382 = vector.shape_cast %get3A_381 : vector<1x1x16xf32> to vector<16xf32>
      %get3A_383 = arith.constant 1 : i32
      %get3A_384 = arith.index_cast %get3A_383 : i32 to index
      %get3A_385 = arith.index_cast %scan3A_261 : i32 to index
      %get3A_386 = arith.constant 64 : index
      %get3A_387 = tpu.vector_load %arg9[%get3A_384, %get3A_385, %get3A_386] {strides = array<i32>} : memref<2x64x256xf32, #tpu.memory_space<vmem>>, vector<1x1x16xf32>,
      %get3A_388 = vector.shape_cast %get3A_387 : vector<1x1x16xf32> to vector<16xf32>
      %sub3A_389 = arith.subf %get3A_382, %get3A_388 : vector<16xf32>
      %get3A_390 = arith.constant 1 : i32
      %get3A_391 = arith.index_cast %get3A_390 : i32 to index
      %get3A_392 = arith.index_cast %scan3A_261 : i32 to index
      %get3A_393 = arith.constant 64 : index
      %get3A_394 = tpu.vector_load %arg9[%get3A_391, %get3A_392, %get3A_393] {strides = array<i32>} : memref<2x64x256xf32, #tpu.memory_space<vmem>>, vector<1x1x16xf32>,
      %get3A_395 = vector.shape_cast %get3A_394 : vector<1x1x16xf32> to vector<16xf32>
      %add3A_396 = arith.addf %get3A_395, %sub3A_389 : vector<16xf32>
      %swap3A_397 = arith.constant 1 : i32
      %swap3A_398 = arith.index_cast %swap3A_397 : i32 to index
      %swap3A_399 = arith.index_cast %scan3A_261 : i32 to index
      %swap3A_400 = arith.constant 64 : index
      %swap3A_401 = tpu.vector_load %arg8[%swap3A_398, %swap3A_399, %swap3A_400] {strides = array<i32>} : memref<2x64x256xf32, #tpu.memory_space<vmem>>, vector<1x1x16xf32>,
      %swap3A_402 = vector.shape_cast %swap3A_401 : vector<1x1x16xf32> to vector<16xf32>
      %swap3A_403 = vector.shape_cast %add3A_396 : vector<16xf32> to vector<1x1x16xf32>
      tpu.vector_store %arg8[%swap3A_398, %swap3A_399, %swap3A_400], %swap3A_403 {strides = array<i32>} : memref<2x64x256xf32, #tpu.memory_space<vmem>>, vector<1x1x16xf32>,
      %mul3A_404 = arith.mulf %sub3A_389, %sub3A_389 : vector<16xf32>
      %add3A_405 = arith.addf %add3A_376, %mul3A_404 : vector<16xf32>
      %get3A_406 = arith.constant 1 : i32
      %get3A_407 = arith.index_cast %get3A_406 : i32 to index
      %get3A_408 = arith.index_cast %scan3A_261 : i32 to index
      %get3A_409 = arith.constant 80 : index
      %get3A_410 = tpu.vector_load %arg8[%get3A_407, %get3A_408, %get3A_409] {strides = array<i32>} : memref<2x64x256xf32, #tpu.memory_space<vmem>>, vector<1x1x16xf32>,
      %get3A_411 = vector.shape_cast %get3A_410 : vector<1x1x16xf32> to vector<16xf32>
      %get3A_412 = arith.constant 1 : i32
      %get3A_413 = arith.index_cast %get3A_412 : i32 to index
      %get3A_414 = arith.index_cast %scan3A_261 : i32 to index
      %get3A_415 = arith.constant 80 : index
      %get3A_416 = tpu.vector_load %arg9[%get3A_413, %get3A_414, %get3A_415] {strides = array<i32>} : memref<2x64x256xf32, #tpu.memory_space<vmem>>, vector<1x1x16xf32>,
      %get3A_417 = vector.shape_cast %get3A_416 : vector<1x1x16xf32> to vector<16xf32>
      %sub3A_418 = arith.subf %get3A_411, %get3A_417 : vector<16xf32>
      %get3A_419 = arith.constant 1 : i32
      %get3A_420 = arith.index_cast %get3A_419 : i32 to index
      %get3A_421 = arith.index_cast %scan3A_261 : i32 to index
      %get3A_422 = arith.constant 80 : index
      %get3A_423 = tpu.vector_load %arg9[%get3A_420, %get3A_421, %get3A_422] {strides = array<i32>} : memref<2x64x256xf32, #tpu.memory_space<vmem>>, vector<1x1x16xf32>,
      %get3A_424 = vector.shape_cast %get3A_423 : vector<1x1x16xf32> to vector<16xf32>
      %add3A_425 = arith.addf %get3A_424, %sub3A_418 : vector<16xf32>
      %swap3A_426 = arith.constant 1 : i32
      %swap3A_427 = arith.index_cast %swap3A_426 : i32 to index
      %swap3A_428 = arith.index_cast %scan3A_261 : i32 to index
      %swap3A_429 = arith.constant 80 : index
      %swap3A_430 = tpu.vector_load %arg8[%swap3A_427, %swap3A_428, %swap3A_429] {strides = array<i32>} : memref<2x64x256xf32, #tpu.memory_space<vmem>>, vector<1x1x16xf32>,
      %swap3A_431 = vector.shape_cast %swap3A_430 : vector<1x1x16xf32> to vector<16xf32>
      %swap3A_432 = vector.shape_cast %add3A_425 : vector<16xf32> to vector<1x1x16xf32>
      tpu.vector_store %arg8[%swap3A_427, %swap3A_428, %swap3A_429], %swap3A_432 {strides = array<i32>} : memref<2x64x256xf32, #tpu.memory_space<vmem>>, vector<1x1x16xf32>,
      %mul3A_433 = arith.mulf %sub3A_418, %sub3A_418 : vector<16xf32>
      %add3A_434 = arith.addf %add3A_405, %mul3A_433 : vector<16xf32>
      %get3A_435 = arith.constant 1 : i32
      %get3A_436 = arith.index_cast %get3A_435 : i32 to index
      %get3A_437 = arith.index_cast %scan3A_261 : i32 to index
      %get3A_438 = arith.constant 96 : index
      %get3A_439 = tpu.vector_load %arg8[%get3A_436, %get3A_437, %get3A_438] {strides = array<i32>} : memref<2x64x256xf32, #tpu.memory_space<vmem>>, vector<1x1x16xf32>,
      %get3A_440 = vector.shape_cast %get3A_439 : vector<1x1x16xf32> to vector<16xf32>
      %get3A_441 = arith.constant 1 : i32
      %get3A_442 = arith.index_cast %get3A_441 : i32 to index
      %get3A_443 = arith.index_cast %scan3A_261 : i32 to index
      %get3A_444 = arith.constant 96 : index
      %get3A_445 = tpu.vector_load %arg9[%get3A_442, %get3A_443, %get3A_444] {strides = array<i32>} : memref<2x64x256xf32, #tpu.memory_space<vmem>>, vector<1x1x16xf32>,
      %get3A_446 = vector.shape_cast %get3A_445 : vector<1x1x16xf32> to vector<16xf32>
      %sub3A_447 = arith.subf %get3A_440, %get3A_446 : vector<16xf32>
      %get3A_448 = arith.constant 1 : i32
      %get3A_449 = arith.index_cast %get3A_448 : i32 to index
      %get3A_450 = arith.index_cast %scan3A_261 : i32 to index
      %get3A_451 = arith.constant 96 : index
      %get3A_452 = tpu.vector_load %arg9[%get3A_449, %get3A_450, %get3A_451] {strides = array<i32>} : memref<2x64x256xf32, #tpu.memory_space<vmem>>, vector<1x1x16xf32>,
      %get3A_453 = vector.shape_cast %get3A_452 : vector<1x1x16xf32> to vector<16xf32>
      %add3A_454 = arith.addf %get3A_453, %sub3A_447 : vector<16xf32>
      %swap3A_455 = arith.constant 1 : i32
      %swap3A_456 = arith.index_cast %swap3A_455 : i32 to index
      %swap3A_457 = arith.index_cast %scan3A_261 : i32 to index
      %swap3A_458 = arith.constant 96 : index
      %swap3A_459 = tpu.vector_load %arg8[%swap3A_456, %swap3A_457, %swap3A_458] {strides = array<i32>} : memref<2x64x256xf32, #tpu.memory_space<vmem>>, vector<1x1x16xf32>,
      %swap3A_460 = vector.shape_cast %swap3A_459 : vector<1x1x16xf32> to vector<16xf32>
      %swap3A_461 = vector.shape_cast %add3A_454 : vector<16xf32> to vector<1x1x16xf32>
      tpu.vector_store %arg8[%swap3A_456, %swap3A_457, %swap3A_458], %swap3A_461 {strides = array<i32>} : memref<2x64x256xf32, #tpu.memory_space<vmem>>, vector<1x1x16xf32>,
      %mul3A_462 = arith.mulf %sub3A_447, %sub3A_447 : vector<16xf32>
      %add3A_463 = arith.addf %add3A_434, %mul3A_462 : vector<16xf32>
      %get3A_464 = arith.constant 1 : i32
      %get3A_465 = arith.index_cast %get3A_464 : i32 to index
      %get3A_466 = arith.index_cast %scan3A_261 : i32 to index
      %get3A_467 = arith.constant 112 : index
      %get3A_468 = tpu.vector_load %arg8[%get3A_465, %get3A_466, %get3A_467] {strides = array<i32>} : memref<2x64x256xf32, #tpu.memory_space<vmem>>, vector<1x1x16xf32>,
      %get3A_469 = vector.shape_cast %get3A_468 : vector<1x1x16xf32> to vector<16xf32>
      %get3A_470 = arith.constant 1 : i32
      %get3A_471 = arith.index_cast %get3A_470 : i32 to index
      %get3A_472 = arith.index_cast %scan3A_261 : i32 to index
      %get3A_473 = arith.constant 112 : index
      %get3A_474 = tpu.vector_load %arg9[%get3A_471, %get3A_472, %get3A_473] {strides = array<i32>} : memref<2x64x256xf32, #tpu.memory_space<vmem>>, vector<1x1x16xf32>,
      %get3A_475 = vector.shape_cast %get3A_474 : vector<1x1x16xf32> to vector<16xf32>
      %sub3A_476 = arith.subf %get3A_469, %get3A_475 : vector<16xf32>
      %get3A_477 = arith.constant 1 : i32
      %get3A_478 = arith.index_cast %get3A_477 : i32 to index
      %get3A_479 = arith.index_cast %scan3A_261 : i32 to index
      %get3A_480 = arith.constant 112 : index
      %get3A_481 = tpu.vector_load %arg9[%get3A_478, %get3A_479, %get3A_480] {strides = array<i32>} : memref<2x64x256xf32, #tpu.memory_space<vmem>>, vector<1x1x16xf32>,
      %get3A_482 = vector.shape_cast %get3A_481 : vector<1x1x16xf32> to vector<16xf32>
      %add3A_483 = arith.addf %get3A_482, %sub3A_476 : vector<16xf32>
      %swap3A_484 = arith.constant 1 : i32
      %swap3A_485 = arith.index_cast %swap3A_484 : i32 to index
      %swap3A_486 = arith.index_cast %scan3A_261 : i32 to index
      %swap3A_487 = arith.constant 112 : index
      %swap3A_488 = tpu.vector_load %arg8[%swap3A_485, %swap3A_486, %swap3A_487] {strides = array<i32>} : memref<2x64x256xf32, #tpu.memory_space<vmem>>, vector<1x1x16xf32>,
      %swap3A_489 = vector.shape_cast %swap3A_488 : vector<1x1x16xf32> to vector<16xf32>
      %swap3A_490 = vector.shape_cast %add3A_483 : vector<16xf32> to vector<1x1x16xf32>
      tpu.vector_store %arg8[%swap3A_485, %swap3A_486, %swap3A_487], %swap3A_490 {strides = array<i32>} : memref<2x64x256xf32, #tpu.memory_space<vmem>>, vector<1x1x16xf32>,
      %mul3A_491 = arith.mulf %sub3A_476, %sub3A_476 : vector<16xf32>
      %add3A_492 = arith.addf %add3A_463, %mul3A_491 : vector<16xf32>
      %get3A_493 = arith.constant 1 : i32
      %get3A_494 = arith.index_cast %get3A_493 : i32 to index
      %get3A_495 = arith.index_cast %scan3A_261 : i32 to index
      %get3A_496 = arith.constant 128 : index
      %get3A_497 = tpu.vector_load %arg8[%get3A_494, %get3A_495, %get3A_496] {strides = array<i32>} : memref<2x64x256xf32, #tpu.memory_space<vmem>>, vector<1x1x16xf32>,
      %get3A_498 = vector.shape_cast %get3A_497 : vector<1x1x16xf32> to vector<16xf32>
      %get3A_499 = arith.constant 1 : i32
      %get3A_500 = arith.index_cast %get3A_499 : i32 to index
      %get3A_501 = arith.index_cast %scan3A_261 : i32 to index
      %get3A_502 = arith.constant 128 : index
      %get3A_503 = tpu.vector_load %arg9[%get3A_500, %get3A_501, %get3A_502] {strides = array<i32>} : memref<2x64x256xf32, #tpu.memory_space<vmem>>, vector<1x1x16xf32>,
      %get3A_504 = vector.shape_cast %get3A_503 : vector<1x1x16xf32> to vector<16xf32>
      %sub3A_505 = arith.subf %get3A_498, %get3A_504 : vector<16xf32>
      %get3A_506 = arith.constant 1 : i32
      %get3A_507 = arith.index_cast %get3A_506 : i32 to index
      %get3A_508 = arith.index_cast %scan3A_261 : i32 to index
      %get3A_509 = arith.constant 128 : index
      %get3A_510 = tpu.vector_load %arg9[%get3A_507, %get3A_508, %get3A_509] {strides = array<i32>} : memref<2x64x256xf32, #tpu.memory_space<vmem>>, vector<1x1x16xf32>,
      %get3A_511 = vector.shape_cast %get3A_510 : vector<1x1x16xf32> to vector<16xf32>
      %add3A_512 = arith.addf %get3A_511, %sub3A_505 : vector<16xf32>
      %swap3A_513 = arith.constant 1 : i32
      %swap3A_514 = arith.index_cast %swap3A_513 : i32 to index
      %swap3A_515 = arith.index_cast %scan3A_261 : i32 to index
      %swap3A_516 = arith.constant 128 : index
      %swap3A_517 = tpu.vector_load %arg8[%swap3A_514, %swap3A_515, %swap3A_516] {strides = array<i32>} : memref<2x64x256xf32, #tpu.memory_space<vmem>>, vector<1x1x16xf32>,
      %swap3A_518 = vector.shape_cast %swap3A_517 : vector<1x1x16xf32> to vector<16xf32>
      %swap3A_519 = vector.shape_cast %add3A_512 : vector<16xf32> to vector<1x1x16xf32>
      tpu.vector_store %arg8[%swap3A_514, %swap3A_515, %swap3A_516], %swap3A_519 {strides = array<i32>} : memref<2x64x256xf32, #tpu.memory_space<vmem>>, vector<1x1x16xf32>,
      %mul3A_520 = arith.mulf %sub3A_505, %sub3A_505 : vector<16xf32>
      %add3A_521 = arith.addf %add3A_492, %mul3A_520 : vector<16xf32>
      %get3A_522 = arith.constant 1 : i32
      %get3A_523 = arith.index_cast %get3A_522 : i32 to index
      %get3A_524 = arith.index_cast %scan3A_261 : i32 to index
      %get3A_525 = arith.constant 144 : index
      %get3A_526 = tpu.vector_load %arg8[%get3A_523, %get3A_524, %get3A_525] {strides = array<i32>} : memref<2x64x256xf32, #tpu.memory_space<vmem>>, vector<1x1x16xf32>,
      %get3A_527 = vector.shape_cast %get3A_526 : vector<1x1x16xf32> to vector<16xf32>
      %get3A_528 = arith.constant 1 : i32
      %get3A_529 = arith.index_cast %get3A_528 : i32 to index
      %get3A_530 = arith.index_cast %scan3A_261 : i32 to index
      %get3A_531 = arith.constant 144 : index
      %get3A_532 = tpu.vector_load %arg9[%get3A_529, %get3A_530, %get3A_531] {strides = array<i32>} : memref<2x64x256xf32, #tpu.memory_space<vmem>>, vector<1x1x16xf32>,
      %get3A_533 = vector.shape_cast %get3A_532 : vector<1x1x16xf32> to vector<16xf32>
      %sub3A_534 = arith.subf %get3A_527, %get3A_533 : vector<16xf32>
      %get3A_535 = arith.constant 1 : i32
      %get3A_536 = arith.index_cast %get3A_535 : i32 to index
      %get3A_537 = arith.index_cast %scan3A_261 : i32 to index
      %get3A_538 = arith.constant 144 : index
      %get3A_539 = tpu.vector_load %arg9[%get3A_536, %get3A_537, %get3A_538] {strides = array<i32>} : memref<2x64x256xf32, #tpu.memory_space<vmem>>, vector<1x1x16xf32>,
      %get3A_540 = vector.shape_cast %get3A_539 : vector<1x1x16xf32> to vector<16xf32>
      %add3A_541 = arith.addf %get3A_540, %sub3A_534 : vector<16xf32>
      %swap3A_542 = arith.constant 1 : i32
      %swap3A_543 = arith.index_cast %swap3A_542 : i32 to index
      %swap3A_544 = arith.index_cast %scan3A_261 : i32 to index
      %swap3A_545 = arith.constant 144 : index
      %swap3A_546 = tpu.vector_load %arg8[%swap3A_543, %swap3A_544, %swap3A_545] {strides = array<i32>} : memref<2x64x256xf32, #tpu.memory_space<vmem>>, vector<1x1x16xf32>,
      %swap3A_547 = vector.shape_cast %swap3A_546 : vector<1x1x16xf32> to vector<16xf32>
      %swap3A_548 = vector.shape_cast %add3A_541 : vector<16xf32> to vector<1x1x16xf32>
      tpu.vector_store %arg8[%swap3A_543, %swap3A_544, %swap3A_545], %swap3A_548 {strides = array<i32>} : memref<2x64x256xf32, #tpu.memory_space<vmem>>, vector<1x1x16xf32>,
      %mul3A_549 = arith.mulf %sub3A_534, %sub3A_534 : vector<16xf32>
      %add3A_550 = arith.addf %add3A_521, %mul3A_549 : vector<16xf32>
      %get3A_551 = arith.constant 1 : i32
      %get3A_552 = arith.index_cast %get3A_551 : i32 to index
      %get3A_553 = arith.index_cast %scan3A_261 : i32 to index
      %get3A_554 = arith.constant 160 : index
      %get3A_555 = tpu.vector_load %arg8[%get3A_552, %get3A_553, %get3A_554] {strides = array<i32>} : memref<2x64x256xf32, #tpu.memory_space<vmem>>, vector<1x1x16xf32>,
      %get3A_556 = vector.shape_cast %get3A_555 : vector<1x1x16xf32> to vector<16xf32>
      %get3A_557 = arith.constant 1 : i32
      %get3A_558 = arith.index_cast %get3A_557 : i32 to index
      %get3A_559 = arith.index_cast %scan3A_261 : i32 to index
      %get3A_560 = arith.constant 160 : index
      %get3A_561 = tpu.vector_load %arg9[%get3A_558, %get3A_559, %get3A_560] {strides = array<i32>} : memref<2x64x256xf32, #tpu.memory_space<vmem>>, vector<1x1x16xf32>,
      %get3A_562 = vector.shape_cast %get3A_561 : vector<1x1x16xf32> to vector<16xf32>
      %sub3A_563 = arith.subf %get3A_556, %get3A_562 : vector<16xf32>
      %get3A_564 = arith.constant 1 : i32
      %get3A_565 = arith.index_cast %get3A_564 : i32 to index
      %get3A_566 = arith.index_cast %scan3A_261 : i32 to index
      %get3A_567 = arith.constant 160 : index
      %get3A_568 = tpu.vector_load %arg9[%get3A_565, %get3A_566, %get3A_567] {strides = array<i32>} : memref<2x64x256xf32, #tpu.memory_space<vmem>>, vector<1x1x16xf32>,
      %get3A_569 = vector.shape_cast %get3A_568 : vector<1x1x16xf32> to vector<16xf32>
      %add3A_570 = arith.addf %get3A_569, %sub3A_563 : vector<16xf32>
      %swap3A_571 = arith.constant 1 : i32
      %swap3A_572 = arith.index_cast %swap3A_571 : i32 to index
      %swap3A_573 = arith.index_cast %scan3A_261 : i32 to index
      %swap3A_574 = arith.constant 160 : index
      %swap3A_575 = tpu.vector_load %arg8[%swap3A_572, %swap3A_573, %swap3A_574] {strides = array<i32>} : memref<2x64x256xf32, #tpu.memory_space<vmem>>, vector<1x1x16xf32>,
      %swap3A_576 = vector.shape_cast %swap3A_575 : vector<1x1x16xf32> to vector<16xf32>
      %swap3A_577 = vector.shape_cast %add3A_570 : vector<16xf32> to vector<1x1x16xf32>
      tpu.vector_store %arg8[%swap3A_572, %swap3A_573, %swap3A_574], %swap3A_577 {strides = array<i32>} : memref<2x64x256xf32, #tpu.memory_space<vmem>>, vector<1x1x16xf32>,
      %mul3A_578 = arith.mulf %sub3A_563, %sub3A_563 : vector<16xf32>
      %add3A_579 = arith.addf %add3A_550, %mul3A_578 : vector<16xf32>
      %get3A_580 = arith.constant 1 : i32
      %get3A_581 = arith.index_cast %get3A_580 : i32 to index
      %get3A_582 = arith.index_cast %scan3A_261 : i32 to index
      %get3A_583 = arith.constant 176 : index
      %get3A_584 = tpu.vector_load %arg8[%get3A_581, %get3A_582, %get3A_583] {strides = array<i32>} : memref<2x64x256xf32, #tpu.memory_space<vmem>>, vector<1x1x16xf32>,
      %get3A_585 = vector.shape_cast %get3A_584 : vector<1x1x16xf32> to vector<16xf32>
      %get3A_586 = arith.constant 1 : i32
      %get3A_587 = arith.index_cast %get3A_586 : i32 to index
      %get3A_588 = arith.index_cast %scan3A_261 : i32 to index
      %get3A_589 = arith.constant 176 : index
      %get3A_590 = tpu.vector_load %arg9[%get3A_587, %get3A_588, %get3A_589] {strides = array<i32>} : memref<2x64x256xf32, #tpu.memory_space<vmem>>, vector<1x1x16xf32>,
      %get3A_591 = vector.shape_cast %get3A_590 : vector<1x1x16xf32> to vector<16xf32>
      %sub3A_592 = arith.subf %get3A_585, %get3A_591 : vector<16xf32>
      %get3A_593 = arith.constant 1 : i32
      %get3A_594 = arith.index_cast %get3A_593 : i32 to index
      %get3A_595 = arith.index_cast %scan3A_261 : i32 to index
      %get3A_596 = arith.constant 176 : index
      %get3A_597 = tpu.vector_load %arg9[%get3A_594, %get3A_595, %get3A_596] {strides = array<i32>} : memref<2x64x256xf32, #tpu.memory_space<vmem>>, vector<1x1x16xf32>,
      %get3A_598 = vector.shape_cast %get3A_597 : vector<1x1x16xf32> to vector<16xf32>
      %add3A_599 = arith.addf %get3A_598, %sub3A_592 : vector<16xf32>
      %swap3A_600 = arith.constant 1 : i32
      %swap3A_601 = arith.index_cast %swap3A_600 : i32 to index
      %swap3A_602 = arith.index_cast %scan3A_261 : i32 to index
      %swap3A_603 = arith.constant 176 : index
      %swap3A_604 = tpu.vector_load %arg8[%swap3A_601, %swap3A_602, %swap3A_603] {strides = array<i32>} : memref<2x64x256xf32, #tpu.memory_space<vmem>>, vector<1x1x16xf32>,
      %swap3A_605 = vector.shape_cast %swap3A_604 : vector<1x1x16xf32> to vector<16xf32>
      %swap3A_606 = vector.shape_cast %add3A_599 : vector<16xf32> to vector<1x1x16xf32>
      tpu.vector_store %arg8[%swap3A_601, %swap3A_602, %swap3A_603], %swap3A_606 {strides = array<i32>} : memref<2x64x256xf32, #tpu.memory_space<vmem>>, vector<1x1x16xf32>,
      %mul3A_607 = arith.mulf %sub3A_592, %sub3A_592 : vector<16xf32>
      %add3A_608 = arith.addf %add3A_579, %mul3A_607 : vector<16xf32>
      %get3A_609 = arith.constant 1 : i32
      %get3A_610 = arith.index_cast %get3A_609 : i32 to index
      %get3A_611 = arith.index_cast %scan3A_261 : i32 to index
      %get3A_612 = arith.constant 192 : index
      %get3A_613 = tpu.vector_load %arg8[%get3A_610, %get3A_611, %get3A_612] {strides = array<i32>} : memref<2x64x256xf32, #tpu.memory_space<vmem>>, vector<1x1x16xf32>,
      %get3A_614 = vector.shape_cast %get3A_613 : vector<1x1x16xf32> to vector<16xf32>
      %get3A_615 = arith.constant 1 : i32
      %get3A_616 = arith.index_cast %get3A_615 : i32 to index
      %get3A_617 = arith.index_cast %scan3A_261 : i32 to index
      %get3A_618 = arith.constant 192 : index
      %get3A_619 = tpu.vector_load %arg9[%get3A_616, %get3A_617, %get3A_618] {strides = array<i32>} : memref<2x64x256xf32, #tpu.memory_space<vmem>>, vector<1x1x16xf32>,
      %get3A_620 = vector.shape_cast %get3A_619 : vector<1x1x16xf32> to vector<16xf32>
      %sub3A_621 = arith.subf %get3A_614, %get3A_620 : vector<16xf32>
      %get3A_622 = arith.constant 1 : i32
      %get3A_623 = arith.index_cast %get3A_622 : i32 to index
      %get3A_624 = arith.index_cast %scan3A_261 : i32 to index
      %get3A_625 = arith.constant 192 : index
      %get3A_626 = tpu.vector_load %arg9[%get3A_623, %get3A_624, %get3A_625] {strides = array<i32>} : memref<2x64x256xf32, #tpu.memory_space<vmem>>, vector<1x1x16xf32>,
      %get3A_627 = vector.shape_cast %get3A_626 : vector<1x1x16xf32> to vector<16xf32>
      %add3A_628 = arith.addf %get3A_627, %sub3A_621 : vector<16xf32>
      %swap3A_629 = arith.constant 1 : i32
      %swap3A_630 = arith.index_cast %swap3A_629 : i32 to index
      %swap3A_631 = arith.index_cast %scan3A_261 : i32 to index
      %swap3A_632 = arith.constant 192 : index
      %swap3A_633 = tpu.vector_load %arg8[%swap3A_630, %swap3A_631, %swap3A_632] {strides = array<i32>} : memref<2x64x256xf32, #tpu.memory_space<vmem>>, vector<1x1x16xf32>,
      %swap3A_634 = vector.shape_cast %swap3A_633 : vector<1x1x16xf32> to vector<16xf32>
      %swap3A_635 = vector.shape_cast %add3A_628 : vector<16xf32> to vector<1x1x16xf32>
      tpu.vector_store %arg8[%swap3A_630, %swap3A_631, %swap3A_632], %swap3A_635 {strides = array<i32>} : memref<2x64x256xf32, #tpu.memory_space<vmem>>, vector<1x1x16xf32>,
      %mul3A_636 = arith.mulf %sub3A_621, %sub3A_621 : vector<16xf32>
      %add3A_637 = arith.addf %add3A_608, %mul3A_636 : vector<16xf32>
      %get3A_638 = arith.constant 1 : i32
      %get3A_639 = arith.index_cast %get3A_638 : i32 to index
      %get3A_640 = arith.index_cast %scan3A_261 : i32 to index
      %get3A_641 = arith.constant 208 : index
      %get3A_642 = tpu.vector_load %arg8[%get3A_639, %get3A_640, %get3A_641] {strides = array<i32>} : memref<2x64x256xf32, #tpu.memory_space<vmem>>, vector<1x1x16xf32>,
      %get3A_643 = vector.shape_cast %get3A_642 : vector<1x1x16xf32> to vector<16xf32>
      %get3A_644 = arith.constant 1 : i32
      %get3A_645 = arith.index_cast %get3A_644 : i32 to index
      %get3A_646 = arith.index_cast %scan3A_261 : i32 to index
      %get3A_647 = arith.constant 208 : index
      %get3A_648 = tpu.vector_load %arg9[%get3A_645, %get3A_646, %get3A_647] {strides = array<i32>} : memref<2x64x256xf32, #tpu.memory_space<vmem>>, vector<1x1x16xf32>,
      %get3A_649 = vector.shape_cast %get3A_648 : vector<1x1x16xf32> to vector<16xf32>
      %sub3A_650 = arith.subf %get3A_643, %get3A_649 : vector<16xf32>
      %get3A_651 = arith.constant 1 : i32
      %get3A_652 = arith.index_cast %get3A_651 : i32 to index
      %get3A_653 = arith.index_cast %scan3A_261 : i32 to index
      %get3A_654 = arith.constant 208 : index
      %get3A_655 = tpu.vector_load %arg9[%get3A_652, %get3A_653, %get3A_654] {strides = array<i32>} : memref<2x64x256xf32, #tpu.memory_space<vmem>>, vector<1x1x16xf32>,
      %get3A_656 = vector.shape_cast %get3A_655 : vector<1x1x16xf32> to vector<16xf32>
      %add3A_657 = arith.addf %get3A_656, %sub3A_650 : vector<16xf32>
      %swap3A_658 = arith.constant 1 : i32
      %swap3A_659 = arith.index_cast %swap3A_658 : i32 to index
      %swap3A_660 = arith.index_cast %scan3A_261 : i32 to index
      %swap3A_661 = arith.constant 208 : index
      %swap3A_662 = tpu.vector_load %arg8[%swap3A_659, %swap3A_660, %swap3A_661] {strides = array<i32>} : memref<2x64x256xf32, #tpu.memory_space<vmem>>, vector<1x1x16xf32>,
      %swap3A_663 = vector.shape_cast %swap3A_662 : vector<1x1x16xf32> to vector<16xf32>
      %swap3A_664 = vector.shape_cast %add3A_657 : vector<16xf32> to vector<1x1x16xf32>
      tpu.vector_store %arg8[%swap3A_659, %swap3A_660, %swap3A_661], %swap3A_664 {strides = array<i32>} : memref<2x64x256xf32, #tpu.memory_space<vmem>>, vector<1x1x16xf32>,
      %mul3A_665 = arith.mulf %sub3A_650, %sub3A_650 : vector<16xf32>
      %add3A_666 = arith.addf %add3A_637, %mul3A_665 : vector<16xf32>
      %get3A_667 = arith.constant 1 : i32
      %get3A_668 = arith.index_cast %get3A_667 : i32 to index
      %get3A_669 = arith.index_cast %scan3A_261 : i32 to index
      %get3A_670 = arith.constant 224 : index
      %get3A_671 = tpu.vector_load %arg8[%get3A_668, %get3A_669, %get3A_670] {strides = array<i32>} : memref<2x64x256xf32, #tpu.memory_space<vmem>>, vector<1x1x16xf32>,
      %get3A_672 = vector.shape_cast %get3A_671 : vector<1x1x16xf32> to vector<16xf32>
      %get3A_673 = arith.constant 1 : i32
      %get3A_674 = arith.index_cast %get3A_673 : i32 to index
      %get3A_675 = arith.index_cast %scan3A_261 : i32 to index
      %get3A_676 = arith.constant 224 : index
      %get3A_677 = tpu.vector_load %arg9[%get3A_674, %get3A_675, %get3A_676] {strides = array<i32>} : memref<2x64x256xf32, #tpu.memory_space<vmem>>, vector<1x1x16xf32>,
      %get3A_678 = vector.shape_cast %get3A_677 : vector<1x1x16xf32> to vector<16xf32>
      %sub3A_679 = arith.subf %get3A_672, %get3A_678 : vector<16xf32>
      %get3A_680 = arith.constant 1 : i32
      %get3A_681 = arith.index_cast %get3A_680 : i32 to index
      %get3A_682 = arith.index_cast %scan3A_261 : i32 to index
      %get3A_683 = arith.constant 224 : index
      %get3A_684 = tpu.vector_load %arg9[%get3A_681, %get3A_682, %get3A_683] {strides = array<i32>} : memref<2x64x256xf32, #tpu.memory_space<vmem>>, vector<1x1x16xf32>,
      %get3A_685 = vector.shape_cast %get3A_684 : vector<1x1x16xf32> to vector<16xf32>
      %add3A_686 = arith.addf %get3A_685, %sub3A_679 : vector<16xf32>
      %swap3A_687 = arith.constant 1 : i32
      %swap3A_688 = arith.index_cast %swap3A_687 : i32 to index
      %swap3A_689 = arith.index_cast %scan3A_261 : i32 to index
      %swap3A_690 = arith.constant 224 : index
      %swap3A_691 = tpu.vector_load %arg8[%swap3A_688, %swap3A_689, %swap3A_690] {strides = array<i32>} : memref<2x64x256xf32, #tpu.memory_space<vmem>>, vector<1x1x16xf32>,
      %swap3A_692 = vector.shape_cast %swap3A_691 : vector<1x1x16xf32> to vector<16xf32>
      %swap3A_693 = vector.shape_cast %add3A_686 : vector<16xf32> to vector<1x1x16xf32>
      tpu.vector_store %arg8[%swap3A_688, %swap3A_689, %swap3A_690], %swap3A_693 {strides = array<i32>} : memref<2x64x256xf32, #tpu.memory_space<vmem>>, vector<1x1x16xf32>,
      %mul3A_694 = arith.mulf %sub3A_679, %sub3A_679 : vector<16xf32>
      %add3A_695 = arith.addf %add3A_666, %mul3A_694 : vector<16xf32>
      %get3A_696 = arith.constant 1 : i32
      %get3A_697 = arith.index_cast %get3A_696 : i32 to index
      %get3A_698 = arith.index_cast %scan3A_261 : i32 to index
      %get3A_699 = arith.constant 240 : index
      %get3A_700 = tpu.vector_load %arg8[%get3A_697, %get3A_698, %get3A_699] {strides = array<i32>} : memref<2x64x256xf32, #tpu.memory_space<vmem>>, vector<1x1x16xf32>,
      %get3A_701 = vector.shape_cast %get3A_700 : vector<1x1x16xf32> to vector<16xf32>
      %get3A_702 = arith.constant 1 : i32
      %get3A_703 = arith.index_cast %get3A_702 : i32 to index
      %get3A_704 = arith.index_cast %scan3A_261 : i32 to index
      %get3A_705 = arith.constant 240 : index
      %get3A_706 = tpu.vector_load %arg9[%get3A_703, %get3A_704, %get3A_705] {strides = array<i32>} : memref<2x64x256xf32, #tpu.memory_space<vmem>>, vector<1x1x16xf32>,
      %get3A_707 = vector.shape_cast %get3A_706 : vector<1x1x16xf32> to vector<16xf32>
      %sub3A_708 = arith.subf %get3A_701, %get3A_707 : vector<16xf32>
      %get3A_709 = arith.constant 1 : i32
      %get3A_710 = arith.index_cast %get3A_709 : i32 to index
      %get3A_711 = arith.index_cast %scan3A_261 : i32 to index
      %get3A_712 = arith.constant 240 : index
      %get3A_713 = tpu.vector_load %arg9[%get3A_710, %get3A_711, %get3A_712] {strides = array<i32>} : memref<2x64x256xf32, #tpu.memory_space<vmem>>, vector<1x1x16xf32>,
      %get3A_714 = vector.shape_cast %get3A_713 : vector<1x1x16xf32> to vector<16xf32>
      %add3A_715 = arith.addf %get3A_714, %sub3A_708 : vector<16xf32>
      %swap3A_716 = arith.constant 1 : i32
      %swap3A_717 = arith.index_cast %swap3A_716 : i32 to index
      %swap3A_718 = arith.index_cast %scan3A_261 : i32 to index
      %swap3A_719 = arith.constant 240 : index
      %swap3A_720 = tpu.vector_load %arg8[%swap3A_717, %swap3A_718, %swap3A_719] {strides = array<i32>} : memref<2x64x256xf32, #tpu.memory_space<vmem>>, vector<1x1x16xf32>,
      %swap3A_721 = vector.shape_cast %swap3A_720 : vector<1x1x16xf32> to vector<16xf32>
      %swap3A_722 = vector.shape_cast %add3A_715 : vector<16xf32> to vector<1x1x16xf32>
      tpu.vector_store %arg8[%swap3A_717, %swap3A_718, %swap3A_719], %swap3A_722 {strides = array<i32>} : memref<2x64x256xf32, #tpu.memory_space<vmem>>, vector<1x1x16xf32>,
      %mul3A_723 = arith.mulf %sub3A_708, %sub3A_708 : vector<16xf32>
      %add3A_724 = arith.addf %add3A_695, %mul3A_723 : vector<16xf32>
      scf.yield %add3A_724 : vector<16xf32>
    }
    %scan3A_252 = arith.constant 64 : i32
    %add3A_253 = arith.constant 192 : i32
    %add3A_254 = arith.addi %mul3A_2, %add3A_253 : i32
    %run_scoped3A_255 = arith.constant 1 : i32
    "tpu.region"() ({
      %run_scoped3A_261 = tpu.sem_alloc : memref<!tpu.dma_semaphore, #tpu.memory_space<semaphore_mem>>
      %dma_start3A_262 = arith.constant 0 : i32
      %dma_start3A_263 = arith.constant 0 : i32
      %dma_start3A_264 = tpu.memref_slice %arg8[%run_scoped3A_255, %dma_start3A_262, %dma_start3A_263] : memref<2x64x256xf32, #tpu.memory_space<vmem>> -> memref<1x64x256xf32, #tpu.memory_space<vmem>>
      %dma_start3A_265 = tpu.memref_squeeze %dma_start3A_264 : memref<1x64x256xf32, #tpu.memory_space<vmem>> -> memref<64x256xf32, #tpu.memory_space<vmem>>
      %dma_start3A_266 = arith.constant 0 : i32
      %dma_start3A_267 = tpu.memref_slice %arg5[%add3A_254, %dma_start3A_266] : memref<8192x256xf32, #tpu.memory_space<hbm>> -> memref<64x256xf32, #tpu.memory_space<hbm>>
      %dma_start3A_268 = arith.constant 0 : i32
      %dma_start3A_269 = tpu.memref_slice %arg5[%add3A_254, %dma_start3A_268] : memref<8192x256xf32, #tpu.memory_space<hbm>> -> memref<64x256xf32, #tpu.memory_space<hbm>>
      %dma_start3A_270 = arith.constant 0 : i32
      %dma_start3A_271 = arith.constant 0 : i32
      %dma_start3A_272 = tpu.memref_slice %arg8[%run_scoped3A_255, %dma_start3A_270, %dma_start3A_271] : memref<2x64x256xf32, #tpu.memory_space<vmem>> -> memref<1x64x256xf32, #tpu.memory_space<vmem>>
      %dma_start3A_273 = tpu.memref_squeeze %dma_start3A_272 : memref<1x64x256xf32, #tpu.memory_space<vmem>> -> memref<64x256xf32, #tpu.memory_space<vmem>>
      tpu.enqueue_dma source(%dma_start3A_273 : memref<64x256xf32, #tpu.memory_space<vmem>>) target(%dma_start3A_269 : memref<64x256xf32, #tpu.memory_space<hbm>>) target_semaphore(%run_scoped3A_261 : memref<!tpu.dma_semaphore, #tpu.memory_space<semaphore_mem>>)
      %dma_wait3A_274 = arith.constant 0 : i32
      %dma_wait3A_275 = arith.constant 0 : i32
      %dma_wait3A_276 = tpu.memref_slice %arg8[%run_scoped3A_255, %dma_wait3A_274, %dma_wait3A_275] : memref<2x64x256xf32, #tpu.memory_space<vmem>> -> memref<1x64x256xf32, #tpu.memory_space<vmem>>
      %dma_wait3A_277 = tpu.memref_squeeze %dma_wait3A_276 : memref<1x64x256xf32, #tpu.memory_space<vmem>> -> memref<64x256xf32, #tpu.memory_space<vmem>>
      %dma_wait3A_278 = arith.constant 0 : i32
      %dma_wait3A_279 = tpu.memref_slice %arg5[%add3A_254, %dma_wait3A_278] : memref<8192x256xf32, #tpu.memory_space<hbm>> -> memref<64x256xf32, #tpu.memory_space<hbm>>
      %dma_wait3A_280 = arith.constant 0 : i32
      %dma_wait3A_281 = tpu.memref_slice %arg5[%add3A_254, %dma_wait3A_280] : memref<8192x256xf32, #tpu.memory_space<hbm>> -> memref<64x256xf32, #tpu.memory_space<hbm>>
      %dma_wait3A_282 = arith.constant 0 : i32
      %dma_wait3A_283 = arith.constant 0 : i32
      %dma_wait3A_284 = tpu.memref_slice %arg8[%run_scoped3A_255, %dma_wait3A_282, %dma_wait3A_283] : memref<2x64x256xf32, #tpu.memory_space<vmem>> -> memref<1x64x256xf32, #tpu.memory_space<vmem>>
      %dma_wait3A_285 = tpu.memref_squeeze %dma_wait3A_284 : memref<1x64x256xf32, #tpu.memory_space<vmem>> -> memref<64x256xf32, #tpu.memory_space<vmem>>
      tpu.wait_dma2 semaphore(%run_scoped3A_261 : memref<!tpu.dma_semaphore, #tpu.memory_space<semaphore_mem>>) src(%dma_wait3A_285 : memref<64x256xf32, #tpu.memory_space<vmem>>) dst(%dma_wait3A_281 : memref<64x256xf32, #tpu.memory_space<hbm>>)
      tpu.yield
    }) : () -> ()
    %swap3A = arith.constant 0 : i32
    %swap3A_256 = arith.index_cast %swap3A : i32 to index
    %swap3A_257 = arith.constant 0 : index
    %swap3A_258 = tpu.vector_load %arg10[%swap3A_256, %swap3A_257] {strides = array<i32>} : memref<1x16xf32, #tpu.memory_space<vmem>>, vector<1x16xf32>,
    %swap3A_259 = vector.shape_cast %swap3A_258 : vector<1x16xf32> to vector<16xf32>
    %swap3A_260 = vector.shape_cast %scan3A_251 : vector<16xf32> to vector<1x16xf32>
    tpu.vector_store %arg10[%swap3A_256, %swap3A_257], %swap3A_260 {strides = array<i32>} : memref<1x16xf32, #tpu.memory_space<vmem>>, vector<1x16xf32>,
    "tpu.region"() ({
      %run_scoped3A_261 = tpu.sem_alloc : memref<!tpu.dma_semaphore, #tpu.memory_space<semaphore_mem>>
      %dma_start3A_262 = arith.constant 0 : i32
      %dma_start3A_263 = tpu.memref_slice %arg6[%add3A, %dma_start3A_262] : memref<32x16xf32, #tpu.memory_space<hbm>> -> memref<1x16xf32, #tpu.memory_space<hbm>>
      %dma_start3A_264 = arith.constant 0 : i32
      %dma_start3A_265 = tpu.memref_slice %arg6[%add3A, %dma_start3A_264] : memref<32x16xf32, #tpu.memory_space<hbm>> -> memref<1x16xf32, #tpu.memory_space<hbm>>
      tpu.enqueue_dma source(%arg10 : memref<1x16xf32, #tpu.memory_space<vmem>>) target(%dma_start3A_265 : memref<1x16xf32, #tpu.memory_space<hbm>>) target_semaphore(%run_scoped3A_261 : memref<!tpu.dma_semaphore, #tpu.memory_space<semaphore_mem>>)
      %dma_wait3A_266 = arith.constant 0 : i32
      %dma_wait3A_267 = tpu.memref_slice %arg6[%add3A, %dma_wait3A_266] : memref<32x16xf32, #tpu.memory_space<hbm>> -> memref<1x16xf32, #tpu.memory_space<hbm>>
      %dma_wait3A_268 = arith.constant 0 : i32
      %dma_wait3A_269 = tpu.memref_slice %arg6[%add3A, %dma_wait3A_268] : memref<32x16xf32, #tpu.memory_space<hbm>> -> memref<1x16xf32, #tpu.memory_space<hbm>>
      tpu.wait_dma2 semaphore(%run_scoped3A_261 : memref<!tpu.dma_semaphore, #tpu.memory_space<semaphore_mem>>) src(%arg10 : memref<1x16xf32, #tpu.memory_space<vmem>>) dst(%dma_wait3A_269 : memref<1x16xf32, #tpu.memory_space<hbm>>)
      tpu.yield
    }) : () -> ()
    return
  }
}

module attributes {stable_mosaic.version = 14 : i64} {
  func.func @_argmin_body(%arg0: i32, %arg1: memref<4096x256xf32, #tpu.memory_space<vmem>>, %arg2: memref<1024x256xf32, #tpu.memory_space<vmem>>, %arg3: memref<1x1x4096xi32, #tpu.memory_space<vmem>>) attributes {dimension_semantics = [#tpu.dimension_semantics<arbitrary>], iteration_bounds = array<i64: 2>, scalar_prefetch = 0 : i64, scratch_operands = 0 : i64, tpu.core_type = #tpu.core_type<tc>, window_params = [{transform_indices = @transform_0, window_bounds = array<i64: 4096, 256>}, {pipeline_mode = #tpu.pipeline_mode<synchronous>, transform_indices = @transform_1, window_bounds = array<i64: 1024, 256>}, {transform_indices = @transform_2, window_bounds = array<i64: 1, 1, 4096>}]} {
    %get3A = arith.constant 0 : index
    %get3A_0 = arith.constant 0 : index
    %get3A_1 = vector.load %arg1[%get3A, %get3A_0] : memref<4096x256xf32, #tpu.memory_space<vmem>>, vector<4096x256xf32>
    %get3A_2 = arith.constant 0 : index
    %get3A_3 = arith.constant 0 : index
    %get3A_4 = vector.load %arg2[%get3A_2, %get3A_3] : memref<1024x256xf32, #tpu.memory_space<vmem>>, vector<1024x256xf32>
    %dot_general3A = arith.constant dense<0.000000e+00> : vector<4096x1024xf32>
    %dot_general3A_5 = tpu.matmul %get3A_1, %get3A_4, %dot_general3A {dimension_numbers = #tpu.dot_dimension_numbers<[1], [1], [0], [0], [0, 0, 1, 0], [], []>, transpose_lhs_hint = false} : vector<4096x256xf32>, vector<1024x256xf32>, vector<4096x1024xf32> -> vector<4096x1024xf32>
    %mul3A = arith.mulf %get3A_1, %get3A_1 : vector<4096x256xf32>
    %reduce_sum3A = arith.constant dense<0.000000e+00> : vector<4096xf32>
    %reduce_sum3A_6 = vector.multi_reduction <add>, %mul3A, %reduce_sum3A [1] : vector<4096x256xf32> to vector<4096xf32>
    %broadcast_in_dim3A = vector.shape_cast %reduce_sum3A_6 : vector<4096xf32> to vector<4096x1xf32>
    %mul3A_7 = arith.mulf %get3A_4, %get3A_4 : vector<1024x256xf32>
    %reduce_sum3A_8 = arith.constant dense<0.000000e+00> : vector<1024xf32>
    %reduce_sum3A_9 = vector.multi_reduction <add>, %mul3A_7, %reduce_sum3A_8 [1] : vector<1024x256xf32> to vector<1024xf32>
    %broadcast_in_dim3A_10 = vector.shape_cast %reduce_sum3A_9 : vector<1024xf32> to vector<1x1024xf32>
    %mul3A_11 = arith.constant 2.000000e+00 : f32
    %mul3A_12 = vector.broadcast %mul3A_11 : f32 to vector<4096x1024xf32>
    %mul3A_13 = arith.mulf %mul3A_12, %dot_general3A_5 : vector<4096x1024xf32>
    %sub3A = vector.broadcast %broadcast_in_dim3A : vector<4096x1xf32> to vector<4096x1024xf32>
    %sub3A_14 = arith.subf %sub3A, %mul3A_13 : vector<4096x1024xf32>
    %add3A = vector.broadcast %broadcast_in_dim3A_10 : vector<1x1024xf32> to vector<4096x1024xf32>
    %add3A_15 = arith.addf %sub3A_14, %add3A : vector<4096x1024xf32>
    %reduce_min3A = arith.constant dense<0x7F800000> : vector<4096xf32>
    %reduce_min3A_16 = vector.multi_reduction <minimumf>, %add3A_15, %reduce_min3A [1] : vector<4096x1024xf32> to vector<4096xf32>
    %broadcast_in_dim3A_17 = vector.shape_cast %reduce_min3A_16 : vector<4096xf32> to vector<4096x1xf32>
    %iota3A = tpu.iota {dimensions = array<i32: 1>} : vector<4096x1024xi32>
    %eq3A = vector.broadcast %broadcast_in_dim3A_17 : vector<4096x1xf32> to vector<4096x1024xf32>
    %eq3A_18 = arith.cmpf oeq, %add3A_15, %eq3A : vector<4096x1024xf32>
    %jit3A = arith.constant 1024 : i32
    %broadcast_in_dim3A_19 = vector.broadcast %jit3A : i32 to vector<4096x1024xi32>
    %select_n3A = arith.select %eq3A_18, %iota3A, %broadcast_in_dim3A_19 : vector<4096x1024xi1>, vector<4096x1024xi32>
    %reduce_min3A_20 = arith.constant dense<2147483647> : vector<4096xi32>
    %reduce_min3A_21 = vector.multi_reduction <minsi>, %select_n3A, %reduce_min3A_20 [1] : vector<4096x1024xi32> to vector<4096xi32>
    %swap3A = arith.constant 0 : index
    %swap3A_22 = arith.constant 0 : index
    %swap3A_23 = arith.constant 0 : index
    %swap3A_24 = vector.load %arg3[%swap3A, %swap3A_22, %swap3A_23] : memref<1x1x4096xi32, #tpu.memory_space<vmem>>, vector<1x1x4096xi32>
    %swap3A_25 = vector.shape_cast %swap3A_24 : vector<1x1x4096xi32> to vector<4096xi32>
    %swap3A_26 = vector.shape_cast %reduce_min3A_21 : vector<4096xi32> to vector<1x1x4096xi32>
    tpu.vector_store %arg3[%swap3A, %swap3A_22, %swap3A_23], %swap3A_26 {strides = array<i32>} : memref<1x1x4096xi32, #tpu.memory_space<vmem>>, vector<1x1x4096xi32>,
    return
  }
  func.func @transform_0(%arg0: i32) -> (i32, i32) {
    %c0_i32 = arith.constant 0 : i32
    %c0_i32_0 = arith.constant 0 : i32
    return %arg0, %c0_i32 : i32, i32
  }
  func.func @transform_1(%arg0: i32) -> (i32, i32) {
    %c0_i32 = arith.constant 0 : i32
    %c0_i32_0 = arith.constant 0 : i32
    %c0_i32_1 = arith.constant 0 : i32
    return %c0_i32, %c0_i32_0 : i32, i32
  }
  func.func @transform_2(%arg0: i32) -> (i32, i32, i32) {
    %c0_i32 = arith.constant 0 : i32
    %c0_i32_0 = arith.constant 0 : i32
    %c0_i32_1 = arith.constant 0 : i32
    return %arg0, %c0_i32, %c0_i32_0 : i32, i32, i32
  }
}

</mosaic_0001>

<sc_bundles>
// kernel: kernel.4.cloned.1.call-start
scs
__scs_entry_jumppad:
0x0: {  	(pc) =	sbr.rel $0x88, $3  }
0x1: {  	(tag) =	ssettag $0x0;
	lr =	simm.s32 $0x1  }
0x2: {  	[smem:$0x3F9F] =	sst lr;
	_ =	strace $0xD0000000  }
0x3: {  	_ = 	snop  }
0x4: {  	_ = 	snop  }
0x5: {  	_ = 	snop  }
0x6: {  	_ = 	snop  }
0x7: {  	_ = 	snop  }
__scs_overlays_trampoline_lowered:
0x8: {  	[smem:$0x3FAE] =	sst s0  }
0x9: {  	[smem:$0x3FAF] =	sst s1  }
0xa: {  	[smem:$0x3FB0] =	sst s2  }
0xb: {  	[smem:$0x3FB1] =	sst s3  }
0xc: {  	[smem:$0x3FB2] =	sst s4  }
0xd: {  	[smem:$0x3FB3] =	sst s5  }
0xe: {  	[smem:$0x3FB4] =	sst s6  }
0xf: {  	[smem:$0x3FB5] =	sst s7  }
0x10: {  	[smem:$0x3FB6] =	sst s8  }
0x11: {  	[smem:$0x3FB7] =	sst s9;
	s0 =	simm.s32 @!p0 $0x0  }
0x12: {  	s1 =	sld [smem:$0x3F9D];
	s0 =	simm.s32 @p0 $0x1  }
0x13: {  	[smem:$0x3FB8] =	sst s0;
	s0 =	simm.s32 @!p1 $0x0  }
0x14: {  	s2 =	sld [smem:$0x3F9C];
	s0 =	simm.s32 @p1 $0x1  }
0x15: {  	[smem:$0x3FB9] =	sst s0;
	s0 =	simm.s32 @!p2 $0x0  }
0x16: {  	s3 =	sld [smem:$0x3FDB];
	s0 =	simm.s32 @p2 $0x1  }
0x17: {  	s4 =	simm.s32 $0x1BF5;
	[smem:$0x3FBB] =	sst s0  }
0x18: {  	s0 =	sld [smem:$0x3F9E];
	_ =	swait.ge [sflag:s4], $0x0  }
0x19: {  	s7 =	sld [smem:$0x3F9F]  }
0x1a: {  	s8 =	sadd.s32 $0xFFFFE003, lr  }
0x1b: {  	s9 =	sadd.s32 $0xFFFFFEF7, lr;
	s5 =	simm.s32 $0xFFFFFFFF;
	p2 =	slt.u32 s8, $0xFFFFF086  }
0x1c: {  	p1 =	slt.u32 s9, $0xF7A;
	s5 =	simm.s32 @!p2 $0x0  }
0x1d: {  	s5 =	simm.s32 @p1 $0x1;
	p0 =	seq.s32 s7, s2  }
0x1e: {  	s7 =	smul.u32 @!p0 $0xF7A, s2;
	p2 =	seq.s32 @!p0 s5, $0x0  }
0x1f: {  	s9 =	smul.u32 $0xF7A, s1;
	s8 =	simm.s32 @!p0 $0x1BF5;
	p2 =	por !p2, p0  }
0x20: {  	[sflag:s8] =	ssyncset.s32 @!p0 $0xFFFFF086;
	s6 =	sadd.s32 @!p0 s3, s7;
	s7 =	simm.s32 @!p0 $0x108  }
0x21: {  	s3 =	sadd.s32 s3, s9;
	s6 =	sadd.s32 @!p0 $0x88, s6;
	s7 =	simm.s32 @p2 $0x1082  }
0x22: {  	[simem:s7], [sflag:s8] =	dma.local @!p0 [hbm:s6], $0xF7A  }
0x23: {  	s9 =	sor.u32 $0xD0000000, s2;
	s6 =	simm.s32 $0x108;
	_ =	swait.ge @!p0 [sflag:s8], $0x0  }
0x24: {  	s3 =	sadd.s32 $0x88, s3;
	s6 =	simm.s32 @!p1 $0x1082;
	[sflag:s4] =	ssyncset.s32 $0xFFFFF086  }
0x25: {  	[simem:s6], [sflag:s4] =	dma.local [hbm:s3], $0xF7A  }
0x26: {  	[smem:$0x3F9F] =	sst s1;
	(tag) =	ssettag s2;
	_ =	strace s9  }
0x27: {  	s1 =	sld [smem:$0x3FAF]  }
0x28: {  	s2 =	sld [smem:$0x3FB0]  }
0x29: {  	s4 =	sld [smem:$0x3FB2]  }
0x2a: {  	p0 =	seq.s32 s5, $0x0;
	s5 =	sld [smem:$0x3FB3]  }
0x2b: {  	s6 =	sld [smem:$0x3FB4]  }
0x2c: {  	s7 =	sld [smem:$0x3FB5]  }
0x2d: {  	s3 =	simm.s32 $0x108;
	s8 =	sld [smem:$0x3FB6]  }
0x2e: {  	s3 =	simm.s32 @!p0 $0x1082;
	s9 =	sld [smem:$0x3FB7]  }
0x2f: {  	lr =	sadd.s32 s0, s3;
	s0 =	sld [smem:$0x3FAE]  }
0x30: {  	s3 =	sld [smem:$0x3FB1]  }
0x31: {  	[smem:$0x3FBA] =	sst s10  }
0x32: {  	s10 =	sld [smem:$0x3FB8];
	_ =	sdelay $0x3  }
0x33: {  	p0 =	seq.s32 s10, $0x1;
	s10 =	sld [smem:$0x3FBA];
	_ =	sdelay $0x3  }
0x34: {  	[smem:$0x3FBA] =	sst s10  }
0x35: {  	s10 =	sld [smem:$0x3FB9];
	_ =	sdelay $0x3  }
0x36: {  	p1 =	seq.s32 s10, $0x1;
	s10 =	sld [smem:$0x3FBA];
	_ =	sdelay $0x3  }
0x37: {  	[smem:$0x3FBA] =	sst s10  }
0x38: {  	s10 =	sld [smem:$0x3FBB]  }
0x39: {  	_ = 	snop;
	(pc) =	sbr.ind lr, $3  }
0x3a: {  	_ = 	snop  }
0x3b: {  	_ = 	snop  }
0x3c: {  	p2 =	seq.s32 s10, $0x1;
	s10 =	sld [smem:$0x3FBA]  }
0x3d: {  	_ =	shalt  }
0x3e: {  	_ =	shalt  }
0x3f: {  	_ =	shalt  }
0x40: {  	_ =	shalt  }
0x41: {  	_ =	shalt  }
0x42: {  	_ =	shalt  }
0x43: {  	_ =	shalt  }
0x44: {  	_ =	shalt  }
0x45: {  	_ =	shalt  }
0x46: {  	_ =	shalt  }
0x47: {  	_ =	shalt  }
0x48: {  	_ =	shalt  }
0x49: {  	_ =	shalt  }
0x4a: {  	_ =	shalt  }
0x4b: {  	_ =	shalt  }
0x4c: {  	_ =	shalt  }
0x4d: {  	_ =	shalt  }
0x4e: {  	_ =	shalt  }
0x4f: {  	_ =	shalt  }
0x50: {  	_ =	shalt  }
0x51: {  	_ =	shalt  }
0x52: {  	_ =	shalt  }
0x53: {  	_ =	shalt  }
0x54: {  	_ =	shalt  }
0x55: {  	_ =	shalt  }
0x56: {  	_ =	shalt  }
0x57: {  	_ =	shalt  }
0x58: {  	_ =	shalt  }
0x59: {  	_ =	shalt  }
0x5a: {  	_ =	shalt  }
0x5b: {  	_ =	shalt  }
0x5c: {  	_ =	shalt  }
0x5d: {  	_ =	shalt  }
0x5e: {  	_ =	shalt  }
0x5f: {  	_ =	shalt  }
0x60: {  	_ =	shalt  }
0x61: {  	_ =	shalt  }
0x62: {  	_ =	shalt  }
0x63: {  	_ =	shalt  }
0x64: {  	_ =	shalt  }
0x65: {  	_ =	shalt  }
0x66: {  	_ =	shalt  }
0x67: {  	_ =	shalt  }
0x68: {  	_ =	shalt  }
0x69: {  	_ =	shalt  }
0x6a: {  	_ =	shalt  }
0x6b: {  	_ =	shalt  }
0x6c: {  	_ =	shalt  }
0x6d: {  	_ =	shalt  }
0x6e: {  	_ =	shalt  }
0x6f: {  	_ =	shalt  }
0x70: {  	_ =	shalt  }
0x71: {  	_ =	shalt  }
0x72: {  	_ =	shalt  }
0x73: {  	_ =	shalt  }
0x74: {  	_ =	shalt  }
0x75: {  	_ =	shalt  }
0x76: {  	_ =	shalt  }
0x77: {  	_ =	shalt  }
0x78: {  	_ =	shalt  }
0x79: {  	_ =	shalt  }
0x7a: {  	_ =	shalt  }
0x7b: {  	_ =	shalt  }
0x7c: {  	_ =	shalt  }
0x7d: {  	_ =	shalt  }
0x7e: {  	_ =	shalt  }
0x7f: {  	_ =	shalt  }
0x80: {  	_ =	shalt  }
0x81: {  	_ =	shalt  }
0x82: {  	_ =	shalt  }
0x83: {  	_ =	shalt  }
0x84: {  	_ =	shalt  }
0x85: {  	_ =	shalt  }
0x86: {  	_ =	shalt  }
0x87: {  	_ =	shalt  }
.Lfunc_end0:
.L_simem_size_0:
called_computation_lowered:
.L_overlay_start_0:
0x88: {  	s2 =	sld [smem:$0x3FD9]  }
0x89: {  	s3 =	sld [smem:$0x3FFE];
	_ =	sdelay $0x1  }
0x8a: {  	s1 =	srdreg.scid  }
0x8b: {  	s0 =	sand.u32 $0x1, s1  }
0x8c: {  	s14 =	sshll.u32 s0, $0xA;
	s2 =	sadd.s32 s3, s2  }
0x8d: {  	s2 =	sadd.s32 s2, s14  }
0x8e: {  	[smem:$0x3FC6] =	sst s2  }
0x8f: {  	_ = 	snop  }
0x90: {  	s2 =	sld [smem:$0x3FD0];
	_ =	sdelay $0x2  }
0x91: {  	s4 =	simm.s32 $0xA;
	s5 =	simm.s32 $0x10;
	s15 =	sld [smem:$0x3FC8]  }
0x92: {  	[smem:s5], [sflag:s4] =	dma.local [hbm:s2], $0x1  }
0x93: {  	_ =	swait.eq [sflag:s4], $0x1  }
0x94: {  	[sflag:s4] =	ssyncset.done $0x0  }
0x95: {  	[sflag:s4] =	ssyncadd.s32 $0xFFFFFFFF  }
0x96: {  	s16 =	sld [smem:$0x10];
	(tm) =	ssettm $0x1  }
0x97: {  	s17 =	sld [smem:$0x3FFB];
	_ =	sdelay $0x3  }
0x98: {  	_ =	strace s17  }
0x99: {  	s4 =	sld [smem:$0x3FFC];
	_ =	sdelay $0x3  }
0x9a: {  	_ =	strace s4  }
0x9b: {  	s4 =	sld [smem:$0x3FFD];
	_ =	sdelay $0x3  }
0x9c: {  	_ =	strace s4  }
0x9d: {  	_ =	strace $0x8FFFFFFF  }
0x9e: {  	s18 =	sld [smem:$0x3FDB];
	_ =	sdelay $0x1  }
0x9f: {  	s19 =	simm.s32 $_scs_section_size  }
0xa0: {  	s6 =	simm.s32 $_size__tile_overlayer_lowered;
	s7 =	simm.s32 $_tile_overlayer_lowered  }
0xa1: {  	s22 =	simm.s32 $0x1BFF;
	s21 =	sshll.u32 s7, $0x1;
	s4 =	sadd.s32 s19, s18  }
0xa2: {  	s8 =	simm.s32 $0x0;
	s20 =	sshll.u32 s6, $0x1;
	s6 =	sadd.s32 s21, s4  }
0xa3: {  	[timem:s8], [sflag:s22] =	dma.local [hbm:s6], s20  }
0xa4: {  	_ =	swait.ge [sflag:s22], s20  }
0xa5: {  	s5 =	ssub.s32 $0x0, s20;
	[sflag:s22] =	ssyncset.done $0x0  }
0xa6: {  	[sflag:s22] =	ssyncadd.s32 s5;
	_ =	sdelay $0x1  }
0xa7: {  	s23 =	simm.s32 $0x1B8B  }
0xa8: {  	_ =	swait.ge [sflag:s23], $0x1  }
0xa9: {  	[sflag:s23] =	ssyncset.done $0x0  }
0xaa: {  	s25 =	simm.s32 $0x1B8E;
	s24 =	sld [smem:$0x3FFE];
	[sflag:s23] =	ssyncadd.s32 $0xFFFFFFFF  }
0xab: {  	s26 =	simm.s32 $execute0_lowered;
	[smem:$0x3FD2] =	sst s25  }
0xac: {  	s6 =	sshll.u32 s26, $0x1;
	_ =	strace $0x80000046;
	[dreg:$0x1] =	wrdreg $0xFFFFFFFF  }
0xad: {  	s28 =	simm.s32 $_size_execute0_lowered;
	s4 =	sadd.s32 s4, s6;
	[dreg:$0x0] =	wrdreg $0x0  }
0xae: {  	s6 =	sshll.u32 s28, $0x1;
	[dreg:$0x2] =	wrdreg s4  }
0xaf: {  	[dreg:$0x3] =	wrdreg s6  }
0xb0: {  	[dreg:$0x4] =	wrdreg $0xC0  }
0xb1: {  	_ =	task [dreg:s8], $0x5FFFF  }
0xb2: {  	[dreg:$0x1] =	wrdreg $0xFFFFFFFF  }
0xb3: {  	[dreg:$0x0] =	wrdreg $0x60  }
0xb4: {  	[dreg:$0x2] =	wrdreg s15  }
0xb5: {  	[dreg:$0x3] =	wrdreg s24  }
0xb6: {  	[dreg:$0x4] =	wrdreg s16  }
0xb7: {  	[dreg:$0x5] =	wrdreg $0x9  }
0xb8: {  	_ =	task.clear_ibuf [dreg:s8], $0x6FFFF;
	_ =	strace $0x90000046  }
0xb9: {  	s29 =	simm.s32 $0x9;
	_ =	strace $0x80000048  }
0xba: {  	_ =	swait.ge [sflag:s29], $0x1  }
0xbb: {  	[sflag:s29] =	ssyncadd.s32 $0xFFFFFFFF  }
0xbc: {  	_ =	strace $0x90000048  }
0xbd: {  	_ =	sfence  }
0xbe: {  	s30 =	sld [smem:$0x0];
	_ =	sdelay $0x2  }
0xbf: {  	s31 =	sshll.u32 s1, $0xD;
	s1 =	sshrl.u32 s1, $0x2  }
0xc0: {  	s3 =	sand.u32 $0x4000, s31;
	s1 =	sadd.s32 s1, s30  }
0xc1: {  	s0 =	sor.u32 s3, s0;
	s1 =	sshll.u32 s1, $0x11  }
0xc2: {  	s0 =	sor.u32 s1, s0  }
0xc3: {  	s0 =	sadd.s32 $0x8F2B, s0  }
0xc4: {  	[sflag:s0] =	ssyncadd.remote.s32 $0x1  }
0xc5: {  	_ =	sfence.sel $0xFFFF  }
0xc6: {  	[dreg:$0x0] =	wrdreg $0xFFFFFFFF;
	(pc) =	sbr.abs _section_cstart, $3  }
0xc7: {  	[dreg:$0x1] =	wrdreg $0xFFFFFFFF  }
0xc8: {  	_ =	task.clear_ibuf [dreg:s8], $0x2FFFF;
	_ =	strace $0x9FFFFFFF  }
0xc9: {  	(tm) =	ssettm $0x7FFFFFFF  }
tec
execute0_lowered:
.L_overlay_start_1:
0x0: {  	(tag) =	ssettag $0x1  }
0x1: {  	s1 =	rddreg [dreg:$0x0]  }
0x2: {  	s0 =	rddreg [dreg:$0x1]  }
0x3: {  	s2 =	rddreg [dreg:$0x2];
	s3 =	simm.s32 $0x0;
	s4 =	srdreg.scid  }
0x4: {  	s5 =	stileid.u32;
	s18 =	simm.s32 $0x3;
	s29 =	simm.s32 $0x1  }
0x5: {  	s30 =	simm.s32 $0x2;
	s31 =	simm.s32 $0x80;
	[smem:$0x7FF] =	sst s3  }
0x6: {  	s4 =	sand.u32 $0x1, s4;
	s5 =	sshll.u32 s5, $0x1;
	s6 =	sadd.s32 $0xE00, s0  }
0x7: {  	s8 =	sadd.s32 $0x1200, s0;
	s5 =	sor.u32 s4, s5;
	s4 =	ssub.s32 $0x2, s4  }
0x8: {  	_ =	strace $0x80000047;
	s7 =	sshll.u32 s5, $0x4;
	s19 =	sshrl.u32 s4, $0x1  }
0x9: {  	s20 =	sshll.u32 s5, $0x8;
	s9 =	sshll.u32 s5, $0x5;
	s5 =	sshll.u32 s5, $0xD  }
0xa: {  	s0 =	sadd.s32 s7, s0;
	s4 =	ssub.s32 s4, s19;
	s9 =	sadd.s32 s6, s9  }
0xb: {  	s21 =	sor.u32 $0x40, s20;
	s10 =	sadd.s32 s2, s5;
	s25 =	sor.u32 $0x80, s20  }
0xc: {  	s5 =	sadd.s32 s8, s5;
	s28 =	sor.u32 $0xC0, s20;
	[dreg:$0x4] =	wrdreg s9  }
0xd: {  	s19 =	simm.s32 $0x100;
	s20 =	simm.s32 $0x6100;
	[dreg:$0x5] =	wrdreg s10  }
0xe: {  	s22 =	sshrl.u32 s21, $0x3;
	s11 =	sshll.u32 s21, $0x5;
	[dreg:$0x8] =	wrdreg s5  }
0xf: {  	s26 =	sshrl.u32 s25, $0x3;
	s14 =	sshll.u32 s25, $0x5;
	s7 =	sshrl.u32 s28, $0x3  }
0x10: {  	s16 =	sadd.s32 $0x41200, s0;
	s17 =	smax.u32 s4, $0x1;
	s0 =	simm.s32 $0x4100  }
0x11: {  	s4 =	simm.s32 $0x5100;
	s21 =	simm.s32 $0x6900;
	s23 =	sadd.s32 s6, s22  }
0x12: {  	s24 =	sadd.s32 s2, s11;
	s5 =	sadd.s32 s6, s26;
	s10 =	sadd.s32 s2, s14  }
0x13: {  	s11 =	sadd.s32 s8, s11;
	s12 =	sadd.s32 s6, s7;
	s14 =	sadd.s32 s8, s14  }
0x14: {  	s6 =	simm.s32 $0x7100;
	s22 =	simm.s32 $0x7900;
	[dreg:$0x6] =	wrdreg s23  }
0x15: {  	v2 =	vlaneseq.u32;
	s7 =	simm.s32 $0xC100;
	[dreg:$0x9] =	wrdreg s5;
	s5 =	sshll.u32 s28, $0x5  }
0x16: {  	vm0 =	vmmov $0xffff;
	v1 =	vshrl.u32 v2, $0x3;
	[dreg:$0x7] =	wrdreg s24;
	s23 =	simm.s32 $0x0;
	s13 =	sadd.s32 s2, s5  }
0x17: {  	v0 =	vand.u32 $0x7, v2;
	v2 =	vor.u32 $0x8, v2;
	v1 =	vmul.u32 $0x8, v1;
	s15 =	sadd.s32 s8, s5;
	s2 =	simm.s32 $0x4900;
	s5 =	simm.s32 $0x5900  }
.LBB2_1:
0x18: {  	s8 =	rddreg [dreg:$0x4]  }
0x19: {  	[tilespmem:s3], [sflag:$0x3] =	stream.linear.gather [hbm4b:s8+s3], $0x40, $0x38;
	[tilespmem:$0x10180] =	vst v63  }
0x1a: {  	_ =	swait.ge [sflag:s18], $0x40  }
0x1b: {  	[sflag:s18] =	ssyncset.done $0x0  }
0x1c: {  	[sflag:s18] =	ssyncadd.s32 $0xFFFFFFC0  }
0x1d: {  	v3 =	vld [tilespmem:$0x0];
	_ =	sdelay $0x4  }
0x1e: {  	v4 =	vshll.u32 v3, $0x1  }
0x1f: {  	v3 =	vand.u32 $0x7, v3;
	v4 =	vand.u32 $0xFFFFFFF0, v4  }
0x20: {  	v3 =	vor.u32 v3, v4  }
0x21: {  	v4 =	vperm.xlane v3, v0;
	_ =	sdelay $0x1  }
0x22: {  	v3 =	vperm.xlane v3, v2;
	v4 =	vadd.s32 v1, v4;
	_ =	sdelay $0x1  }
0x23: {  	v3 =	vadd.s32 v1, v3;
	_ =	sdelay $0x2  }
0x24: {  	[tilespmem:s19], [sflag:$0x1] =	stream.indirect_vreg.gather [hbm4b:s1+s3], $0x80, v4, vm0, $0xb8;
	[tilespmem:$0x10180] =	vst v63  }
0x25: {  	s28 =	simm.s32 $0x900  }
0x26: {  	[tilespmem:s28], [sflag:$0x1] =	stream.indirect_vreg.gather [hbm4b:s1+s3], $0x80, v3, vm0, $0xb8;
	[tilespmem:$0x10180] =	vst v63  }
0x27: {  	v3 =	vld [tilespmem:$0x10];
	_ =	sdelay $0x4  }
0x28: {  	v4 =	vshll.u32 v3, $0x1  }
0x29: {  	v3 =	vand.u32 $0x7, v3;
	v4 =	vand.u32 $0xFFFFFFF0, v4  }
0x2a: {  	v3 =	vor.u32 v3, v4  }
0x2b: {  	v4 =	vperm.xlane v3, v0;
	_ =	sdelay $0x1  }
0x2c: {  	v3 =	vperm.xlane v3, v2;
	v4 =	vadd.s32 v1, v4;
	_ =	sdelay $0x1  }
0x2d: {  	v3 =	vadd.s32 v1, v3;
	_ =	sdelay $0x1  }
0x2e: {  	s9 =	simm.s32 $0x1100  }
0x2f: {  	[tilespmem:s9], [sflag:$0x1] =	stream.indirect_vreg.gather [hbm4b:s1+s3], $0x80, v4, vm0, $0xb8;
	[tilespmem:$0x10180] =	vst v63  }
0x30: {  	s24 =	simm.s32 $0x1900  }
0x31: {  	[tilespmem:s24], [sflag:$0x1] =	stream.indirect_vreg.gather [hbm4b:s1+s3], $0x80, v3, vm0, $0xb8;
	[tilespmem:$0x10180] =	vst v63  }
0x32: {  	v3 =	vld [tilespmem:$0x20];
	_ =	sdelay $0x4  }
0x33: {  	v4 =	vshll.u32 v3, $0x1  }
0x34: {  	v3 =	vand.u32 $0x7, v3;
	v4 =	vand.u32 $0xFFFFFFF0, v4  }
0x35: {  	v3 =	vor.u32 v3, v4  }
0x36: {  	v4 =	vperm.xlane v3, v0;
	_ =	sdelay $0x1  }
0x37: {  	v3 =	vperm.xlane v3, v2;
	v4 =	vadd.s32 v1, v4;
	_ =	sdelay $0x1  }
0x38: {  	v3 =	vadd.s32 v1, v3;
	_ =	sdelay $0x1  }
0x39: {  	s25 =	simm.s32 $0x2100  }
0x3a: {  	[tilespmem:s25], [sflag:$0x1] =	stream.indirect_vreg.gather [hbm4b:s1+s3], $0x80, v4, vm0, $0xb8;
	[tilespmem:$0x10180] =	vst v63  }
0x3b: {  	s26 =	simm.s32 $0x2900  }
0x3c: {  	[tilespmem:s26], [sflag:$0x1] =	stream.indirect_vreg.gather [hbm4b:s1+s3], $0x80, v3, vm0, $0xb8;
	[tilespmem:$0x10180] =	vst v63  }
0x3d: {  	v3 =	vld [tilespmem:$0x30];
	_ =	sdelay $0x4  }
0x3e: {  	v4 =	vshll.u32 v3, $0x1  }
0x3f: {  	v3 =	vand.u32 $0x7, v3;
	v4 =	vand.u32 $0xFFFFFFF0, v4  }
0x40: {  	v3 =	vor.u32 v3, v4  }
0x41: {  	v4 =	vperm.xlane v3, v0;
	_ =	sdelay $0x1  }
0x42: {  	v3 =	vperm.xlane v3, v2;
	v4 =	vadd.s32 v1, v4;
	_ =	sdelay $0x1  }
0x43: {  	v3 =	vadd.s32 v1, v3;
	_ =	sdelay $0x1  }
0x44: {  	s28 =	simm.s32 $0x3100  }
0x45: {  	[tilespmem:s28], [sflag:$0x1] =	stream.indirect_vreg.gather [hbm4b:s1+s3], $0x80, v4, vm0, $0xb8;
	[tilespmem:$0x10180] =	vst v63  }
0x46: {  	s9 =	simm.s32 $0x3900  }
0x47: {  	[tilespmem:s9], [sflag:$0x1] =	stream.indirect_vreg.gather [hbm4b:s1+s3], $0x80, v3, vm0, $0xb8;
	[tilespmem:$0x10180] =	vst v63  }
0x48: {  	s24 =	rddreg [dreg:$0x5];
	s9 =	simm.s32 $0x8100  }
0x49: {  	[tilespmem:s9], [sflag:$0x2] =	stream.linear.gather [hbm4b:s24+s3], $0x4000, $0x38;
	[tilespmem:$0x10180] =	vst v63  }
0x4a: {  	_ =	swait.ge [sflag:s29], $0x4000  }
0x4b: {  	[sflag:s29] =	ssyncset.done $0x0  }
0x4c: {  	[sflag:s29] =	ssyncadd.s32 $0xFFFFC000  }
0x4d: {  	_ =	swait.ge [sflag:s30], $0x4000  }
0x4e: {  	[sflag:s30] =	ssyncset.done $0x0  }
0x4f: {  	s25 =	rddreg [dreg:$0x6];
	[sflag:s30] =	ssyncadd.s32 $0xFFFFC000  }
0x50: {  	[tilespmem:s31], [sflag:$0x3] =	stream.linear.gather [hbm4b:s25+s3], $0x40, $0x38;
	[tilespmem:$0x10180] =	vst v63  }
0x51: {  	_ =	swait.ge [sflag:s18], $0x40  }
0x52: {  	[sflag:s18] =	ssyncset.done $0x0  }
0x53: {  	[sflag:s18] =	ssyncadd.s32 $0xFFFFFFC0  }
0x54: {  	v3 =	vld [tilespmem:$0x80];
	_ =	sdelay $0x4  }
0x55: {  	v4 =	vshll.u32 v3, $0x1  }
0x56: {  	v3 =	vand.u32 $0x7, v3;
	v4 =	vand.u32 $0xFFFFFFF0, v4  }
0x57: {  	v3 =	vor.u32 v3, v4  }
0x58: {  	v4 =	vperm.xlane v3, v0;
	_ =	sdelay $0x1  }
0x59: {  	v3 =	vperm.xlane v3, v2;
	v4 =	vadd.s32 v1, v4;
	_ =	sdelay $0x1  }
0x5a: {  	v3 =	vadd.s32 v1, v3;
	_ =	sdelay $0x2  }
0x5b: {  	[tilespmem:s0], [sflag:$0x1] =	stream.indirect_vreg.gather [hbm4b:s1+s3], $0x80, v4, vm0, $0xb8;
	[tilespmem:$0x10180] =	vst v63  }
0x5c: {  	_ = 	snop  }
0x5d: {  	[tilespmem:s2], [sflag:$0x1] =	stream.indirect_vreg.gather [hbm4b:s1+s3], $0x80, v3, vm0, $0xb8;
	[tilespmem:$0x10180] =	vst v63  }
0x5e: {  	v3 =	vld [tilespmem:$0x90];
	_ =	sdelay $0x4  }
0x5f: {  	v4 =	vshll.u32 v3, $0x1  }
0x60: {  	v3 =	vand.u32 $0x7, v3;
	v4 =	vand.u32 $0xFFFFFFF0, v4  }
0x61: {  	v3 =	vor.u32 v3, v4  }
0x62: {  	v4 =	vperm.xlane v3, v0;
	_ =	sdelay $0x1  }
0x63: {  	v3 =	vperm.xlane v3, v2;
	v4 =	vadd.s32 v1, v4;
	_ =	sdelay $0x1  }
0x64: {  	v3 =	vadd.s32 v1, v3;
	_ =	sdelay $0x2  }
0x65: {  	[tilespmem:s4], [sflag:$0x1] =	stream.indirect_vreg.gather [hbm4b:s1+s3], $0x80, v4, vm0, $0xb8;
	[tilespmem:$0x10180] =	vst v63  }
0x66: {  	_ = 	snop  }
0x67: {  	[tilespmem:s5], [sflag:$0x1] =	stream.indirect_vreg.gather [hbm4b:s1+s3], $0x80, v3, vm0, $0xb8;
	[tilespmem:$0x10180] =	vst v63  }
0x68: {  	v3 =	vld [tilespmem:$0xA0];
	_ =	sdelay $0x4  }
0x69: {  	v4 =	vshll.u32 v3, $0x1  }
0x6a: {  	v3 =	vand.u32 $0x7, v3;
	v4 =	vand.u32 $0xFFFFFFF0, v4  }
0x6b: {  	v3 =	vor.u32 v3, v4  }
0x6c: {  	v4 =	vperm.xlane v3, v0;
	_ =	sdelay $0x1  }
0x6d: {  	v3 =	vperm.xlane v3, v2;
	v4 =	vadd.s32 v1, v4;
	_ =	sdelay $0x1  }
0x6e: {  	v3 =	vadd.s32 v1, v3;
	_ =	sdelay $0x2  }
0x6f: {  	[tilespmem:s20], [sflag:$0x1] =	stream.indirect_vreg.gather [hbm4b:s1+s3], $0x80, v4, vm0, $0xb8;
	[tilespmem:$0x10180] =	vst v63  }
0x70: {  	_ = 	snop  }
0x71: {  	[tilespmem:s21], [sflag:$0x1] =	stream.indirect_vreg.gather [hbm4b:s1+s3], $0x80, v3, vm0, $0xb8;
	[tilespmem:$0x10180] =	vst v63  }
0x72: {  	v3 =	vld [tilespmem:$0xB0];
	_ =	sdelay $0x4  }
0x73: {  	v4 =	vshll.u32 v3, $0x1  }
0x74: {  	v3 =	vand.u32 $0x7, v3;
	v4 =	vand.u32 $0xFFFFFFF0, v4  }
0x75: {  	v3 =	vor.u32 v3, v4  }
0x76: {  	v4 =	vperm.xlane v3, v0;
	_ =	sdelay $0x1  }
0x77: {  	v3 =	vperm.xlane v3, v2;
	v4 =	vadd.s32 v1, v4;
	_ =	sdelay $0x1  }
0x78: {  	v3 =	vadd.s32 v1, v3;
	_ =	sdelay $0x2  }
0x79: {  	[tilespmem:s6], [sflag:$0x1] =	stream.indirect_vreg.gather [hbm4b:s1+s3], $0x80, v4, vm0, $0xb8;
	[tilespmem:$0x10180] =	vst v63  }
0x7a: {  	s28 =	sand.u32 $0x3800, s3;
	s24 =	sand.u32 $0x380, s3  }
0x7b: {  	[tilespmem:s22], [sflag:$0x1] =	stream.indirect_vreg.gather [hbm4b:s1+s3], $0x80, v3, vm0, $0xb8;
	[tilespmem:$0x10180] =	vst v63  }
0x7c: {  	s24 =	sor.u32 s24, s28;
	s26 =	rddreg [dreg:$0x7]  }
0x7d: {  	[tilespmem:s7], [sflag:$0x2] =	stream.linear.gather [hbm4b:s26+s3], $0x4000, $0x38;
	[tilespmem:$0x10180] =	vst v63  }
0x7e: {  	v3 =	vld [tilespmem:s24+$0x100]  }
0x7f: {  	v4 =	vld [tilespmem:s24+$0x8100]  }
0x80: {  	v5 =	vld [tilespmem:s24+$0x110]  }
0x81: {  	v6 =	vld [tilespmem:s24+$0x8110]  }
0x82: {  	v7 =	vld [tilespmem:s24+$0x120]  }
0x83: {  	v8 =	vld [tilespmem:s24+$0x8120]  }
0x84: {  	v9 =	vld [tilespmem:s24+$0x130];
	v3 =	vsub.f32 v3, v4  }
0x85: {  	v10 =	vld [tilespmem:s24+$0x8130]  }
0x86: {  	v11 =	vld [tilespmem:s24+$0x140];
	v5 =	vsub.f32 v5, v6;
	v4 =	vadd.f32 v3, v4  }
0x87: {  	v12 =	vld [tilespmem:s24+$0x8140];
	v3 =	vmul.f32 v3, v3  }
0x88: {  	v13 =	vimm.f32 $0.0e+00;
	[tilespmem:s24+$0x100] =	vst v4;
	v4 =	vadd.f32 v5, v6;
	v6 =	vsub.f32 v7, v8;
	v7 =	vld [tilespmem:s24+$0x150]  }
0x89: {  	v5 =	vmul.f32 v5, v5;
	v3 =	vadd.f32 v3, v13;
	v13 =	vld [tilespmem:s24+$0x8150]  }
0x8a: {  	[tilespmem:s24+$0x110] =	vst v4;
	v4 =	vadd.f32 v6, v8;
	v8 =	vsub.f32 v9, v10;
	v9 =	vld [tilespmem:s24+$0x160]  }
0x8b: {  	v6 =	vmul.f32 v6, v6;
	v3 =	vadd.f32 v5, v3;
	v5 =	vld [tilespmem:s24+$0x8160]  }
0x8c: {  	[tilespmem:s24+$0x120] =	vst v4;
	v4 =	vadd.f32 v8, v10;
	v10 =	vsub.f32 v11, v12;
	v11 =	vld [tilespmem:s24+$0x170]  }
0x8d: {  	v8 =	vmul.f32 v8, v8;
	v3 =	vadd.f32 v6, v3;
	v6 =	vld [tilespmem:s24+$0x8170]  }
0x8e: {  	[tilespmem:s24+$0x130] =	vst v4;
	v4 =	vadd.f32 v10, v12;
	v12 =	vld [tilespmem:s24+$0x500]  }
0x8f: {  	v7 =	vsub.f32 v7, v13;
	v10 =	vmul.f32 v10, v10;
	v3 =	vadd.f32 v8, v3;
	v8 =	vld [tilespmem:s24+$0x8500]  }
0x90: {  	v14 =	vld [tilespmem:s24+$0x8510];
	[tilespmem:s24+$0x140] =	vst v4;
	v4 =	vsub.f32 v9, v5  }
0x91: {  	v13 =	vadd.f32 v7, v13;
	v7 =	vmul.f32 v7, v7;
	v9 =	vld [tilespmem:s24+$0x510];
	v3 =	vadd.f32 v10, v3  }
0x92: {  	v10 =	vsub.f32 v11, v6;
	v11 =	vld [tilespmem:s24+$0x520];
	v5 =	vadd.f32 v4, v5  }
0x93: {  	v4 =	vmul.f32 v4, v4;
	v3 =	vadd.f32 v7, v3;
	v7 =	vld [tilespmem:s24+$0x8520]  }
0x94: {  	[tilespmem:s24+$0x160] =	vst v5;
	v5 =	vadd.f32 v10, v6;
	v6 =	vsub.f32 v12, v8;
	v12 =	vld [tilespmem:s24+$0x530]  }
0x95: {  	[tilespmem:s24+$0x150] =	vst v13;
	v13 =	vmul.f32 v10, v10;
	v3 =	vadd.f32 v4, v3;
	v4 =	vld [tilespmem:s24+$0x8530]  }
0x96: {  	v10 =	vld [tilespmem:s24+$0x540];
	v9 =	vsub.f32 v9, v14;
	[tilespmem:s24+$0x170] =	vst v5;
	v5 =	vadd.f32 v6, v8  }
0x97: {  	v6 =	vmul.f32 v6, v6;
	v3 =	vadd.f32 v13, v3;
	v8 =	vld [tilespmem:s24+$0x8540]  }
0x98: {  	v13 =	vld [tilespmem:s24+$0x560];
	[tilespmem:s24+$0x500] =	vst v5;
	v5 =	vadd.f32 v9, v14  }
0x99: {  	v15 =	vmul.f32 v9, v9;
	v14 =	vsub.f32 v11, v7;
	v11 =	vld [tilespmem:s24+$0x550];
	v16 =	vadd.f32 v6, v3  }
0x9a: {  	v9 =	vld [tilespmem:s24+$0x8550];
	v3 =	vsub.f32 v12, v4  }
0x9b: {  	s8 =	simm.s32 $0x80;
	s25 =	simm.s32 $0x100;
	v12 =	vld [tilespmem:s24+$0x8560];
	[tilespmem:s24+$0x510] =	vst v5;
	v5 =	vadd.f32 v14, v7;
	v6 =	vmul.f32 v14, v14;
	v7 =	vadd.f32 v15, v16  }
.LBB2_2:
0x9c: {  	s28 =	smov.u32 s25  }
0x9d: {  	s26 =	sand.u32 $0x3800, s25;
	s9 =	sand.u32 $0x380, s8;
	v14 =	vmul.f32 v3, v3;
	v10 =	vsub.f32 v10, v8;
	v15 =	vld [tilespmem:s24+$0x570];
	s28 =	sadd.s32 $0x100, s25  }
0x9e: {  	p0 =	sne.s32 s25, $0x3F00;
	s26 =	sor.u32 s9, s26;
	v6 =	vadd.f32 v6, v7;
	v7 =	vld [tilespmem:s24+$0x8570]  }
0x9f: {  	v8 =	vadd.f32 v10, v8;
	v10 =	vmul.f32 v10, v10;
	v11 =	vsub.f32 v11, v9;
	v16 =	vld [tilespmem:s26+$0x100]  }
0xa0: {  	v6 =	vadd.f32 v14, v6;
	v17 =	vld [tilespmem:s26+$0x8100]  }
0xa1: {  	v14 =	vld [tilespmem:s26+$0x110];
	[tilespmem:s24+$0x540] =	vst v8;
	v8 =	vadd.f32 v11, v9;
	v9 =	vmul.f32 v11, v11;
	v11 =	vsub.f32 v13, v12  }
0xa2: {  	v6 =	vadd.f32 v10, v6;
	v13 =	vld [tilespmem:s26+$0x8110]  }
0xa3: {  	v10 =	vld [tilespmem:s26+$0x120];
	[tilespmem:s24+$0x550] =	vst v8;
	v8 =	vadd.f32 v11, v12;
	v11 =	vmul.f32 v11, v11;
	v12 =	vsub.f32 v15, v7  }
0xa4: {  	v6 =	vadd.f32 v9, v6;
	v15 =	vld [tilespmem:s26+$0x8120]  }
0xa5: {  	v9 =	vsub.f32 v16, v17;
	v16 =	vld [tilespmem:s26+$0x130];
	[tilespmem:s24+$0x560] =	vst v8;
	v7 =	vadd.f32 v12, v7;
	v8 =	vmul.f32 v12, v12  }
0xa6: {  	v6 =	vadd.f32 v11, v6;
	v12 =	vld [tilespmem:s26+$0x8130]  }
0xa7: {  	v11 =	vadd.f32 v9, v17;
	v9 =	vmul.f32 v9, v9;
	v14 =	vsub.f32 v14, v13;
	v17 =	vld [tilespmem:s26+$0x140];
	[tilespmem:s24+$0x570] =	vst v7  }
0xa8: {  	v6 =	vadd.f32 v8, v6;
	v7 =	vld [tilespmem:s26+$0x8140]  }
0xa9: {  	[tilespmem:s26+$0x100] =	vst v11;
	v8 =	vadd.f32 v14, v13;
	v11 =	vmul.f32 v14, v14;
	v10 =	vsub.f32 v10, v15;
	v13 =	vld [tilespmem:s26+$0x150]  }
0xaa: {  	v6 =	vadd.f32 v9, v6;
	v9 =	vld [tilespmem:s26+$0x8150]  }
0xab: {  	[tilespmem:s26+$0x110] =	vst v8;
	v8 =	vadd.f32 v10, v15;
	v10 =	vmul.f32 v10, v10;
	v14 =	vsub.f32 v16, v12;
	v15 =	vld [tilespmem:s26+$0x160]  }
0xac: {  	v6 =	vadd.f32 v11, v6;
	v11 =	vld [tilespmem:s26+$0x8160]  }
0xad: {  	[tilespmem:s26+$0x120] =	vst v8;
	v8 =	vadd.f32 v14, v12;
	v12 =	vmul.f32 v14, v14;
	v14 =	vsub.f32 v17, v7;
	v16 =	vld [tilespmem:s26+$0x170]  }
0xae: {  	v6 =	vadd.f32 v10, v6;
	v10 =	vld [tilespmem:s26+$0x8170]  }
0xaf: {  	[tilespmem:s26+$0x130] =	vst v8;
	v7 =	vadd.f32 v14, v7;
	v8 =	vmul.f32 v14, v14;
	v14 =	vld [tilespmem:s26+$0x500]  }
0xb0: {  	v6 =	vadd.f32 v12, v6;
	v12 =	vsub.f32 v13, v9;
	v13 =	vld [tilespmem:s26+$0x8500]  }
0xb1: {  	v3 =	vadd.f32 v3, v4;
	[tilespmem:s26+$0x140] =	vst v7;
	v7 =	vsub.f32 v15, v11;
	v15 =	vld [tilespmem:s26+$0x510]  }
0xb2: {  	v4 =	vadd.f32 v8, v6;
	v6 =	vadd.f32 v12, v9;
	v8 =	vmul.f32 v12, v12;
	v9 =	vld [tilespmem:s26+$0x8510];
	[tilespmem:s24+$0x520] =	vst v5  }
0xb3: {  	v5 =	vadd.f32 v7, v11;
	v7 =	vmul.f32 v7, v7;
	v11 =	vsub.f32 v16, v10;
	v12 =	vld [tilespmem:s26+$0x520];
	[tilespmem:s24+$0x530] =	vst v3;
	s24 =	smov.u32 s26  }
0xb4: {  	v3 =	vadd.f32 v8, v4;
	[tilespmem:s24+$0x150] =	vst v6;
	v6 =	vld [tilespmem:s24+$0x8520]  }
0xb5: {  	[tilespmem:s24+$0x160] =	vst v5;
	v5 =	vadd.f32 v11, v10;
	v8 =	vmul.f32 v11, v11;
	v10 =	vsub.f32 v14, v13;
	v14 =	vld [tilespmem:s24+$0x530]  }
0xb6: {  	v3 =	vadd.f32 v7, v3;
	v4 =	vld [tilespmem:s24+$0x8530]  }
0xb7: {  	[tilespmem:s24+$0x170] =	vst v5;
	v5 =	vadd.f32 v10, v13;
	v7 =	vmul.f32 v10, v10;
	v11 =	vsub.f32 v15, v9;
	v10 =	vld [tilespmem:s24+$0x540]  }
.Ltmp0:
0xb8: {  	v3 =	vadd.f32 v8, v3;
	v8 =	vld [tilespmem:s24+$0x8540];
	(pc) =	sbr.rel @p0 .LBB2_2-.Ltmp0, $4  }
0xb9: {  	[tilespmem:s24+$0x500] =	vst v5;
	v5 =	vadd.f32 v11, v9;
	v15 =	vmul.f32 v11, v11;
	v12 =	vsub.f32 v12, v6;
	v11 =	vld [tilespmem:s24+$0x550]  }
0xba: {  	v7 =	vadd.f32 v7, v3;
	v9 =	vld [tilespmem:s24+$0x8550]  }
0xbb: {  	[tilespmem:s24+$0x510] =	vst v5;
	v5 =	vadd.f32 v12, v6;
	v6 =	vmul.f32 v12, v12;
	v3 =	vsub.f32 v14, v4;
	v13 =	vld [tilespmem:s24+$0x560]  }
0xbc: {  	s8 =	sadd.s32 $0x80, s8;
	s25 =	smov.u32 s28;
	v7 =	vadd.f32 v15, v7;
	v12 =	vld [tilespmem:s24+$0x8560]  }
0xbd: {  	v14 =	vld [tilespmem:s24+$0x570]  }
0xbe: {  	v15 =	vld [tilespmem:s24+$0x8570];
	_ =	sdelay $0x1  }
0xbf: {  	v10 =	vsub.f32 v10, v8  }
0xc0: {  	v4 =	vadd.f32 v3, v4;
	v11 =	vsub.f32 v11, v9  }
0xc1: {  	[tilespmem:s24+$0x520] =	vst v5;
	v8 =	vadd.f32 v10, v8;
	v13 =	vsub.f32 v13, v12  }
0xc2: {  	[tilespmem:s24+$0x530] =	vst v4;
	v9 =	vadd.f32 v11, v9;
	v14 =	vsub.f32 v14, v15  }
0xc3: {  	[tilespmem:s24+$0x540] =	vst v8;
	v8 =	vadd.f32 v13, v12  }
0xc4: {  	[tilespmem:s24+$0x550] =	vst v9;
	v9 =	vadd.f32 v14, v15  }
0xc5: {  	[tilespmem:s24+$0x560] =	vst v8  }
0xc6: {  	s8 =	simm.s32 $0x0;
	s9 =	rddreg [dreg:$0x8];
	[tilespmem:s24+$0x570] =	vst v9  }
0xc7: {  	[hbm4b:s9+s8] =	stream.linear.scatter [tilespmem:s19], [sflag:$0x3], $0x4000, $0x38;
	[tilespmem:$0x10180] =	vst v63  }
0xc8: {  	_ =	swait.ge [sflag:s18], $0x4000  }
0xc9: {  	[sflag:s18] =	ssyncset.done $0x0  }
0xca: {  	[sflag:s18] =	ssyncadd.s32 $0xFFFFC000  }
0xcb: {  	_ =	swait.ge [sflag:s29], $0x4000  }
0xcc: {  	[sflag:s29] =	ssyncset.done $0x0  }
0xcd: {  	[sflag:s29] =	ssyncadd.s32 $0xFFFFC000  }
0xce: {  	_ =	swait.ge [sflag:s30], $0x4000  }
0xcf: {  	[sflag:s30] =	ssyncset.done $0x0  }
0xd0: {  	s26 =	rddreg [dreg:$0x9];
	[sflag:s30] =	ssyncadd.s32 $0xFFFFC000  }
0xd1: {  	[tilespmem:s8], [sflag:$0x3] =	stream.linear.gather [hbm4b:s26+s8], $0x40, $0x38;
	[tilespmem:$0x10180] =	vst v63  }
0xd2: {  	_ =	swait.ge [sflag:s18], $0x40  }
0xd3: {  	[sflag:s18] =	ssyncset.done $0x0  }
0xd4: {  	[sflag:s18] =	ssyncadd.s32 $0xFFFFFFC0  }
0xd5: {  	v4 =	vld [tilespmem:$0x0];
	_ =	sdelay $0x4  }
0xd6: {  	v5 =	vshll.u32 v4, $0x1  }
0xd7: {  	v4 =	vand.u32 $0x7, v4;
	v5 =	vand.u32 $0xFFFFFFF0, v5  }
0xd8: {  	v4 =	vor.u32 v4, v5  }
0xd9: {  	v5 =	vperm.xlane v4, v0;
	_ =	sdelay $0x1  }
0xda: {  	v4 =	vperm.xlane v4, v2;
	v5 =	vadd.s32 v1, v5;
	_ =	sdelay $0x1  }
0xdb: {  	v4 =	vadd.s32 v1, v4;
	_ =	sdelay $0x2  }
0xdc: {  	[tilespmem:s19], [sflag:$0x1] =	stream.indirect_vreg.gather [hbm4b:s1+s8], $0x80, v5, vm0, $0xb8;
	[tilespmem:$0x10180] =	vst v63  }
0xdd: {  	s24 =	simm.s32 $0x900  }
0xde: {  	[tilespmem:s24], [sflag:$0x1] =	stream.indirect_vreg.gather [hbm4b:s1+s8], $0x80, v4, vm0, $0xb8;
	[tilespmem:$0x10180] =	vst v63  }
0xdf: {  	v4 =	vld [tilespmem:$0x10];
	_ =	sdelay $0x4  }
0xe0: {  	v5 =	vshll.u32 v4, $0x1  }
0xe1: {  	v4 =	vand.u32 $0x7, v4;
	v5 =	vand.u32 $0xFFFFFFF0, v5  }
0xe2: {  	v4 =	vor.u32 v4, v5  }
0xe3: {  	v5 =	vperm.xlane v4, v0;
	_ =	sdelay $0x1  }
0xe4: {  	v4 =	vperm.xlane v4, v2;
	v5 =	vadd.s32 v1, v5;
	_ =	sdelay $0x1  }
0xe5: {  	v4 =	vadd.s32 v1, v4;
	_ =	sdelay $0x1  }
0xe6: {  	s25 =	simm.s32 $0x1100  }
0xe7: {  	[tilespmem:s25], [sflag:$0x1] =	stream.indirect_vreg.gather [hbm4b:s1+s8], $0x80, v5, vm0, $0xb8;
	[tilespmem:$0x10180] =	vst v63  }
0xe8: {  	s26 =	simm.s32 $0x1900  }
0xe9: {  	[tilespmem:s26], [sflag:$0x1] =	stream.indirect_vreg.gather [hbm4b:s1+s8], $0x80, v4, vm0, $0xb8;
	[tilespmem:$0x10180] =	vst v63  }
0xea: {  	v4 =	vld [tilespmem:$0x20];
	_ =	sdelay $0x4  }
0xeb: {  	v5 =	vshll.u32 v4, $0x1  }
0xec: {  	v4 =	vand.u32 $0x7, v4;
	v5 =	vand.u32 $0xFFFFFFF0, v5  }
0xed: {  	v4 =	vor.u32 v4, v5  }
0xee: {  	v5 =	vperm.xlane v4, v0;
	_ =	sdelay $0x1  }
0xef: {  	v4 =	vperm.xlane v4, v2;
	v5 =	vadd.s32 v1, v5;
	_ =	sdelay $0x1  }
0xf0: {  	v4 =	vadd.s32 v1, v4;
	_ =	sdelay $0x1  }
0xf1: {  	s24 =	simm.s32 $0x2100  }
0xf2: {  	[tilespmem:s24], [sflag:$0x1] =	stream.indirect_vreg.gather [hbm4b:s1+s8], $0x80, v5, vm0, $0xb8;
	[tilespmem:$0x10180] =	vst v63  }
0xf3: {  	s25 =	simm.s32 $0x2900  }
0xf4: {  	[tilespmem:s25], [sflag:$0x1] =	stream.indirect_vreg.gather [hbm4b:s1+s8], $0x80, v4, vm0, $0xb8;
	[tilespmem:$0x10180] =	vst v63  }
0xf5: {  	v4 =	vld [tilespmem:$0x30];
	_ =	sdelay $0x4  }
0xf6: {  	v5 =	vshll.u32 v4, $0x1  }
0xf7: {  	v4 =	vand.u32 $0x7, v4;
	v5 =	vand.u32 $0xFFFFFFF0, v5  }
0xf8: {  	v4 =	vor.u32 v4, v5  }
0xf9: {  	v5 =	vperm.xlane v4, v0;
	_ =	sdelay $0x1  }
0xfa: {  	v4 =	vperm.xlane v4, v2;
	v5 =	vadd.s32 v1, v5;
	_ =	sdelay $0x1  }
0xfb: {  	v4 =	vadd.s32 v1, v4;
	_ =	sdelay $0x1  }
0xfc: {  	s26 =	simm.s32 $0x3100  }
0xfd: {  	[tilespmem:s26], [sflag:$0x1] =	stream.indirect_vreg.gather [hbm4b:s1+s8], $0x80, v5, vm0, $0xb8;
	[tilespmem:$0x10180] =	vst v63  }
0xfe: {  	s24 =	simm.s32 $0x3900  }
0xff: {  	[tilespmem:s24], [sflag:$0x1] =	stream.indirect_vreg.gather [hbm4b:s1+s8], $0x80, v4, vm0, $0xb8;
	[tilespmem:$0x10180] =	vst v63  }
0x100: {  	s25 =	simm.s32 $0x8100  }
0x101: {  	[tilespmem:s25], [sflag:$0x2] =	stream.linear.gather [hbm4b:s10+s8], $0x4000, $0x38;
	[tilespmem:$0x10180] =	vst v63  }
0x102: {  	s26 =	sand.u32 $0x3800, s8;
	s8 =	sand.u32 $0x380, s8  }
0x103: {  	v3 =	vmul.f32 v3, v3;
	v4 =	vadd.f32 v6, v7;
	s24 =	sor.u32 s8, s26  }
0x104: {  	v5 =	vld [tilespmem:s24+$0x4100]  }
0x105: {  	v6 =	vmul.f32 v10, v10;
	v3 =	vadd.f32 v3, v4;
	v4 =	vld [tilespmem:s24+$0xC100]  }
0x106: {  	v7 =	vld [tilespmem:s24+$0x4110]  }
0x107: {  	v8 =	vmul.f32 v11, v11;
	v3 =	vadd.f32 v6, v3;
	v6 =	vld [tilespmem:s24+$0xC110]  }
0x108: {  	v9 =	vld [tilespmem:s24+$0x4120]  }
0x109: {  	v10 =	vmul.f32 v13, v13;
	v3 =	vadd.f32 v8, v3;
	v8 =	vld [tilespmem:s24+$0xC120]  }
0x10a: {  	v11 =	vld [tilespmem:s24+$0x4130];
	v5 =	vsub.f32 v5, v4  }
0x10b: {  	v12 =	vmul.f32 v14, v14;
	v3 =	vadd.f32 v10, v3;
	v10 =	vld [tilespmem:s24+$0xC130]  }
0x10c: {  	v13 =	vld [tilespmem:s24+$0x4140];
	v7 =	vsub.f32 v7, v6;
	v4 =	vadd.f32 v5, v4  }
0x10d: {  	v3 =	vadd.f32 v12, v3;
	v12 =	vld [tilespmem:s24+$0xC140];
	v5 =	vmul.f32 v5, v5  }
0x10e: {  	[tilespmem:s24+$0x4100] =	vst v4;
	v4 =	vadd.f32 v7, v6;
	v6 =	vsub.f32 v9, v8;
	v9 =	vld [tilespmem:s24+$0x4150]  }
0x10f: {  	v7 =	vmul.f32 v7, v7;
	v3 =	vadd.f32 v5, v3;
	v5 =	vld [tilespmem:s24+$0xC150]  }
0x110: {  	[tilespmem:s24+$0x4110] =	vst v4;
	v4 =	vadd.f32 v6, v8;
	v8 =	vsub.f32 v11, v10;
	v11 =	vld [tilespmem:s24+$0x4160]  }
0x111: {  	v6 =	vmul.f32 v6, v6;
	v3 =	vadd.f32 v7, v3;
	v7 =	vld [tilespmem:s24+$0xC160]  }
0x112: {  	[tilespmem:s24+$0x4120] =	vst v4;
	v4 =	vadd.f32 v8, v10;
	v10 =	vsub.f32 v13, v12;
	v13 =	vld [tilespmem:s24+$0x4170]  }
0x113: {  	v8 =	vmul.f32 v8, v8;
	v3 =	vadd.f32 v6, v3;
	v6 =	vld [tilespmem:s24+$0xC170]  }
0x114: {  	[tilespmem:s24+$0x4130] =	vst v4;
	v4 =	vadd.f32 v10, v12;
	v12 =	vld [tilespmem:s24+$0x4500]  }
0x115: {  	v9 =	vsub.f32 v9, v5;
	v10 =	vmul.f32 v10, v10;
	v3 =	vadd.f32 v8, v3;
	v8 =	vld [tilespmem:s24+$0xC500]  }
0x116: {  	v14 =	vld [tilespmem:s24+$0xC510];
	[tilespmem:s24+$0x4140] =	vst v4;
	v4 =	vsub.f32 v11, v7  }
0x117: {  	v5 =	vadd.f32 v9, v5;
	v9 =	vmul.f32 v9, v9;
	v11 =	vld [tilespmem:s24+$0x4510];
	v3 =	vadd.f32 v10, v3  }
0x118: {  	v10 =	vsub.f32 v13, v6;
	v13 =	vld [tilespmem:s24+$0x4520];
	v7 =	vadd.f32 v4, v7  }
0x119: {  	[tilespmem:s24+$0x4150] =	vst v5;
	v5 =	vld [tilespmem:s24+$0xC520];
	v4 =	vmul.f32 v4, v4;
	v3 =	vadd.f32 v9, v3  }
0x11a: {  	v6 =	vadd.f32 v10, v6;
	[tilespmem:s24+$0x4160] =	vst v7;
	v7 =	vsub.f32 v12, v8;
	v12 =	vld [tilespmem:s24+$0x4530]  }
0x11b: {  	v9 =	vmul.f32 v10, v10;
	v3 =	vadd.f32 v4, v3;
	v4 =	vld [tilespmem:s24+$0xC530]  }
0x11c: {  	v10 =	vld [tilespmem:s24+$0x4540];
	[tilespmem:s24+$0x4170] =	vst v6;
	v15 =	vsub.f32 v11, v14;
	v6 =	vadd.f32 v7, v8  }
0x11d: {  	v11 =	vld [tilespmem:s24+$0x4550];
	v7 =	vmul.f32 v7, v7;
	v3 =	vadd.f32 v9, v3  }
0x11e: {  	v8 =	vld [tilespmem:s24+$0xC540];
	[tilespmem:s24+$0x4500] =	vst v6;
	v6 =	vadd.f32 v15, v14  }
0x11f: {  	v9 =	vld [tilespmem:s24+$0xC550];
	v14 =	vsub.f32 v13, v5;
	v15 =	vmul.f32 v15, v15;
	v7 =	vadd.f32 v7, v3  }
0x120: {  	v13 =	vld [tilespmem:s24+$0x4560];
	v3 =	vsub.f32 v12, v4  }
0x121: {  	s28 =	simm.s32 $0x100;
	s8 =	simm.s32 $0x80;
	v12 =	vld [tilespmem:s24+$0xC560];
	[tilespmem:s24+$0x4510] =	vst v6;
	v5 =	vadd.f32 v14, v5;
	v6 =	vmul.f32 v14, v14;
	v7 =	vadd.f32 v15, v7  }
.LBB2_4:
0x122: {  	s25 =	smov.u32 s28  }
0x123: {  	s9 =	sand.u32 $0x3800, s28;
	s26 =	sand.u32 $0x380, s8;
	v14 =	vmul.f32 v3, v3;
	v10 =	vsub.f32 v10, v8;
	v15 =	vld [tilespmem:s24+$0x4570];
	s25 =	sadd.s32 $0x100, s28  }
0x124: {  	p0 =	sne.s32 s28, $0x3F00;
	s26 =	sor.u32 s26, s9;
	v6 =	vadd.f32 v6, v7;
	v7 =	vld [tilespmem:s24+$0xC570]  }
0x125: {  	v8 =	vadd.f32 v10, v8;
	v10 =	vmul.f32 v10, v10;
	v11 =	vsub.f32 v11, v9;
	v16 =	vld [tilespmem:s26+$0x4100]  }
0x126: {  	v6 =	vadd.f32 v14, v6;
	v17 =	vld [tilespmem:s26+$0xC100]  }
0x127: {  	v14 =	vld [tilespmem:s26+$0x4110];
	[tilespmem:s24+$0x4540] =	vst v8;
	v8 =	vadd.f32 v11, v9;
	v9 =	vmul.f32 v11, v11;
	v11 =	vsub.f32 v13, v12  }
0x128: {  	v6 =	vadd.f32 v10, v6;
	v13 =	vld [tilespmem:s26+$0xC110]  }
0x129: {  	v10 =	vld [tilespmem:s26+$0x4120];
	[tilespmem:s24+$0x4550] =	vst v8;
	v8 =	vadd.f32 v11, v12;
	v11 =	vmul.f32 v11, v11;
	v12 =	vsub.f32 v15, v7  }
0x12a: {  	v6 =	vadd.f32 v9, v6;
	v15 =	vld [tilespmem:s26+$0xC120]  }
0x12b: {  	v9 =	vsub.f32 v16, v17;
	v16 =	vld [tilespmem:s26+$0x4130];
	[tilespmem:s24+$0x4560] =	vst v8;
	v7 =	vadd.f32 v12, v7;
	v8 =	vmul.f32 v12, v12  }
0x12c: {  	v6 =	vadd.f32 v11, v6;
	v12 =	vld [tilespmem:s26+$0xC130]  }
0x12d: {  	v11 =	vadd.f32 v9, v17;
	v9 =	vmul.f32 v9, v9;
	v14 =	vsub.f32 v14, v13;
	v17 =	vld [tilespmem:s26+$0x4140];
	[tilespmem:s24+$0x4570] =	vst v7  }
0x12e: {  	v6 =	vadd.f32 v8, v6;
	v7 =	vld [tilespmem:s26+$0xC140]  }
0x12f: {  	[tilespmem:s26+$0x4100] =	vst v11;
	v8 =	vadd.f32 v14, v13;
	v11 =	vmul.f32 v14, v14;
	v10 =	vsub.f32 v10, v15;
	v13 =	vld [tilespmem:s26+$0x4150]  }
0x130: {  	v6 =	vadd.f32 v9, v6;
	v9 =	vld [tilespmem:s26+$0xC150]  }
0x131: {  	[tilespmem:s26+$0x4110] =	vst v8;
	v8 =	vadd.f32 v10, v15;
	v10 =	vmul.f32 v10, v10;
	v14 =	vsub.f32 v16, v12;
	v15 =	vld [tilespmem:s26+$0x4160]  }
0x132: {  	v6 =	vadd.f32 v11, v6;
	v11 =	vld [tilespmem:s26+$0xC160]  }
0x133: {  	[tilespmem:s26+$0x4120] =	vst v8;
	v8 =	vadd.f32 v14, v12;
	v12 =	vmul.f32 v14, v14;
	v14 =	vsub.f32 v17, v7;
	v16 =	vld [tilespmem:s26+$0x4170]  }
0x134: {  	v6 =	vadd.f32 v10, v6;
	v10 =	vld [tilespmem:s26+$0xC170]  }
0x135: {  	[tilespmem:s26+$0x4130] =	vst v8;
	v7 =	vadd.f32 v14, v7;
	v8 =	vmul.f32 v14, v14;
	v14 =	vld [tilespmem:s26+$0x4500]  }
0x136: {  	v6 =	vadd.f32 v12, v6;
	v12 =	vsub.f32 v13, v9;
	v13 =	vld [tilespmem:s26+$0xC500]  }
0x137: {  	v3 =	vadd.f32 v3, v4;
	[tilespmem:s26+$0x4140] =	vst v7;
	v7 =	vsub.f32 v15, v11;
	v15 =	vld [tilespmem:s26+$0x4510]  }
0x138: {  	v4 =	vadd.f32 v8, v6;
	v6 =	vadd.f32 v12, v9;
	v8 =	vmul.f32 v12, v12;
	v9 =	vld [tilespmem:s26+$0xC510];
	[tilespmem:s24+$0x4520] =	vst v5  }
0x139: {  	v5 =	vadd.f32 v7, v11;
	v7 =	vmul.f32 v7, v7;
	v11 =	vsub.f32 v16, v10;
	v12 =	vld [tilespmem:s26+$0x4520];
	[tilespmem:s24+$0x4530] =	vst v3;
	s24 =	smov.u32 s26  }
0x13a: {  	v3 =	vadd.f32 v8, v4;
	[tilespmem:s24+$0x4150] =	vst v6;
	v6 =	vld [tilespmem:s24+$0xC520]  }
0x13b: {  	[tilespmem:s24+$0x4160] =	vst v5;
	v5 =	vadd.f32 v11, v10;
	v8 =	vmul.f32 v11, v11;
	v10 =	vsub.f32 v14, v13;
	v14 =	vld [tilespmem:s24+$0x4530]  }
0x13c: {  	v3 =	vadd.f32 v7, v3;
	v4 =	vld [tilespmem:s24+$0xC530]  }
0x13d: {  	[tilespmem:s24+$0x4170] =	vst v5;
	v5 =	vadd.f32 v10, v13;
	v7 =	vmul.f32 v10, v10;
	v11 =	vsub.f32 v15, v9;
	v10 =	vld [tilespmem:s24+$0x4540]  }
.Ltmp1:
0x13e: {  	v3 =	vadd.f32 v8, v3;
	v8 =	vld [tilespmem:s24+$0xC540];
	(pc) =	sbr.rel @p0 .LBB2_4-.Ltmp1, $4  }
0x13f: {  	[tilespmem:s24+$0x4500] =	vst v5;
	v5 =	vadd.f32 v11, v9;
	v15 =	vmul.f32 v11, v11;
	v12 =	vsub.f32 v12, v6;
	v11 =	vld [tilespmem:s24+$0x4550]  }
0x140: {  	v7 =	vadd.f32 v7, v3;
	v9 =	vld [tilespmem:s24+$0xC550]  }
0x141: {  	[tilespmem:s24+$0x4510] =	vst v5;
	v5 =	vadd.f32 v12, v6;
	v6 =	vmul.f32 v12, v12;
	v3 =	vsub.f32 v14, v4;
	v13 =	vld [tilespmem:s24+$0x4560]  }
0x142: {  	s8 =	sadd.s32 $0x80, s8;
	s28 =	smov.u32 s25;
	v7 =	vadd.f32 v15, v7;
	v12 =	vld [tilespmem:s24+$0xC560]  }
0x143: {  	v14 =	vld [tilespmem:s24+$0x4570]  }
0x144: {  	v15 =	vld [tilespmem:s24+$0xC570];
	_ =	sdelay $0x1  }
0x145: {  	v10 =	vsub.f32 v10, v8  }
0x146: {  	v4 =	vadd.f32 v3, v4;
	v11 =	vsub.f32 v11, v9  }
0x147: {  	[tilespmem:s24+$0x4520] =	vst v5;
	v8 =	vadd.f32 v10, v8;
	v13 =	vsub.f32 v13, v12  }
0x148: {  	[tilespmem:s24+$0x4530] =	vst v4;
	v9 =	vadd.f32 v11, v9;
	v14 =	vsub.f32 v14, v15  }
0x149: {  	[tilespmem:s24+$0x4540] =	vst v8;
	v8 =	vadd.f32 v13, v12  }
0x14a: {  	[tilespmem:s24+$0x4550] =	vst v9;
	v9 =	vadd.f32 v14, v15  }
0x14b: {  	[tilespmem:s24+$0x4560] =	vst v8  }
0x14c: {  	s8 =	simm.s32 $0x0;
	[tilespmem:s24+$0x4570] =	vst v9  }
0x14d: {  	[hbm4b:s11+s8] =	stream.linear.scatter [tilespmem:s0], [sflag:$0x3], $0x4000, $0x38;
	[tilespmem:$0x10180] =	vst v63  }
0x14e: {  	_ =	swait.ge [sflag:s18], $0x4000  }
0x14f: {  	[sflag:s18] =	ssyncset.done $0x0  }
0x150: {  	[sflag:s18] =	ssyncadd.s32 $0xFFFFC000  }
0x151: {  	_ =	swait.ge [sflag:s29], $0x4000  }
0x152: {  	[sflag:s29] =	ssyncset.done $0x0  }
0x153: {  	[sflag:s29] =	ssyncadd.s32 $0xFFFFC000  }
0x154: {  	_ =	swait.ge [sflag:s30], $0x4000  }
0x155: {  	[sflag:s30] =	ssyncset.done $0x0  }
0x156: {  	[sflag:s30] =	ssyncadd.s32 $0xFFFFC000  }
0x157: {  	[tilespmem:s31], [sflag:$0x3] =	stream.linear.gather [hbm4b:s12+s8], $0x40, $0x38;
	[tilespmem:$0x10180] =	vst v63  }
0x158: {  	_ =	swait.ge [sflag:s18], $0x40  }
0x159: {  	[sflag:s18] =	ssyncset.done $0x0  }
0x15a: {  	[sflag:s18] =	ssyncadd.s32 $0xFFFFFFC0  }
0x15b: {  	v4 =	vld [tilespmem:$0x80];
	_ =	sdelay $0x4  }
0x15c: {  	v5 =	vshll.u32 v4, $0x1  }
0x15d: {  	v4 =	vand.u32 $0x7, v4;
	v5 =	vand.u32 $0xFFFFFFF0, v5  }
0x15e: {  	v4 =	vor.u32 v4, v5  }
0x15f: {  	v5 =	vperm.xlane v4, v0;
	_ =	sdelay $0x1  }
0x160: {  	v4 =	vperm.xlane v4, v2;
	v5 =	vadd.s32 v1, v5;
	_ =	sdelay $0x1  }
0x161: {  	v4 =	vadd.s32 v1, v4;
	_ =	sdelay $0x2  }
0x162: {  	[tilespmem:s0], [sflag:$0x1] =	stream.indirect_vreg.gather [hbm4b:s1+s8], $0x80, v5, vm0, $0xb8;
	[tilespmem:$0x10180] =	vst v63  }
0x163: {  	_ = 	snop  }
0x164: {  	[tilespmem:s2], [sflag:$0x1] =	stream.indirect_vreg.gather [hbm4b:s1+s8], $0x80, v4, vm0, $0xb8;
	[tilespmem:$0x10180] =	vst v63  }
0x165: {  	v4 =	vld [tilespmem:$0x90];
	_ =	sdelay $0x4  }
0x166: {  	v5 =	vshll.u32 v4, $0x1  }
0x167: {  	v4 =	vand.u32 $0x7, v4;
	v5 =	vand.u32 $0xFFFFFFF0, v5  }
0x168: {  	v4 =	vor.u32 v4, v5  }
0x169: {  	v5 =	vperm.xlane v4, v0;
	_ =	sdelay $0x1  }
0x16a: {  	v4 =	vperm.xlane v4, v2;
	v5 =	vadd.s32 v1, v5;
	_ =	sdelay $0x1  }
0x16b: {  	v4 =	vadd.s32 v1, v4;
	_ =	sdelay $0x2  }
0x16c: {  	[tilespmem:s4], [sflag:$0x1] =	stream.indirect_vreg.gather [hbm4b:s1+s8], $0x80, v5, vm0, $0xb8;
	[tilespmem:$0x10180] =	vst v63  }
0x16d: {  	_ = 	snop  }
0x16e: {  	[tilespmem:s5], [sflag:$0x1] =	stream.indirect_vreg.gather [hbm4b:s1+s8], $0x80, v4, vm0, $0xb8;
	[tilespmem:$0x10180] =	vst v63  }
0x16f: {  	v4 =	vld [tilespmem:$0xA0];
	_ =	sdelay $0x4  }
0x170: {  	v5 =	vshll.u32 v4, $0x1  }
0x171: {  	v4 =	vand.u32 $0x7, v4;
	v5 =	vand.u32 $0xFFFFFFF0, v5  }
0x172: {  	v4 =	vor.u32 v4, v5  }
0x173: {  	v5 =	vperm.xlane v4, v0;
	_ =	sdelay $0x1  }
0x174: {  	v4 =	vperm.xlane v4, v2;
	v5 =	vadd.s32 v1, v5;
	_ =	sdelay $0x1  }
0x175: {  	v4 =	vadd.s32 v1, v4;
	_ =	sdelay $0x2  }
0x176: {  	[tilespmem:s20], [sflag:$0x1] =	stream.indirect_vreg.gather [hbm4b:s1+s8], $0x80, v5, vm0, $0xb8;
	[tilespmem:$0x10180] =	vst v63  }
0x177: {  	_ = 	snop  }
0x178: {  	[tilespmem:s21], [sflag:$0x1] =	stream.indirect_vreg.gather [hbm4b:s1+s8], $0x80, v4, vm0, $0xb8;
	[tilespmem:$0x10180] =	vst v63  }
0x179: {  	v4 =	vld [tilespmem:$0xB0];
	_ =	sdelay $0x4  }
0x17a: {  	v5 =	vshll.u32 v4, $0x1  }
0x17b: {  	v4 =	vand.u32 $0x7, v4;
	v5 =	vand.u32 $0xFFFFFFF0, v5  }
0x17c: {  	v4 =	vor.u32 v4, v5  }
0x17d: {  	v5 =	vperm.xlane v4, v0;
	_ =	sdelay $0x1  }
0x17e: {  	v4 =	vperm.xlane v4, v2;
	v5 =	vadd.s32 v1, v5;
	_ =	sdelay $0x1  }
0x17f: {  	v4 =	vadd.s32 v1, v4;
	_ =	sdelay $0x2  }
0x180: {  	[tilespmem:s6], [sflag:$0x1] =	stream.indirect_vreg.gather [hbm4b:s1+s8], $0x80, v5, vm0, $0xb8;
	[tilespmem:$0x10180] =	vst v63  }
0x181: {  	_ = 	snop  }
0x182: {  	[tilespmem:s22], [sflag:$0x1] =	stream.indirect_vreg.gather [hbm4b:s1+s8], $0x80, v4, vm0, $0xb8;
	[tilespmem:$0x10180] =	vst v63  }
0x183: {  	_ = 	snop  }
0x184: {  	[tilespmem:s7], [sflag:$0x2] =	stream.linear.gather [hbm4b:s13+s8], $0x4000, $0x38;
	[tilespmem:$0x10180] =	vst v63  }
0x185: {  	s9 =	sand.u32 $0x3800, s8;
	s8 =	sand.u32 $0x380, s8  }
0x186: {  	v3 =	vmul.f32 v3, v3;
	v4 =	vadd.f32 v6, v7;
	s24 =	sor.u32 s8, s9  }
0x187: {  	v5 =	vld [tilespmem:s24+$0x100]  }
0x188: {  	v6 =	vmul.f32 v10, v10;
	v3 =	vadd.f32 v3, v4;
	v4 =	vld [tilespmem:s24+$0x8100]  }
0x189: {  	v7 =	vld [tilespmem:s24+$0x110]  }
0x18a: {  	v8 =	vmul.f32 v11, v11;
	v3 =	vadd.f32 v6, v3;
	v6 =	vld [tilespmem:s24+$0x8110]  }
0x18b: {  	v9 =	vld [tilespmem:s24+$0x120]  }
0x18c: {  	v10 =	vmul.f32 v13, v13;
	v3 =	vadd.f32 v8, v3;
	v8 =	vld [tilespmem:s24+$0x8120]  }
0x18d: {  	v11 =	vld [tilespmem:s24+$0x130];
	v5 =	vsub.f32 v5, v4  }
0x18e: {  	v12 =	vmul.f32 v14, v14;
	v3 =	vadd.f32 v10, v3;
	v10 =	vld [tilespmem:s24+$0x8130]  }
0x18f: {  	v13 =	vld [tilespmem:s24+$0x140];
	v7 =	vsub.f32 v7, v6;
	v4 =	vadd.f32 v5, v4  }
0x190: {  	v3 =	vadd.f32 v12, v3;
	v12 =	vld [tilespmem:s24+$0x8140];
	v5 =	vmul.f32 v5, v5  }
0x191: {  	[tilespmem:s24+$0x100] =	vst v4;
	v4 =	vadd.f32 v7, v6;
	v6 =	vsub.f32 v9, v8;
	v9 =	vld [tilespmem:s24+$0x150]  }
0x192: {  	v7 =	vmul.f32 v7, v7;
	v3 =	vadd.f32 v5, v3;
	v5 =	vld [tilespmem:s24+$0x8150]  }
0x193: {  	[tilespmem:s24+$0x110] =	vst v4;
	v4 =	vadd.f32 v6, v8;
	v8 =	vsub.f32 v11, v10;
	v11 =	vld [tilespmem:s24+$0x160]  }
0x194: {  	v6 =	vmul.f32 v6, v6;
	v3 =	vadd.f32 v7, v3;
	v7 =	vld [tilespmem:s24+$0x8160]  }
0x195: {  	[tilespmem:s24+$0x120] =	vst v4;
	v4 =	vadd.f32 v8, v10;
	v10 =	vsub.f32 v13, v12;
	v13 =	vld [tilespmem:s24+$0x170]  }
0x196: {  	v8 =	vmul.f32 v8, v8;
	v3 =	vadd.f32 v6, v3;
	v6 =	vld [tilespmem:s24+$0x8170]  }
0x197: {  	[tilespmem:s24+$0x130] =	vst v4;
	v4 =	vadd.f32 v10, v12;
	v12 =	vld [tilespmem:s24+$0x500]  }
0x198: {  	v9 =	vsub.f32 v9, v5;
	v10 =	vmul.f32 v10, v10;
	v3 =	vadd.f32 v8, v3;
	v8 =	vld [tilespmem:s24+$0x8500]  }
0x199: {  	[tilespmem:s24+$0x140] =	vst v4;
	v4 =	vsub.f32 v11, v7;
	v11 =	vld [tilespmem:s24+$0x510]  }
0x19a: {  	v5 =	vadd.f32 v9, v5;
	v9 =	vmul.f32 v9, v9;
	v3 =	vadd.f32 v10, v3;
	v10 =	vld [tilespmem:s24+$0x8510]  }
0x19b: {  	v14 =	vld [tilespmem:s24+$0x520];
	v13 =	vsub.f32 v13, v6  }
0x19c: {  	[tilespmem:s24+$0x150] =	vst v5;
	v5 =	vld [tilespmem:s24+$0x8520];
	v7 =	vadd.f32 v4, v7;
	v4 =	vmul.f32 v4, v4;
	v3 =	vadd.f32 v9, v3  }
0x19d: {  	v9 =	vld [tilespmem:s24+$0x540];
	v6 =	vadd.f32 v13, v6  }
0x19e: {  	v13 =	vmul.f32 v13, v13;
	[tilespmem:s24+$0x160] =	vst v7;
	v7 =	vsub.f32 v12, v8;
	v12 =	vld [tilespmem:s24+$0x530];
	v4 =	vadd.f32 v4, v3  }
0x19f: {  	v3 =	vld [tilespmem:s24+$0x8530];
	v15 =	vsub.f32 v11, v10  }
0x1a0: {  	[tilespmem:s24+$0x170] =	vst v6;
	v6 =	vld [tilespmem:s24+$0x8540];
	v8 =	vadd.f32 v7, v8;
	v7 =	vmul.f32 v7, v7;
	v4 =	vadd.f32 v13, v4  }
0x1a1: {  	v11 =	vld [tilespmem:s24+$0x550];
	v14 =	vsub.f32 v14, v5  }
0x1a2: {  	v13 =	vld [tilespmem:s24+$0x560];
	v10 =	vadd.f32 v15, v10;
	v15 =	vmul.f32 v15, v15;
	v16 =	vadd.f32 v7, v4  }
0x1a3: {  	[tilespmem:s24+$0x500] =	vst v8;
	v8 =	vld [tilespmem:s24+$0x8550];
	v5 =	vadd.f32 v14, v5  }
0x1a4: {  	s28 =	simm.s32 $0x100;
	s8 =	simm.s32 $0x80;
	v7 =	vmul.f32 v14, v14;
	[tilespmem:s24+$0x510] =	vst v10;
	v4 =	vsub.f32 v12, v3;
	v12 =	vld [tilespmem:s24+$0x8560];
	v10 =	vadd.f32 v15, v16  }
.LBB2_6:
0x1a5: {  	s25 =	smov.u32 s28  }
0x1a6: {  	s9 =	sand.u32 $0x3800, s28;
	s26 =	sand.u32 $0x380, s8;
	v14 =	vmul.f32 v4, v4;
	v9 =	vsub.f32 v9, v6;
	v15 =	vld [tilespmem:s24+$0x570];
	s25 =	sadd.s32 $0x100, s28  }
0x1a7: {  	p0 =	sne.s32 s28, $0x3F00;
	s26 =	sor.u32 s26, s9;
	v7 =	vadd.f32 v7, v10;
	v10 =	vld [tilespmem:s24+$0x8570]  }
0x1a8: {  	v6 =	vadd.f32 v9, v6;
	v9 =	vmul.f32 v9, v9;
	v11 =	vsub.f32 v11, v8;
	v16 =	vld [tilespmem:s26+$0x100]  }
0x1a9: {  	v7 =	vadd.f32 v14, v7;
	v17 =	vld [tilespmem:s26+$0x8100]  }
0x1aa: {  	v14 =	vld [tilespmem:s26+$0x110];
	[tilespmem:s24+$0x540] =	vst v6;
	v6 =	vadd.f32 v11, v8;
	v8 =	vmul.f32 v11, v11;
	v11 =	vsub.f32 v13, v12  }
0x1ab: {  	v7 =	vadd.f32 v9, v7;
	v13 =	vld [tilespmem:s26+$0x8110]  }
0x1ac: {  	v9 =	vld [tilespmem:s26+$0x120];
	[tilespmem:s24+$0x550] =	vst v6;
	v6 =	vadd.f32 v11, v12;
	v11 =	vmul.f32 v11, v11;
	v12 =	vsub.f32 v15, v10  }
0x1ad: {  	v7 =	vadd.f32 v8, v7;
	v15 =	vld [tilespmem:s26+$0x8120]  }
0x1ae: {  	v8 =	vsub.f32 v16, v17;
	v16 =	vld [tilespmem:s26+$0x130];
	[tilespmem:s24+$0x560] =	vst v6;
	v6 =	vadd.f32 v12, v10;
	v10 =	vmul.f32 v12, v12  }
0x1af: {  	v7 =	vadd.f32 v11, v7;
	v12 =	vld [tilespmem:s26+$0x8130]  }
0x1b0: {  	v11 =	vadd.f32 v8, v17;
	v8 =	vmul.f32 v8, v8;
	v14 =	vsub.f32 v14, v13;
	v17 =	vld [tilespmem:s26+$0x140];
	[tilespmem:s24+$0x570] =	vst v6  }
0x1b1: {  	v7 =	vadd.f32 v10, v7;
	v6 =	vld [tilespmem:s26+$0x8140]  }
0x1b2: {  	[tilespmem:s26+$0x100] =	vst v11;
	v10 =	vadd.f32 v14, v13;
	v11 =	vmul.f32 v14, v14;
	v9 =	vsub.f32 v9, v15;
	v13 =	vld [tilespmem:s26+$0x150]  }
0x1b3: {  	v7 =	vadd.f32 v8, v7;
	v8 =	vld [tilespmem:s26+$0x8150]  }
0x1b4: {  	[tilespmem:s26+$0x110] =	vst v10;
	v10 =	vadd.f32 v9, v15;
	v9 =	vmul.f32 v9, v9;
	v14 =	vsub.f32 v16, v12;
	v15 =	vld [tilespmem:s26+$0x160]  }
0x1b5: {  	v7 =	vadd.f32 v11, v7;
	v11 =	vld [tilespmem:s26+$0x8160]  }
0x1b6: {  	[tilespmem:s26+$0x120] =	vst v10;
	v10 =	vadd.f32 v14, v12;
	v12 =	vmul.f32 v14, v14;
	v14 =	vsub.f32 v17, v6;
	v16 =	vld [tilespmem:s26+$0x170]  }
0x1b7: {  	v7 =	vadd.f32 v9, v7;
	v9 =	vld [tilespmem:s26+$0x8170]  }
0x1b8: {  	[tilespmem:s26+$0x130] =	vst v10;
	v6 =	vadd.f32 v14, v6;
	v10 =	vmul.f32 v14, v14;
	v14 =	vld [tilespmem:s26+$0x500]  }
0x1b9: {  	v7 =	vadd.f32 v12, v7;
	v12 =	vsub.f32 v13, v8;
	v13 =	vld [tilespmem:s26+$0x8500]  }
0x1ba: {  	v3 =	vadd.f32 v4, v3;
	[tilespmem:s26+$0x140] =	vst v6;
	v6 =	vsub.f32 v15, v11;
	v15 =	vld [tilespmem:s26+$0x510]  }
0x1bb: {  	v4 =	vadd.f32 v10, v7;
	v7 =	vadd.f32 v12, v8;
	v8 =	vmul.f32 v12, v12;
	v10 =	vld [tilespmem:s26+$0x8510];
	[tilespmem:s24+$0x520] =	vst v5  }
0x1bc: {  	v5 =	vadd.f32 v6, v11;
	v6 =	vmul.f32 v6, v6;
	v11 =	vsub.f32 v16, v9;
	v12 =	vld [tilespmem:s26+$0x520];
	[tilespmem:s24+$0x530] =	vst v3;
	s24 =	smov.u32 s26  }
0x1bd: {  	v3 =	vadd.f32 v8, v4;
	[tilespmem:s24+$0x150] =	vst v7;
	v4 =	vld [tilespmem:s24+$0x8520]  }
0x1be: {  	[tilespmem:s24+$0x160] =	vst v5;
	v5 =	vadd.f32 v11, v9;
	v7 =	vmul.f32 v11, v11;
	v8 =	vsub.f32 v14, v13;
	v14 =	vld [tilespmem:s24+$0x530]  }
0x1bf: {  	v6 =	vadd.f32 v6, v3;
	v3 =	vld [tilespmem:s24+$0x8530]  }
0x1c0: {  	[tilespmem:s24+$0x170] =	vst v5;
	v5 =	vadd.f32 v8, v13;
	v8 =	vmul.f32 v8, v8;
	v11 =	vsub.f32 v15, v10;
	v9 =	vld [tilespmem:s24+$0x540]  }
.Ltmp2:
0x1c1: {  	v7 =	vadd.f32 v7, v6;
	v6 =	vld [tilespmem:s24+$0x8540];
	(pc) =	sbr.rel @p0 .LBB2_6-.Ltmp2, $4  }
0x1c2: {  	[tilespmem:s24+$0x500] =	vst v5;
	v5 =	vadd.f32 v11, v10;
	v10 =	vmul.f32 v11, v11;
	v12 =	vsub.f32 v12, v4;
	v11 =	vld [tilespmem:s24+$0x550]  }
0x1c3: {  	v15 =	vadd.f32 v8, v7;
	v8 =	vld [tilespmem:s24+$0x8550]  }
0x1c4: {  	[tilespmem:s24+$0x510] =	vst v5;
	v5 =	vadd.f32 v12, v4;
	v7 =	vmul.f32 v12, v12;
	v4 =	vsub.f32 v14, v3;
	v13 =	vld [tilespmem:s24+$0x560]  }
0x1c5: {  	s8 =	sadd.s32 $0x80, s8;
	s28 =	smov.u32 s25;
	v10 =	vadd.f32 v10, v15;
	v12 =	vld [tilespmem:s24+$0x8560]  }
0x1c6: {  	v14 =	vld [tilespmem:s24+$0x570]  }
0x1c7: {  	v15 =	vld [tilespmem:s24+$0x8570];
	_ =	sdelay $0x1  }
0x1c8: {  	v9 =	vsub.f32 v9, v6  }
0x1c9: {  	v3 =	vadd.f32 v4, v3;
	v11 =	vsub.f32 v11, v8  }
0x1ca: {  	[tilespmem:s24+$0x520] =	vst v5;
	v6 =	vadd.f32 v9, v6;
	v13 =	vsub.f32 v13, v12  }
0x1cb: {  	[tilespmem:s24+$0x530] =	vst v3;
	v8 =	vadd.f32 v11, v8;
	v14 =	vsub.f32 v14, v15  }
0x1cc: {  	[tilespmem:s24+$0x540] =	vst v6;
	v6 =	vadd.f32 v13, v12  }
0x1cd: {  	[tilespmem:s24+$0x550] =	vst v8;
	v8 =	vadd.f32 v14, v15  }
0x1ce: {  	[tilespmem:s24+$0x560] =	vst v6  }
0x1cf: {  	s8 =	simm.s32 $0x0;
	[tilespmem:s24+$0x570] =	vst v8  }
0x1d0: {  	[hbm4b:s14+s8] =	stream.linear.scatter [tilespmem:s19], [sflag:$0x3], $0x4000, $0x38;
	[tilespmem:$0x10180] =	vst v63  }
0x1d1: {  	_ =	swait.ge [sflag:s18], $0x4000  }
0x1d2: {  	[sflag:s18] =	ssyncset.done $0x0  }
0x1d3: {  	[sflag:s18] =	ssyncadd.s32 $0xFFFFC000  }
0x1d4: {  	_ =	swait.ge [sflag:s29], $0x4000  }
0x1d5: {  	[sflag:s29] =	ssyncset.done $0x0  }
0x1d6: {  	[sflag:s29] =	ssyncadd.s32 $0xFFFFC000  }
0x1d7: {  	_ =	swait.ge [sflag:s30], $0x4000  }
0x1d8: {  	s9 =	sand.u32 $0x3800, s8;
	s8 =	sand.u32 $0x380, s8;
	[sflag:s30] =	ssyncset.done $0x0  }
0x1d9: {  	v3 =	vmul.f32 v4, v4;
	v4 =	vadd.f32 v7, v10;
	s24 =	sor.u32 s8, s9;
	[sflag:s30] =	ssyncadd.s32 $0xFFFFC000  }
0x1da: {  	v5 =	vld [tilespmem:s24+$0x4100]  }
0x1db: {  	v3 =	vadd.f32 v3, v4;
	v6 =	vmul.f32 v9, v9;
	v4 =	vld [tilespmem:s24+$0xC100]  }
0x1dc: {  	v7 =	vld [tilespmem:s24+$0x4110]  }
0x1dd: {  	v8 =	vmul.f32 v11, v11;
	v3 =	vadd.f32 v6, v3;
	v6 =	vld [tilespmem:s24+$0xC110]  }
0x1de: {  	v9 =	vld [tilespmem:s24+$0x4120]  }
0x1df: {  	v10 =	vmul.f32 v13, v13;
	v3 =	vadd.f32 v8, v3;
	v8 =	vld [tilespmem:s24+$0xC120]  }
0x1e0: {  	v11 =	vld [tilespmem:s24+$0x4130];
	v5 =	vsub.f32 v5, v4  }
0x1e1: {  	v12 =	vmul.f32 v14, v14;
	v3 =	vadd.f32 v10, v3;
	v10 =	vld [tilespmem:s24+$0xC130]  }
0x1e2: {  	v13 =	vld [tilespmem:s24+$0x4140];
	v7 =	vsub.f32 v7, v6;
	v4 =	vadd.f32 v5, v4  }
0x1e3: {  	v3 =	vadd.f32 v12, v3;
	v12 =	vld [tilespmem:s24+$0xC140];
	v5 =	vmul.f32 v5, v5  }
0x1e4: {  	[tilespmem:s24+$0x4100] =	vst v4;
	v4 =	vadd.f32 v7, v6;
	v6 =	vsub.f32 v9, v8;
	v9 =	vld [tilespmem:s24+$0x4150]  }
0x1e5: {  	v7 =	vmul.f32 v7, v7;
	v3 =	vadd.f32 v5, v3;
	v5 =	vld [tilespmem:s24+$0xC150]  }
0x1e6: {  	[tilespmem:s24+$0x4110] =	vst v4;
	v4 =	vadd.f32 v6, v8;
	v8 =	vsub.f32 v11, v10;
	v11 =	vld [tilespmem:s24+$0x4160]  }
0x1e7: {  	v6 =	vmul.f32 v6, v6;
	v3 =	vadd.f32 v7, v3;
	v7 =	vld [tilespmem:s24+$0xC160]  }
0x1e8: {  	[tilespmem:s24+$0x4120] =	vst v4;
	v4 =	vadd.f32 v8, v10;
	v10 =	vsub.f32 v13, v12;
	v13 =	vld [tilespmem:s24+$0x4170]  }
0x1e9: {  	v8 =	vmul.f32 v8, v8;
	v3 =	vadd.f32 v6, v3;
	v6 =	vld [tilespmem:s24+$0xC170]  }
0x1ea: {  	[tilespmem:s24+$0x4130] =	vst v4;
	v4 =	vadd.f32 v10, v12;
	v12 =	vld [tilespmem:s24+$0x4500]  }
0x1eb: {  	v9 =	vsub.f32 v9, v5;
	v10 =	vmul.f32 v10, v10;
	v3 =	vadd.f32 v8, v3;
	v8 =	vld [tilespmem:s24+$0xC500]  }
0x1ec: {  	[tilespmem:s24+$0x4140] =	vst v4;
	v4 =	vsub.f32 v11, v7;
	v11 =	vld [tilespmem:s24+$0x4510]  }
0x1ed: {  	v5 =	vadd.f32 v9, v5;
	v9 =	vmul.f32 v9, v9;
	v3 =	vadd.f32 v10, v3;
	v10 =	vld [tilespmem:s24+$0xC510]  }
0x1ee: {  	v14 =	vld [tilespmem:s24+$0x4520];
	v7 =	vadd.f32 v4, v7  }
0x1ef: {  	v13 =	vsub.f32 v13, v6;
	[tilespmem:s24+$0x4150] =	vst v5;
	v5 =	vld [tilespmem:s24+$0xC520];
	v4 =	vmul.f32 v4, v4;
	v3 =	vadd.f32 v9, v3  }
0x1f0: {  	v15 =	vld [tilespmem:s24+$0x4530];
	[tilespmem:s24+$0x4160] =	vst v7;
	v7 =	vsub.f32 v12, v8  }
0x1f1: {  	v9 =	vld [tilespmem:s24+$0x4540];
	v6 =	vadd.f32 v13, v6;
	v12 =	vmul.f32 v13, v13;
	v4 =	vadd.f32 v4, v3  }
0x1f2: {  	v3 =	vld [tilespmem:s24+$0xC530];
	v11 =	vsub.f32 v11, v10;
	v8 =	vadd.f32 v7, v8  }
0x1f3: {  	[tilespmem:s24+$0x4170] =	vst v6;
	v6 =	vld [tilespmem:s24+$0xC540];
	v7 =	vmul.f32 v7, v7;
	v4 =	vadd.f32 v12, v4  }
0x1f4: {  	v12 =	vsub.f32 v14, v5;
	[tilespmem:s24+$0x4500] =	vst v8;
	v8 =	vadd.f32 v11, v10;
	v10 =	vld [tilespmem:s24+$0x4550]  }
0x1f5: {  	v13 =	vmul.f32 v11, v11;
	v14 =	vadd.f32 v7, v4;
	v7 =	vld [tilespmem:s24+$0xC550]  }
0x1f6: {  	v4 =	vadd.f32 v12, v5;
	v11 =	vld [tilespmem:s24+$0x4560]  }
0x1f7: {  	s28 =	simm.s32 $0x100;
	s8 =	simm.s32 $0x80;
	v12 =	vmul.f32 v12, v12;
	v5 =	vsub.f32 v15, v3;
	[tilespmem:s24+$0x4510] =	vst v8;
	v13 =	vadd.f32 v13, v14;
	v8 =	vld [tilespmem:s24+$0xC560]  }
.LBB2_8:
0x1f8: {  	s25 =	smov.u32 s28  }
0x1f9: {  	s9 =	sand.u32 $0x3800, s28;
	s26 =	sand.u32 $0x380, s8;
	v14 =	vmul.f32 v5, v5;
	v9 =	vsub.f32 v9, v6;
	v15 =	vld [tilespmem:s24+$0x4570];
	s25 =	sadd.s32 $0x100, s28  }
0x1fa: {  	p0 =	sne.s32 s28, $0x3F00;
	s26 =	sor.u32 s26, s9;
	v12 =	vadd.f32 v12, v13;
	v13 =	vld [tilespmem:s24+$0xC570]  }
0x1fb: {  	v6 =	vadd.f32 v9, v6;
	v9 =	vmul.f32 v9, v9;
	v10 =	vsub.f32 v10, v7;
	v16 =	vld [tilespmem:s26+$0x4100]  }
0x1fc: {  	v12 =	vadd.f32 v14, v12;
	v17 =	vld [tilespmem:s26+$0xC100]  }
0x1fd: {  	v14 =	vld [tilespmem:s26+$0x4110];
	[tilespmem:s24+$0x4540] =	vst v6;
	v6 =	vadd.f32 v10, v7;
	v7 =	vmul.f32 v10, v10;
	v10 =	vsub.f32 v11, v8  }
0x1fe: {  	v9 =	vadd.f32 v9, v12;
	v11 =	vld [tilespmem:s26+$0xC110]  }
0x1ff: {  	v12 =	vld [tilespmem:s26+$0x4120];
	[tilespmem:s24+$0x4550] =	vst v6;
	v6 =	vadd.f32 v10, v8;
	v8 =	vmul.f32 v10, v10;
	v10 =	vsub.f32 v15, v13  }
0x200: {  	v7 =	vadd.f32 v7, v9;
	v15 =	vld [tilespmem:s26+$0xC120]  }
0x201: {  	v9 =	vsub.f32 v16, v17;
	v16 =	vld [tilespmem:s26+$0x4130];
	[tilespmem:s24+$0x4560] =	vst v6;
	v6 =	vadd.f32 v10, v13;
	v10 =	vmul.f32 v10, v10  }
0x202: {  	v7 =	vadd.f32 v8, v7;
	v13 =	vld [tilespmem:s26+$0xC130]  }
0x203: {  	v8 =	vadd.f32 v9, v17;
	v9 =	vmul.f32 v9, v9;
	v14 =	vsub.f32 v14, v11;
	v17 =	vld [tilespmem:s26+$0x4140];
	[tilespmem:s24+$0x4570] =	vst v6  }
0x204: {  	v7 =	vadd.f32 v10, v7;
	v6 =	vld [tilespmem:s26+$0xC140]  }
0x205: {  	[tilespmem:s26+$0x4100] =	vst v8;
	v8 =	vadd.f32 v14, v11;
	v10 =	vmul.f32 v14, v14;
	v11 =	vsub.f32 v12, v15;
	v12 =	vld [tilespmem:s26+$0x4150]  }
0x206: {  	v7 =	vadd.f32 v9, v7;
	v9 =	vld [tilespmem:s26+$0xC150]  }
0x207: {  	[tilespmem:s26+$0x4110] =	vst v8;
	v8 =	vadd.f32 v11, v15;
	v11 =	vmul.f32 v11, v11;
	v14 =	vsub.f32 v16, v13;
	v15 =	vld [tilespmem:s26+$0x4160]  }
0x208: {  	v7 =	vadd.f32 v10, v7;
	v10 =	vld [tilespmem:s26+$0xC160]  }
0x209: {  	[tilespmem:s26+$0x4120] =	vst v8;
	v8 =	vadd.f32 v14, v13;
	v13 =	vmul.f32 v14, v14;
	v14 =	vsub.f32 v17, v6;
	v16 =	vld [tilespmem:s26+$0x4170]  }
0x20a: {  	v7 =	vadd.f32 v11, v7;
	v11 =	vld [tilespmem:s26+$0xC170]  }
0x20b: {  	[tilespmem:s26+$0x4130] =	vst v8;
	v6 =	vadd.f32 v14, v6;
	v8 =	vmul.f32 v14, v14;
	v14 =	vld [tilespmem:s26+$0x4500]  }
0x20c: {  	v7 =	vadd.f32 v13, v7;
	v12 =	vsub.f32 v12, v9;
	v13 =	vld [tilespmem:s26+$0xC500]  }
0x20d: {  	v3 =	vadd.f32 v5, v3;
	[tilespmem:s26+$0x4140] =	vst v6;
	v6 =	vsub.f32 v15, v10;
	v15 =	vld [tilespmem:s26+$0x4510]  }
0x20e: {  	v5 =	vadd.f32 v8, v7;
	v7 =	vadd.f32 v12, v9;
	v8 =	vmul.f32 v12, v12;
	v12 =	vld [tilespmem:s26+$0xC510];
	[tilespmem:s24+$0x4520] =	vst v4  }
0x20f: {  	v4 =	vadd.f32 v6, v10;
	v6 =	vmul.f32 v6, v6;
	v9 =	vsub.f32 v16, v11;
	v10 =	vld [tilespmem:s26+$0x4520];
	[tilespmem:s24+$0x4530] =	vst v3;
	s24 =	smov.u32 s26  }
0x210: {  	v3 =	vadd.f32 v8, v5;
	[tilespmem:s24+$0x4150] =	vst v7;
	v5 =	vld [tilespmem:s24+$0xC520]  }
0x211: {  	[tilespmem:s24+$0x4160] =	vst v4;
	v4 =	vadd.f32 v9, v11;
	v7 =	vmul.f32 v9, v9;
	v8 =	vsub.f32 v14, v13;
	v11 =	vld [tilespmem:s24+$0x4530]  }
0x212: {  	v6 =	vadd.f32 v6, v3;
	v3 =	vld [tilespmem:s24+$0xC530]  }
0x213: {  	[tilespmem:s24+$0x4170] =	vst v4;
	v4 =	vadd.f32 v8, v13;
	v8 =	vmul.f32 v8, v8;
	v13 =	vsub.f32 v15, v12;
	v9 =	vld [tilespmem:s24+$0x4540]  }
.Ltmp3:
0x214: {  	v7 =	vadd.f32 v7, v6;
	v6 =	vld [tilespmem:s24+$0xC540];
	(pc) =	sbr.rel @p0 .LBB2_8-.Ltmp3, $4  }
0x215: {  	[tilespmem:s24+$0x4500] =	vst v4;
	v4 =	vadd.f32 v13, v12;
	v13 =	vmul.f32 v13, v13;
	v12 =	vsub.f32 v10, v5;
	v10 =	vld [tilespmem:s24+$0x4550]  }
0x216: {  	v8 =	vadd.f32 v8, v7;
	v7 =	vld [tilespmem:s24+$0xC550]  }
0x217: {  	[tilespmem:s24+$0x4510] =	vst v4;
	v4 =	vadd.f32 v12, v5;
	v12 =	vmul.f32 v12, v12;
	v5 =	vsub.f32 v11, v3;
	v11 =	vld [tilespmem:s24+$0x4560]  }
0x218: {  	s8 =	sadd.s32 $0x80, s8;
	s28 =	smov.u32 s25;
	v13 =	vadd.f32 v13, v8;
	v8 =	vld [tilespmem:s24+$0xC560]  }
0x219: {  	v14 =	vld [tilespmem:s24+$0x4570]  }
0x21a: {  	v15 =	vld [tilespmem:s24+$0xC570]  }
0x21b: {  	v9 =	vsub.f32 v9, v6  }
0x21c: {  	v57 =	vmul.f32 v5, v5;
	v3 =	vadd.f32 v5, v3;
	v12 =	vadd.f32 v12, v13  }
0x21d: {  	v10 =	vsub.f32 v10, v7;
	v6 =	vadd.f32 v9, v6  }
0x21e: {  	[tilespmem:s24+$0x4520] =	vst v4;
	v9 =	vmul.f32 v9, v9;
	v12 =	vadd.f32 v57, v12;
	v11 =	vsub.f32 v11, v8  }
0x21f: {  	[tilespmem:s24+$0x4530] =	vst v3;
	v7 =	vadd.f32 v10, v7;
	v14 =	vsub.f32 v14, v15  }
0x220: {  	[tilespmem:s24+$0x4540] =	vst v6;
	v60 =	vmul.f32 v10, v10;
	v9 =	vadd.f32 v9, v12;
	v58 =	vadd.f32 v11, v8  }
0x221: {  	[tilespmem:s24+$0x4550] =	vst v7;
	v59 =	vadd.f32 v14, v15  }
0x222: {  	v61 =	vmul.f32 v11, v11;
	v62 =	vadd.f32 v60, v9;
	[tilespmem:s24+$0x4560] =	vst v58  }
0x223: {  	[tilespmem:s24+$0x4570] =	vst v59  }
0x224: {  	v3 =	vmul.f32 v14, v14;
	v63 =	vadd.f32 v61, v62;
	[hbm4b:s15+s3] =	stream.linear.scatter [tilespmem:s0], [sflag:$0x3], $0x4000, $0x38;
	[tilespmem:$0x10180] =	vst v63  }
0x225: {  	_ =	swait.ge [sflag:s18], $0x4000  }
0x226: {  	s23 =	sadd.s32 $0x1, s23;
	v3 =	vadd.f32 v3, v63;
	[sflag:s18] =	ssyncset.done $0x0  }
0x227: {  	p0 =	sne.s32 s23, s17;
	[sflag:s18] =	ssyncadd.s32 $0xFFFFC000  }
.Ltmp4:
0x228: {  	s8 =	simm.s32 $0x10100;
	[tilespmem:$0x10100] =	vst v3;
	(pc) =	sbr.rel @p0 .LBB2_1-.Ltmp4, $4  }
0x229: {  	[hbm4b:s16+s3] =	stream.linear.scatter [tilespmem:s8], [sflag:$0x3], $0x80, $0x38;
	[tilespmem:$0x10180] =	vst v63  }
0x22a: {  	_ =	swait.ge [sflag:s18], $0x80  }
0x22b: {  	[sflag:s18] =	ssyncset.done $0x0  }
0x22c: {  	[sflag:s18] =	ssyncadd.s32 $0xFFFFFF80  }
0x22d: {  	_ =	sfence.sel $0x180000  }
0x22e: {  	[bflag:$0x0] =	sbarrier.arrive $0xFFFF  }
0x22f: {  	_ =	strace $0x90000047  }
0x230: {  	s0 =	stileid.u32;
	[bflag:$0x2] =	sbarrier.arrive $0xFFFF  }
0x231: {  	p0 =	sne.s32 s0, $0x0;
	s0 =	rddreg [dreg:$0x3]  }
0x232: {  	s0 =	sadd.s32 @!p0 $0x100000, s0  }
0x233: {  	[sflag:s0] =	ssyncadd.tile.s32 @!p0 $0x1;
	_ =	shalt  }
.Lfunc_end2:
_tile_overlayer_lowered:
.L_overlay_start_2:
0x234: {  	(tag) =	ssettag $0x2  }
0x235: {  	s0 =	rddreg [dreg:$0x0];
	s2 =	stileid.u32  }
0x236: {  	s1 =	rddreg [dreg:$0x1];
	p0 =	sne.s32 s2, $0x0  }
0x237: {  	s3 =	rddreg [dreg:$0x2];
	[bflag:$0x3] =	sbarrier.arrive $0xFFFF;
	s2 =	simm.s32 @!p0 $0x1C03  }
0x238: {  	[timem:s3], [sflag:s2] =	dma.local @!p0 [hbm:s0], s1  }
0x239: {  	s0 =	simm.s32 @!p0 $0x3  }
0x23a: {  	_ =	swait.ge @!p0 [sflag:s0], s1  }
0x23b: {  	s1 =	ssub.s32 @!p0 $0x0, s1;
	[sflag:s0] =	ssyncset.done @!p0 $0x0  }
0x23c: {  	[sflag:s0] =	ssyncadd.s32 @!p0 s1  }
0x23d: {  	[bflag:$0x3] =	sbarrier.arrive $0xFFFF  }
0x23e: {  	_ =	shalt  }

</sc_bundles>
